<compile_context>
chip_gen: v7x
topology: tpu7x:2x2x1
jax: 0.10.2.dev20260603
libtpu: 0.0.44.dev20260713+nightly
codegen_flags: <defaults>
</compile_context>

<pallas_src>
import functools

import jax
import jax.numpy as jnp
from jax import lax
from jax.experimental import pallas as pl
from jax.experimental.pallas import tpu as pltpu
from jax.experimental.pallas import tpu_sc as plsc

NGRAM_SIZE = 1000000
DIM = 32
B, L, G = 4096, 50, 6
NW = 32
BT = B // 128
LANES = 16


def _build_sc_call():
    info = plsc.get_sparse_core_info()
    nc = info.num_cores
    mesh = plsc.VectorSubcoreMesh(core_axis_name="c", subcore_axis_name="s")

    @functools.partial(
        pl.kernel,
        mesh=mesh,
        compiler_params=pltpu.CompilerParams(use_tc_tiling_on_sc=False,
                                             needs_layout_passes=False),
        out_type=jax.ShapeDtypeStruct((L, DIM // 8, BT, 1024), jnp.float32),
        scratch_types=[
            pltpu.VMEM((2, G, 128), jnp.int32),
            pltpu.VMEM((2, 128), jnp.int32),
            pltpu.VMEM((2, G * 128, DIM), jnp.float32),
            pltpu.VMEM((2, 128, DIM), jnp.float32),
            pltpu.VMEM((2, DIM * 128), jnp.float32),
            pltpu.SemaphoreType.DMA,
            pltpu.SemaphoreType.DMA,
            pltpu.SemaphoreType.DMA,
            pltpu.SemaphoreType.DMA,
        ],
    )
    def emb_bag(ngram_hbm, word_hbm, table_hbm, out_hbm,
                idxn_v, idxw_v, rown_v, roww_v, outb_v,
                semi0, semi1, semg0, semg1):
        wid = lax.axis_index("s") * nc + lax.axis_index("c")
        b0 = wid * 128
        semi = (semi0, semi1)
        semg = (semg0, semg1)
        inv = jnp.float32(1.0 / (G + 1))
        lane = lax.iota(jnp.int32, LANES)
        fbase_lo = ((lane >> 3) << 10) + ((lane & 7) << 7)
        fbase_hi = fbase_lo + 2048

        def fire_idx(l, p):
            pltpu.async_copy(ngram_hbm.at[:, l, pl.ds(b0, 128)],
                             idxn_v.at[p], semi[p])
            pltpu.async_copy(word_hbm.at[l, pl.ds(b0, 128)],
                             idxw_v.at[p], semi[p])

        def wait_idx(p):
            pltpu.make_async_copy(ngram_hbm.at[:, 0, pl.ds(0, 128)],
                                  idxn_v.at[p], semi[p]).wait()
            pltpu.make_async_copy(word_hbm.at[0, pl.ds(0, 128)],
                                  idxw_v.at[p], semi[p]).wait()

        def fire_gathers(p):
            for h in range(128 // LANES):
                sl = pl.ds(h * LANES, LANES)
                idxw_v[p, sl] = idxw_v[p, sl] + NGRAM_SIZE
            for j in range(G):
                pltpu.async_copy(
                    table_hbm.at[idxn_v.at[p].at[j]],
                    rown_v.at[p].at[pl.ds(j * 128, 128)], semg[p])
            pltpu.async_copy(table_hbm.at[idxw_v.at[p]], roww_v.at[p], semg[p])

        def wait_gathers(p):
            pltpu.make_async_copy(table_hbm.at[pl.ds(0, G * 128)],
                                  rown_v.at[p], semg[p]).wait()
            pltpu.make_async_copy(table_hbm.at[pl.ds(0, 128)],
                                  roww_v.at[p], semg[p]).wait()

        def compute_store(l, p):
            def bag_body(i2, acc):
                for u in range(2):
                    i = i2 * 2 + u
                    a0 = roww_v[p, i, pl.ds(0, LANES)]
                    a1 = roww_v[p, i, pl.ds(LANES, LANES)]
                    for g in range(G):
                        a0 = a0 + rown_v[p, g * 128 + i, pl.ds(0, LANES)]
                        a1 = a1 + rown_v[p, g * 128 + i, pl.ds(LANES, LANES)]
                    plsc.store_scatter(outb_v.at[p], [fbase_lo + i], a0 * inv)
                    plsc.store_scatter(outb_v.at[p], [fbase_hi + i], a1 * inv)
                return acc

            lax.fori_loop(0, 64, bag_body, 0)
            for dt in range(DIM // 8):
                pltpu.async_copy(outb_v.at[p].at[pl.ds(dt * 1024, 1024)],
                                 out_hbm.at[l, dt, wid], semg[p])
            for dt in range(DIM // 8):
                pltpu.make_async_copy(outb_v.at[p].at[pl.ds(0, 1024)],
                                      out_hbm.at[0, 0, 0], semg[p]).wait()

        fire_idx(0, 0)
        fire_idx(1, 1)
        wait_idx(0)
        fire_gathers(0)

        def pair_body(t, carry):
            for p in range(2):
                l = 2 * t + p
                wait_gathers(p)

                @pl.when(l + 2 < L)
                def _():
                    fire_idx(l + 2, p)

                @pl.when(l + 1 < L)
                def _():
                    wait_idx(1 - p)
                    fire_gathers(1 - p)

                compute_store(l, p)
            return carry

        lax.fori_loop(0, L // 2, pair_body, 0)

    return emb_bag


def kernel(word_ids, ngram_ids, W):
    ngram_t = jnp.transpose(ngram_ids.astype(jnp.int32), (2, 1, 0))
    word_t = jnp.transpose(word_ids.astype(jnp.int32), (1, 0))
    out4 = _build_sc_call()(ngram_t, word_t, W)
    out5 = out4.reshape(L, DIM // 8, BT, 8, 128)
    return jnp.transpose(out5, (2, 4, 0, 1, 3)).reshape(B, L, DIM)

# --- scband reference (transcript-rebuilt; emitter-appended) ---
"""Pipeline reference for scband-fast-text-model-41961830482601 (READ-ONLY COPY).

The authoritative reference and input builder live on the scoring server;
editing this copy changes nothing except your own understanding.
"""

import jax, jax.numpy as jnp
import numpy as np

NGRAM_SIZE = 1000000
VOCAB_SIZE = 100000
DIM = 32
NUM_EMB = VOCAB_SIZE + NGRAM_SIZE + 1
PAD = NUM_EMB - 1  # padding_idx=-1 resolves to the last row
B, L, G = 4096, 50, 6


def setup_inputs(seed: int = 0) -> dict:
    key = jax.random.key(seed)
    k1, k2, k3 = jax.random.split(key, 3)
    word_ids = jax.random.randint(k1, (B, L), 0, VOCAB_SIZE)
    ngram_ids = jax.random.randint(k2, (B, L, G), 0, NGRAM_SIZE)
    W = jax.random.normal(k3, (NUM_EMB, DIM), dtype=jnp.float32)
    return {"word_ids": word_ids, "ngram_ids": ngram_ids, "W": W}


def reference(word_ids, ngram_ids, W):
    # Each bag = G ngram ids followed by (word_id + ngram_size), as built by the
    # torch forward loop (offsets delimit contiguous bags of size G+1).
    bag = jnp.concatenate([ngram_ids, (word_ids + NGRAM_SIZE)[..., None]], axis=-1)  # [B, L, G+1]
    emb = jnp.take(W, bag, axis=0)  # gather -> [B, L, G+1, DIM]
    # EmbeddingBag(mode='mean', padding_idx=PAD): padding rows are excluded from the mean
    mask = (bag != PAD)
    summed = jnp.sum(emb * mask[..., None].astype(emb.dtype), axis=2)
    cnt = jnp.maximum(jnp.sum(mask, axis=2), 1).astype(emb.dtype)
    e = summed / cnt[..., None]
    return e.reshape(B, L, DIM)

if __name__ == "__main__":
    import jax
    _d = setup_inputs()
    print(jax.jit(kernel)(*tuple(_d.values())))

</pallas_src>

<mosaic_0001>
#map = affine_map<(d0, d1) -> (0, 0, 0)>
#map1 = affine_map<(d0, d1) -> (0, 0)>
#map2 = affine_map<(d0, d1) -> (0, 0, 0, 0)>
module attributes {stable_mosaic.version = 14 : i64} {
  func.func @emb_bag(%arg0: i32, %arg1: i32, %arg2: memref<6x50x4096xi32, #tpu.memory_space<hbm>>, %arg3: memref<50x4096xi32, #tpu.memory_space<hbm>>, %arg4: memref<1100001x32xf32, #tpu.memory_space<hbm>>, %arg5: memref<50x4x32x1024xf32, #tpu.memory_space<hbm>>, %arg6: memref<2x6x128xi32, #tpu.memory_space<vmem>>, %arg7: memref<2x128xi32, #tpu.memory_space<vmem>>, %arg8: memref<2x768x32xf32, #tpu.memory_space<vmem>>, %arg9: memref<2x128x32xf32, #tpu.memory_space<vmem>>, %arg10: memref<2x4096xf32, #tpu.memory_space<vmem>>, %arg11: memref<!tpu.dma_semaphore, #tpu.memory_space<semaphore_mem>>, %arg12: memref<!tpu.dma_semaphore, #tpu.memory_space<semaphore_mem>>, %arg13: memref<!tpu.dma_semaphore, #tpu.memory_space<semaphore_mem>>, %arg14: memref<!tpu.dma_semaphore, #tpu.memory_space<semaphore_mem>>) attributes {dimension_semantics = [#tpu.dimension_semantics<core_parallel>, #tpu.dimension_semantics<subcore_parallel>], iteration_bounds = array<i64: 2, 16>, scalar_prefetch = 0 : i64, scratch_operands = 9 : i64, tpu.core_type = #tpu.core_type<sc_vector_subcore>, window_params = [{transform_indices = #map}, {transform_indices = #map1}, {transform_indices = #map1}, {transform_indices = #map2}]} {
    %mul3A = arith.constant 2 : i32
    %mul3A_0 = arith.muli %arg1, %mul3A : i32
    %add3A = arith.addi %mul3A_0, %arg0 : i32
    %mul3A_1 = arith.constant 128 : i32
    %mul3A_2 = arith.muli %add3A, %mul3A_1 : i32
    %iota3A = tpu.iota {dimensions = array<i32: 0>} : vector<16xi32>
    %shift_right_arithmetic3A = arith.constant 3 : i32
    %shift_right_arithmetic3A_3 = vector.broadcast %shift_right_arithmetic3A : i32 to vector<16xi32>
    %shift_right_arithmetic3A_4 = arith.shrsi %iota3A, %shift_right_arithmetic3A_3 : vector<16xi32>
    %shift_left3A = arith.constant 10 : i32
    %shift_left3A_5 = vector.broadcast %shift_left3A : i32 to vector<16xi32>
    %shift_left3A_6 = arith.shli %shift_right_arithmetic3A_4, %shift_left3A_5 : vector<16xi32>
    %and3A = arith.constant 7 : i32
    %and3A_7 = vector.broadcast %and3A : i32 to vector<16xi32>
    %and3A_8 = arith.andi %iota3A, %and3A_7 : vector<16xi32>
    %shift_left3A_9 = arith.constant 7 : i32
    %shift_left3A_10 = vector.broadcast %shift_left3A_9 : i32 to vector<16xi32>
    %shift_left3A_11 = arith.shli %and3A_8, %shift_left3A_10 : vector<16xi32>
    %add3A_12 = arith.addi %shift_left3A_6, %shift_left3A_11 : vector<16xi32>
    %add3A_13 = arith.constant 2048 : i32
    %add3A_14 = vector.broadcast %add3A_13 : i32 to vector<16xi32>
    %add3A_15 = arith.addi %add3A_12, %add3A_14 : vector<16xi32>
    %dma_start3A = arith.constant 0 : i32
    %dma_start3A_16 = arith.constant 0 : i32
    %dma_start3A_17 = arith.constant 0 : i32
    %dma_start3A_18 = arith.constant 0 : i32
    %dma_start3A_19 = tpu.memref_slice %arg6[%dma_start3A_16, %dma_start3A_17, %dma_start3A_18] : memref<2x6x128xi32, #tpu.memory_space<vmem>> -> memref<1x6x128xi32, #tpu.memory_space<vmem>>
    %dma_start3A_20 = tpu.memref_squeeze %dma_start3A_19 : memref<1x6x128xi32, #tpu.memory_space<vmem>> -> memref<6x128xi32, #tpu.memory_space<vmem>>
    %dma_start3A_21 = arith.constant 0 : i32
    %dma_start3A_22 = tpu.memref_slice %arg2[%dma_start3A_21, %dma_start3A, %mul3A_2] : memref<6x50x4096xi32, #tpu.memory_space<hbm>> -> memref<6x1x128xi32, #tpu.memory_space<hbm>>
    %dma_start3A_23 = tpu.memref_squeeze %dma_start3A_22 : memref<6x1x128xi32, #tpu.memory_space<hbm>> -> memref<6x128xi32, #tpu.memory_space<hbm>>
    %dma_start3A_24 = arith.constant 0 : i32
    %dma_start3A_25 = arith.constant 0 : i32
    %dma_start3A_26 = tpu.memref_slice %arg6[%dma_start3A_16, %dma_start3A_24, %dma_start3A_25] : memref<2x6x128xi32, #tpu.memory_space<vmem>> -> memref<1x6x128xi32, #tpu.memory_space<vmem>>
    %dma_start3A_27 = tpu.memref_squeeze %dma_start3A_26 : memref<1x6x128xi32, #tpu.memory_space<vmem>> -> memref<6x128xi32, #tpu.memory_space<vmem>>
    %dma_start3A_28 = arith.constant 0 : i32
    %dma_start3A_29 = tpu.memref_slice %arg2[%dma_start3A_28, %dma_start3A, %mul3A_2] : memref<6x50x4096xi32, #tpu.memory_space<hbm>> -> memref<6x1x128xi32, #tpu.memory_space<hbm>>
    %dma_start3A_30 = tpu.memref_squeeze %dma_start3A_29 : memref<6x1x128xi32, #tpu.memory_space<hbm>> -> memref<6x128xi32, #tpu.memory_space<hbm>>
    tpu.enqueue_dma source(%dma_start3A_30 : memref<6x128xi32, #tpu.memory_space<hbm>>) target(%dma_start3A_27 : memref<6x128xi32, #tpu.memory_space<vmem>>) target_semaphore(%arg11 : memref<!tpu.dma_semaphore, #tpu.memory_space<semaphore_mem>>)
    %dma_start3A_31 = arith.constant 0 : i32
    %dma_start3A_32 = arith.constant 0 : i32
    %dma_start3A_33 = arith.constant 0 : i32
    %dma_start3A_34 = tpu.memref_slice %arg7[%dma_start3A_32, %dma_start3A_33] : memref<2x128xi32, #tpu.memory_space<vmem>> -> memref<1x128xi32, #tpu.memory_space<vmem>>
    %dma_start3A_35 = tpu.memref_squeeze %dma_start3A_34 : memref<1x128xi32, #tpu.memory_space<vmem>> -> memref<128xi32, #tpu.memory_space<vmem>>
    %dma_start3A_36 = tpu.memref_slice %arg3[%dma_start3A_31, %mul3A_2] : memref<50x4096xi32, #tpu.memory_space<hbm>> -> memref<1x128xi32, #tpu.memory_space<hbm>>
    %dma_start3A_37 = tpu.memref_squeeze %dma_start3A_36 : memref<1x128xi32, #tpu.memory_space<hbm>> -> memref<128xi32, #tpu.memory_space<hbm>>
    %dma_start3A_38 = arith.constant 0 : i32
    %dma_start3A_39 = tpu.memref_slice %arg7[%dma_start3A_32, %dma_start3A_38] : memref<2x128xi32, #tpu.memory_space<vmem>> -> memref<1x128xi32, #tpu.memory_space<vmem>>
    %dma_start3A_40 = tpu.memref_squeeze %dma_start3A_39 : memref<1x128xi32, #tpu.memory_space<vmem>> -> memref<128xi32, #tpu.memory_space<vmem>>
    %dma_start3A_41 = tpu.memref_slice %arg3[%dma_start3A_31, %mul3A_2] : memref<50x4096xi32, #tpu.memory_space<hbm>> -> memref<1x128xi32, #tpu.memory_space<hbm>>
    %dma_start3A_42 = tpu.memref_squeeze %dma_start3A_41 : memref<1x128xi32, #tpu.memory_space<hbm>> -> memref<128xi32, #tpu.memory_space<hbm>>
    tpu.enqueue_dma source(%dma_start3A_42 : memref<128xi32, #tpu.memory_space<hbm>>) target(%dma_start3A_40 : memref<128xi32, #tpu.memory_space<vmem>>) target_semaphore(%arg11 : memref<!tpu.dma_semaphore, #tpu.memory_space<semaphore_mem>>)
    %dma_start3A_43 = arith.constant 1 : i32
    %dma_start3A_44 = arith.constant 1 : i32
    %dma_start3A_45 = arith.constant 0 : i32
    %dma_start3A_46 = arith.constant 0 : i32
    %dma_start3A_47 = tpu.memref_slice %arg6[%dma_start3A_44, %dma_start3A_45, %dma_start3A_46] : memref<2x6x128xi32, #tpu.memory_space<vmem>> -> memref<1x6x128xi32, #tpu.memory_space<vmem>>
    %dma_start3A_48 = tpu.memref_squeeze %dma_start3A_47 : memref<1x6x128xi32, #tpu.memory_space<vmem>> -> memref<6x128xi32, #tpu.memory_space<vmem>>
    %dma_start3A_49 = arith.constant 0 : i32
    %dma_start3A_50 = tpu.memref_slice %arg2[%dma_start3A_49, %dma_start3A_43, %mul3A_2] : memref<6x50x4096xi32, #tpu.memory_space<hbm>> -> memref<6x1x128xi32, #tpu.memory_space<hbm>>
    %dma_start3A_51 = tpu.memref_squeeze %dma_start3A_50 : memref<6x1x128xi32, #tpu.memory_space<hbm>> -> memref<6x128xi32, #tpu.memory_space<hbm>>
    %dma_start3A_52 = arith.constant 0 : i32
    %dma_start3A_53 = arith.constant 0 : i32
    %dma_start3A_54 = tpu.memref_slice %arg6[%dma_start3A_44, %dma_start3A_52, %dma_start3A_53] : memref<2x6x128xi32, #tpu.memory_space<vmem>> -> memref<1x6x128xi32, #tpu.memory_space<vmem>>
    %dma_start3A_55 = tpu.memref_squeeze %dma_start3A_54 : memref<1x6x128xi32, #tpu.memory_space<vmem>> -> memref<6x128xi32, #tpu.memory_space<vmem>>
    %dma_start3A_56 = arith.constant 0 : i32
    %dma_start3A_57 = tpu.memref_slice %arg2[%dma_start3A_56, %dma_start3A_43, %mul3A_2] : memref<6x50x4096xi32, #tpu.memory_space<hbm>> -> memref<6x1x128xi32, #tpu.memory_space<hbm>>
    %dma_start3A_58 = tpu.memref_squeeze %dma_start3A_57 : memref<6x1x128xi32, #tpu.memory_space<hbm>> -> memref<6x128xi32, #tpu.memory_space<hbm>>
    tpu.enqueue_dma source(%dma_start3A_58 : memref<6x128xi32, #tpu.memory_space<hbm>>) target(%dma_start3A_55 : memref<6x128xi32, #tpu.memory_space<vmem>>) target_semaphore(%arg12 : memref<!tpu.dma_semaphore, #tpu.memory_space<semaphore_mem>>)
    %dma_start3A_59 = arith.constant 1 : i32
    %dma_start3A_60 = arith.constant 1 : i32
    %dma_start3A_61 = arith.constant 0 : i32
    %dma_start3A_62 = tpu.memref_slice %arg7[%dma_start3A_60, %dma_start3A_61] : memref<2x128xi32, #tpu.memory_space<vmem>> -> memref<1x128xi32, #tpu.memory_space<vmem>>
    %dma_start3A_63 = tpu.memref_squeeze %dma_start3A_62 : memref<1x128xi32, #tpu.memory_space<vmem>> -> memref<128xi32, #tpu.memory_space<vmem>>
    %dma_start3A_64 = tpu.memref_slice %arg3[%dma_start3A_59, %mul3A_2] : memref<50x4096xi32, #tpu.memory_space<hbm>> -> memref<1x128xi32, #tpu.memory_space<hbm>>
    %dma_start3A_65 = tpu.memref_squeeze %dma_start3A_64 : memref<1x128xi32, #tpu.memory_space<hbm>> -> memref<128xi32, #tpu.memory_space<hbm>>
    %dma_start3A_66 = arith.constant 0 : i32
    %dma_start3A_67 = tpu.memref_slice %arg7[%dma_start3A_60, %dma_start3A_66] : memref<2x128xi32, #tpu.memory_space<vmem>> -> memref<1x128xi32, #tpu.memory_space<vmem>>
    %dma_start3A_68 = tpu.memref_squeeze %dma_start3A_67 : memref<1x128xi32, #tpu.memory_space<vmem>> -> memref<128xi32, #tpu.memory_space<vmem>>
    %dma_start3A_69 = tpu.memref_slice %arg3[%dma_start3A_59, %mul3A_2] : memref<50x4096xi32, #tpu.memory_space<hbm>> -> memref<1x128xi32, #tpu.memory_space<hbm>>
    %dma_start3A_70 = tpu.memref_squeeze %dma_start3A_69 : memref<1x128xi32, #tpu.memory_space<hbm>> -> memref<128xi32, #tpu.memory_space<hbm>>
    tpu.enqueue_dma source(%dma_start3A_70 : memref<128xi32, #tpu.memory_space<hbm>>) target(%dma_start3A_68 : memref<128xi32, #tpu.memory_space<vmem>>) target_semaphore(%arg12 : memref<!tpu.dma_semaphore, #tpu.memory_space<semaphore_mem>>)
    %dma_wait3A = arith.constant 0 : i32
    %dma_wait3A_71 = arith.constant 0 : i32
    %dma_wait3A_72 = arith.constant 0 : i32
    %dma_wait3A_73 = arith.constant 0 : i32
    %dma_wait3A_74 = tpu.memref_slice %arg6[%dma_wait3A_71, %dma_wait3A_72, %dma_wait3A_73] : memref<2x6x128xi32, #tpu.memory_space<vmem>> -> memref<1x6x128xi32, #tpu.memory_space<vmem>>
    %dma_wait3A_75 = tpu.memref_squeeze %dma_wait3A_74 : memref<1x6x128xi32, #tpu.memory_space<vmem>> -> memref<6x128xi32, #tpu.memory_space<vmem>>
    %dma_wait3A_76 = arith.constant 0 : i32
    %dma_wait3A_77 = arith.constant 0 : i32
    %dma_wait3A_78 = tpu.memref_slice %arg2[%dma_wait3A_76, %dma_wait3A, %dma_wait3A_77] : memref<6x50x4096xi32, #tpu.memory_space<hbm>> -> memref<6x1x128xi32, #tpu.memory_space<hbm>>
    %dma_wait3A_79 = tpu.memref_squeeze %dma_wait3A_78 : memref<6x1x128xi32, #tpu.memory_space<hbm>> -> memref<6x128xi32, #tpu.memory_space<hbm>>
    %dma_wait3A_80 = arith.constant 0 : i32
    %dma_wait3A_81 = arith.constant 0 : i32
    %dma_wait3A_82 = tpu.memref_slice %arg6[%dma_wait3A_71, %dma_wait3A_80, %dma_wait3A_81] : memref<2x6x128xi32, #tpu.memory_space<vmem>> -> memref<1x6x128xi32, #tpu.memory_space<vmem>>
    %dma_wait3A_83 = tpu.memref_squeeze %dma_wait3A_82 : memref<1x6x128xi32, #tpu.memory_space<vmem>> -> memref<6x128xi32, #tpu.memory_space<vmem>>
    %dma_wait3A_84 = arith.constant 0 : i32
    %dma_wait3A_85 = arith.constant 0 : i32
    %dma_wait3A_86 = tpu.memref_slice %arg2[%dma_wait3A_84, %dma_wait3A, %dma_wait3A_85] : memref<6x50x4096xi32, #tpu.memory_space<hbm>> -> memref<6x1x128xi32, #tpu.memory_space<hbm>>
    %dma_wait3A_87 = tpu.memref_squeeze %dma_wait3A_86 : memref<6x1x128xi32, #tpu.memory_space<hbm>> -> memref<6x128xi32, #tpu.memory_space<hbm>>
    tpu.wait_dma2 semaphore(%arg11 : memref<!tpu.dma_semaphore, #tpu.memory_space<semaphore_mem>>) src(%dma_wait3A_87 : memref<6x128xi32, #tpu.memory_space<hbm>>) dst(%dma_wait3A_83 : memref<6x128xi32, #tpu.memory_space<vmem>>)
    %dma_wait3A_88 = arith.constant 0 : i32
    %dma_wait3A_89 = arith.constant 0 : i32
    %dma_wait3A_90 = arith.constant 0 : i32
    %dma_wait3A_91 = tpu.memref_slice %arg7[%dma_wait3A_89, %dma_wait3A_90] : memref<2x128xi32, #tpu.memory_space<vmem>> -> memref<1x128xi32, #tpu.memory_space<vmem>>
    %dma_wait3A_92 = tpu.memref_squeeze %dma_wait3A_91 : memref<1x128xi32, #tpu.memory_space<vmem>> -> memref<128xi32, #tpu.memory_space<vmem>>
    %dma_wait3A_93 = arith.constant 0 : i32
    %dma_wait3A_94 = tpu.memref_slice %arg3[%dma_wait3A_88, %dma_wait3A_93] : memref<50x4096xi32, #tpu.memory_space<hbm>> -> memref<1x128xi32, #tpu.memory_space<hbm>>
    %dma_wait3A_95 = tpu.memref_squeeze %dma_wait3A_94 : memref<1x128xi32, #tpu.memory_space<hbm>> -> memref<128xi32, #tpu.memory_space<hbm>>
    %dma_wait3A_96 = arith.constant 0 : i32
    %dma_wait3A_97 = tpu.memref_slice %arg7[%dma_wait3A_89, %dma_wait3A_96] : memref<2x128xi32, #tpu.memory_space<vmem>> -> memref<1x128xi32, #tpu.memory_space<vmem>>
    %dma_wait3A_98 = tpu.memref_squeeze %dma_wait3A_97 : memref<1x128xi32, #tpu.memory_space<vmem>> -> memref<128xi32, #tpu.memory_space<vmem>>
    %dma_wait3A_99 = arith.constant 0 : i32
    %dma_wait3A_100 = tpu.memref_slice %arg3[%dma_wait3A_88, %dma_wait3A_99] : memref<50x4096xi32, #tpu.memory_space<hbm>> -> memref<1x128xi32, #tpu.memory_space<hbm>>
    %dma_wait3A_101 = tpu.memref_squeeze %dma_wait3A_100 : memref<1x128xi32, #tpu.memory_space<hbm>> -> memref<128xi32, #tpu.memory_space<hbm>>
    tpu.wait_dma2 semaphore(%arg11 : memref<!tpu.dma_semaphore, #tpu.memory_space<semaphore_mem>>) src(%dma_wait3A_101 : memref<128xi32, #tpu.memory_space<hbm>>) dst(%dma_wait3A_98 : memref<128xi32, #tpu.memory_space<vmem>>)
    %get3A = arith.constant 0 : i32
    %get3A_102 = arith.index_cast %get3A : i32 to index
    %get3A_103 = arith.constant 0 : index
    %get3A_104 = tpu.vector_load %arg7[%get3A_102, %get3A_103] {strides = array<i32>} : memref<2x128xi32, #tpu.memory_space<vmem>>, vector<16xi32>,
    %add3A_105 = arith.constant 1000000 : i32
    %add3A_106 = vector.broadcast %add3A_105 : i32 to vector<16xi32>
    %add3A_107 = arith.addi %get3A_104, %add3A_106 : vector<16xi32>
    %swap3A = arith.constant 0 : i32
    %swap3A_108 = arith.index_cast %swap3A : i32 to index
    %swap3A_109 = arith.constant 0 : index
    %swap3A_110 = tpu.vector_load %arg7[%swap3A_108, %swap3A_109] {strides = array<i32>} : memref<2x128xi32, #tpu.memory_space<vmem>>, vector<16xi32>,
    tpu.vector_store %arg7[%swap3A_108, %swap3A_109], %add3A_107 {strides = array<i32>} : memref<2x128xi32, #tpu.memory_space<vmem>>, vector<16xi32>,
    %get3A_111 = arith.constant 0 : i32
    %get3A_112 = arith.index_cast %get3A_111 : i32 to index
    %get3A_113 = arith.constant 16 : index
    %get3A_114 = tpu.vector_load %arg7[%get3A_112, %get3A_113] {strides = array<i32>} : memref<2x128xi32, #tpu.memory_space<vmem>>, vector<16xi32>,
    %add3A_115 = arith.constant 1000000 : i32
    %add3A_116 = vector.broadcast %add3A_115 : i32 to vector<16xi32>
    %add3A_117 = arith.addi %get3A_114, %add3A_116 : vector<16xi32>
    %swap3A_118 = arith.constant 0 : i32
    %swap3A_119 = arith.index_cast %swap3A_118 : i32 to index
    %swap3A_120 = arith.constant 16 : index
    %swap3A_121 = tpu.vector_load %arg7[%swap3A_119, %swap3A_120] {strides = array<i32>} : memref<2x128xi32, #tpu.memory_space<vmem>>, vector<16xi32>,
    tpu.vector_store %arg7[%swap3A_119, %swap3A_120], %add3A_117 {strides = array<i32>} : memref<2x128xi32, #tpu.memory_space<vmem>>, vector<16xi32>,
    %get3A_122 = arith.constant 0 : i32
    %get3A_123 = arith.index_cast %get3A_122 : i32 to index
    %get3A_124 = arith.constant 32 : index
    %get3A_125 = tpu.vector_load %arg7[%get3A_123, %get3A_124] {strides = array<i32>} : memref<2x128xi32, #tpu.memory_space<vmem>>, vector<16xi32>,
    %add3A_126 = arith.constant 1000000 : i32
    %add3A_127 = vector.broadcast %add3A_126 : i32 to vector<16xi32>
    %add3A_128 = arith.addi %get3A_125, %add3A_127 : vector<16xi32>
    %swap3A_129 = arith.constant 0 : i32
    %swap3A_130 = arith.index_cast %swap3A_129 : i32 to index
    %swap3A_131 = arith.constant 32 : index
    %swap3A_132 = tpu.vector_load %arg7[%swap3A_130, %swap3A_131] {strides = array<i32>} : memref<2x128xi32, #tpu.memory_space<vmem>>, vector<16xi32>,
    tpu.vector_store %arg7[%swap3A_130, %swap3A_131], %add3A_128 {strides = array<i32>} : memref<2x128xi32, #tpu.memory_space<vmem>>, vector<16xi32>,
    %get3A_133 = arith.constant 0 : i32
    %get3A_134 = arith.index_cast %get3A_133 : i32 to index
    %get3A_135 = arith.constant 48 : index
    %get3A_136 = tpu.vector_load %arg7[%get3A_134, %get3A_135] {strides = array<i32>} : memref<2x128xi32, #tpu.memory_space<vmem>>, vector<16xi32>,
    %add3A_137 = arith.constant 1000000 : i32
    %add3A_138 = vector.broadcast %add3A_137 : i32 to vector<16xi32>
    %add3A_139 = arith.addi %get3A_136, %add3A_138 : vector<16xi32>
    %swap3A_140 = arith.constant 0 : i32
    %swap3A_141 = arith.index_cast %swap3A_140 : i32 to index
    %swap3A_142 = arith.constant 48 : index
    %swap3A_143 = tpu.vector_load %arg7[%swap3A_141, %swap3A_142] {strides = array<i32>} : memref<2x128xi32, #tpu.memory_space<vmem>>, vector<16xi32>,
    tpu.vector_store %arg7[%swap3A_141, %swap3A_142], %add3A_139 {strides = array<i32>} : memref<2x128xi32, #tpu.memory_space<vmem>>, vector<16xi32>,
    %get3A_144 = arith.constant 0 : i32
    %get3A_145 = arith.index_cast %get3A_144 : i32 to index
    %get3A_146 = arith.constant 64 : index
    %get3A_147 = tpu.vector_load %arg7[%get3A_145, %get3A_146] {strides = array<i32>} : memref<2x128xi32, #tpu.memory_space<vmem>>, vector<16xi32>,
    %add3A_148 = arith.constant 1000000 : i32
    %add3A_149 = vector.broadcast %add3A_148 : i32 to vector<16xi32>
    %add3A_150 = arith.addi %get3A_147, %add3A_149 : vector<16xi32>
    %swap3A_151 = arith.constant 0 : i32
    %swap3A_152 = arith.index_cast %swap3A_151 : i32 to index
    %swap3A_153 = arith.constant 64 : index
    %swap3A_154 = tpu.vector_load %arg7[%swap3A_152, %swap3A_153] {strides = array<i32>} : memref<2x128xi32, #tpu.memory_space<vmem>>, vector<16xi32>,
    tpu.vector_store %arg7[%swap3A_152, %swap3A_153], %add3A_150 {strides = array<i32>} : memref<2x128xi32, #tpu.memory_space<vmem>>, vector<16xi32>,
    %get3A_155 = arith.constant 0 : i32
    %get3A_156 = arith.index_cast %get3A_155 : i32 to index
    %get3A_157 = arith.constant 80 : index
    %get3A_158 = tpu.vector_load %arg7[%get3A_156, %get3A_157] {strides = array<i32>} : memref<2x128xi32, #tpu.memory_space<vmem>>, vector<16xi32>,
    %add3A_159 = arith.constant 1000000 : i32
    %add3A_160 = vector.broadcast %add3A_159 : i32 to vector<16xi32>
    %add3A_161 = arith.addi %get3A_158, %add3A_160 : vector<16xi32>
    %swap3A_162 = arith.constant 0 : i32
    %swap3A_163 = arith.index_cast %swap3A_162 : i32 to index
    %swap3A_164 = arith.constant 80 : index
    %swap3A_165 = tpu.vector_load %arg7[%swap3A_163, %swap3A_164] {strides = array<i32>} : memref<2x128xi32, #tpu.memory_space<vmem>>, vector<16xi32>,
    tpu.vector_store %arg7[%swap3A_163, %swap3A_164], %add3A_161 {strides = array<i32>} : memref<2x128xi32, #tpu.memory_space<vmem>>, vector<16xi32>,
    %get3A_166 = arith.constant 0 : i32
    %get3A_167 = arith.index_cast %get3A_166 : i32 to index
    %get3A_168 = arith.constant 96 : index
    %get3A_169 = tpu.vector_load %arg7[%get3A_167, %get3A_168] {strides = array<i32>} : memref<2x128xi32, #tpu.memory_space<vmem>>, vector<16xi32>,
    %add3A_170 = arith.constant 1000000 : i32
    %add3A_171 = vector.broadcast %add3A_170 : i32 to vector<16xi32>
    %add3A_172 = arith.addi %get3A_169, %add3A_171 : vector<16xi32>
    %swap3A_173 = arith.constant 0 : i32
    %swap3A_174 = arith.index_cast %swap3A_173 : i32 to index
    %swap3A_175 = arith.constant 96 : index
    %swap3A_176 = tpu.vector_load %arg7[%swap3A_174, %swap3A_175] {strides = array<i32>} : memref<2x128xi32, #tpu.memory_space<vmem>>, vector<16xi32>,
    tpu.vector_store %arg7[%swap3A_174, %swap3A_175], %add3A_172 {strides = array<i32>} : memref<2x128xi32, #tpu.memory_space<vmem>>, vector<16xi32>,
    %get3A_177 = arith.constant 0 : i32
    %get3A_178 = arith.index_cast %get3A_177 : i32 to index
    %get3A_179 = arith.constant 112 : index
    %get3A_180 = tpu.vector_load %arg7[%get3A_178, %get3A_179] {strides = array<i32>} : memref<2x128xi32, #tpu.memory_space<vmem>>, vector<16xi32>,
    %add3A_181 = arith.constant 1000000 : i32
    %add3A_182 = vector.broadcast %add3A_181 : i32 to vector<16xi32>
    %add3A_183 = arith.addi %get3A_180, %add3A_182 : vector<16xi32>
    %swap3A_184 = arith.constant 0 : i32
    %swap3A_185 = arith.index_cast %swap3A_184 : i32 to index
    %swap3A_186 = arith.constant 112 : index
    %swap3A_187 = tpu.vector_load %arg7[%swap3A_185, %swap3A_186] {strides = array<i32>} : memref<2x128xi32, #tpu.memory_space<vmem>>, vector<16xi32>,
    tpu.vector_store %arg7[%swap3A_185, %swap3A_186], %add3A_183 {strides = array<i32>} : memref<2x128xi32, #tpu.memory_space<vmem>>, vector<16xi32>,
    %dma_start3A_188 = arith.constant 0 : i32
    %dma_start3A_189 = arith.constant 0 : i32
    %dma_start3A_190 = arith.constant 0 : i32
    %dma_start3A_191 = arith.constant 0 : i32
    %dma_start3A_192 = arith.constant 0 : i32
    %dma_start3A_193 = tpu.memref_slice %arg8[%dma_start3A_190, %dma_start3A_191, %dma_start3A_192] : memref<2x768x32xf32, #tpu.memory_space<vmem>> -> memref<1x768x32xf32, #tpu.memory_space<vmem>>
    %dma_start3A_194 = tpu.memref_squeeze %dma_start3A_193 : memref<1x768x32xf32, #tpu.memory_space<vmem>> -> memref<768x32xf32, #tpu.memory_space<vmem>>
    %dma_start3A_195 = arith.constant 0 : i32
    %dma_start3A_196 = arith.constant 0 : i32
    %dma_start3A_197 = tpu.memref_slice %dma_start3A_194[%dma_start3A_195, %dma_start3A_196] : memref<768x32xf32, #tpu.memory_space<vmem>> -> memref<128x32xf32, #tpu.memory_space<vmem>>
    %dma_start3A_198 = arith.constant 0 : i32
    %dma_start3A_199 = arith.constant 0 : i32
    %dma_start3A_200 = tpu.memref_slice %arg6[%dma_start3A_188, %dma_start3A_198, %dma_start3A_199] : memref<2x6x128xi32, #tpu.memory_space<vmem>> -> memref<1x6x128xi32, #tpu.memory_space<vmem>>
    %dma_start3A_201 = tpu.memref_squeeze %dma_start3A_200 : memref<1x6x128xi32, #tpu.memory_space<vmem>> -> memref<6x128xi32, #tpu.memory_space<vmem>>
    %dma_start3A_202 = arith.constant 0 : i32
    %dma_start3A_203 = tpu.memref_slice %dma_start3A_201[%dma_start3A_189, %dma_start3A_202] : memref<6x128xi32, #tpu.memory_space<vmem>> -> memref<1x128xi32, #tpu.memory_space<vmem>>
    %dma_start3A_204 = tpu.memref_squeeze %dma_start3A_203 : memref<1x128xi32, #tpu.memory_space<vmem>> -> memref<128xi32, #tpu.memory_space<vmem>>
    %dma_start3A_205 = arith.constant 0 : i32
    %dma_start3A_206 = arith.constant 0 : i32
    %dma_start3A_207 = tpu.memref_slice %arg4[%dma_start3A_205, %dma_start3A_206] : memref<1100001x32xf32, #tpu.memory_space<hbm>> -> memref<1100001x32xf32, #tpu.memory_space<hbm>>
    tpu.enqueue_indirect_dma source(%dma_start3A_207 : memref<1100001x32xf32, #tpu.memory_space<hbm>>) target(%dma_start3A_197 : memref<128x32xf32, #tpu.memory_space<vmem>>) offsets(%dma_start3A_204 : memref<128xi32, #tpu.memory_space<vmem>>) semaphore(%arg13 : memref<!tpu.dma_semaphore, #tpu.memory_space<semaphore_mem>>)
    %dma_start3A_208 = arith.constant 0 : i32
    %dma_start3A_209 = arith.constant 1 : i32
    %dma_start3A_210 = arith.constant 0 : i32
    %dma_start3A_211 = arith.constant 0 : i32
    %dma_start3A_212 = arith.constant 0 : i32
    %dma_start3A_213 = tpu.memref_slice %arg8[%dma_start3A_210, %dma_start3A_211, %dma_start3A_212] : memref<2x768x32xf32, #tpu.memory_space<vmem>> -> memref<1x768x32xf32, #tpu.memory_space<vmem>>
    %dma_start3A_214 = tpu.memref_squeeze %dma_start3A_213 : memref<1x768x32xf32, #tpu.memory_space<vmem>> -> memref<768x32xf32, #tpu.memory_space<vmem>>
    %dma_start3A_215 = arith.constant 128 : i32
    %dma_start3A_216 = arith.constant 0 : i32
    %dma_start3A_217 = tpu.memref_slice %dma_start3A_214[%dma_start3A_215, %dma_start3A_216] : memref<768x32xf32, #tpu.memory_space<vmem>> -> memref<128x32xf32, #tpu.memory_space<vmem>>
    %dma_start3A_218 = arith.constant 0 : i32
    %dma_start3A_219 = arith.constant 0 : i32
    %dma_start3A_220 = tpu.memref_slice %arg6[%dma_start3A_208, %dma_start3A_218, %dma_start3A_219] : memref<2x6x128xi32, #tpu.memory_space<vmem>> -> memref<1x6x128xi32, #tpu.memory_space<vmem>>
    %dma_start3A_221 = tpu.memref_squeeze %dma_start3A_220 : memref<1x6x128xi32, #tpu.memory_space<vmem>> -> memref<6x128xi32, #tpu.memory_space<vmem>>
    %dma_start3A_222 = arith.constant 0 : i32
    %dma_start3A_223 = tpu.memref_slice %dma_start3A_221[%dma_start3A_209, %dma_start3A_222] : memref<6x128xi32, #tpu.memory_space<vmem>> -> memref<1x128xi32, #tpu.memory_space<vmem>>
    %dma_start3A_224 = tpu.memref_squeeze %dma_start3A_223 : memref<1x128xi32, #tpu.memory_space<vmem>> -> memref<128xi32, #tpu.memory_space<vmem>>
    %dma_start3A_225 = arith.constant 0 : i32
    %dma_start3A_226 = arith.constant 0 : i32
    %dma_start3A_227 = tpu.memref_slice %arg4[%dma_start3A_225, %dma_start3A_226] : memref<1100001x32xf32, #tpu.memory_space<hbm>> -> memref<1100001x32xf32, #tpu.memory_space<hbm>>
    tpu.enqueue_indirect_dma source(%dma_start3A_227 : memref<1100001x32xf32, #tpu.memory_space<hbm>>) target(%dma_start3A_217 : memref<128x32xf32, #tpu.memory_space<vmem>>) offsets(%dma_start3A_224 : memref<128xi32, #tpu.memory_space<vmem>>) semaphore(%arg13 : memref<!tpu.dma_semaphore, #tpu.memory_space<semaphore_mem>>)
    %dma_start3A_228 = arith.constant 0 : i32
    %dma_start3A_229 = arith.constant 2 : i32
    %dma_start3A_230 = arith.constant 0 : i32
    %dma_start3A_231 = arith.constant 0 : i32
    %dma_start3A_232 = arith.constant 0 : i32
    %dma_start3A_233 = tpu.memref_slice %arg8[%dma_start3A_230, %dma_start3A_231, %dma_start3A_232] : memref<2x768x32xf32, #tpu.memory_space<vmem>> -> memref<1x768x32xf32, #tpu.memory_space<vmem>>
    %dma_start3A_234 = tpu.memref_squeeze %dma_start3A_233 : memref<1x768x32xf32, #tpu.memory_space<vmem>> -> memref<768x32xf32, #tpu.memory_space<vmem>>
    %dma_start3A_235 = arith.constant 256 : i32
    %dma_start3A_236 = arith.constant 0 : i32
    %dma_start3A_237 = tpu.memref_slice %dma_start3A_234[%dma_start3A_235, %dma_start3A_236] : memref<768x32xf32, #tpu.memory_space<vmem>> -> memref<128x32xf32, #tpu.memory_space<vmem>>
    %dma_start3A_238 = arith.constant 0 : i32
    %dma_start3A_239 = arith.constant 0 : i32
    %dma_start3A_240 = tpu.memref_slice %arg6[%dma_start3A_228, %dma_start3A_238, %dma_start3A_239] : memref<2x6x128xi32, #tpu.memory_space<vmem>> -> memref<1x6x128xi32, #tpu.memory_space<vmem>>
    %dma_start3A_241 = tpu.memref_squeeze %dma_start3A_240 : memref<1x6x128xi32, #tpu.memory_space<vmem>> -> memref<6x128xi32, #tpu.memory_space<vmem>>
    %dma_start3A_242 = arith.constant 0 : i32
    %dma_start3A_243 = tpu.memref_slice %dma_start3A_241[%dma_start3A_229, %dma_start3A_242] : memref<6x128xi32, #tpu.memory_space<vmem>> -> memref<1x128xi32, #tpu.memory_space<vmem>>
    %dma_start3A_244 = tpu.memref_squeeze %dma_start3A_243 : memref<1x128xi32, #tpu.memory_space<vmem>> -> memref<128xi32, #tpu.memory_space<vmem>>
    %dma_start3A_245 = arith.constant 0 : i32
    %dma_start3A_246 = arith.constant 0 : i32
    %dma_start3A_247 = tpu.memref_slice %arg4[%dma_start3A_245, %dma_start3A_246] : memref<1100001x32xf32, #tpu.memory_space<hbm>> -> memref<1100001x32xf32, #tpu.memory_space<hbm>>
    tpu.enqueue_indirect_dma source(%dma_start3A_247 : memref<1100001x32xf32, #tpu.memory_space<hbm>>) target(%dma_start3A_237 : memref<128x32xf32, #tpu.memory_space<vmem>>) offsets(%dma_start3A_244 : memref<128xi32, #tpu.memory_space<vmem>>) semaphore(%arg13 : memref<!tpu.dma_semaphore, #tpu.memory_space<semaphore_mem>>)
    %dma_start3A_248 = arith.constant 0 : i32
    %dma_start3A_249 = arith.constant 3 : i32
    %dma_start3A_250 = arith.constant 0 : i32
    %dma_start3A_251 = arith.constant 0 : i32
    %dma_start3A_252 = arith.constant 0 : i32
    %dma_start3A_253 = tpu.memref_slice %arg8[%dma_start3A_250, %dma_start3A_251, %dma_start3A_252] : memref<2x768x32xf32, #tpu.memory_space<vmem>> -> memref<1x768x32xf32, #tpu.memory_space<vmem>>
    %dma_start3A_254 = tpu.memref_squeeze %dma_start3A_253 : memref<1x768x32xf32, #tpu.memory_space<vmem>> -> memref<768x32xf32, #tpu.memory_space<vmem>>
    %dma_start3A_255 = arith.constant 384 : i32
    %dma_start3A_256 = arith.constant 0 : i32
    %dma_start3A_257 = tpu.memref_slice %dma_start3A_254[%dma_start3A_255, %dma_start3A_256] : memref<768x32xf32, #tpu.memory_space<vmem>> -> memref<128x32xf32, #tpu.memory_space<vmem>>
    %dma_start3A_258 = arith.constant 0 : i32
    %dma_start3A_259 = arith.constant 0 : i32
    %dma_start3A_260 = tpu.memref_slice %arg6[%dma_start3A_248, %dma_start3A_258, %dma_start3A_259] : memref<2x6x128xi32, #tpu.memory_space<vmem>> -> memref<1x6x128xi32, #tpu.memory_space<vmem>>
    %dma_start3A_261 = tpu.memref_squeeze %dma_start3A_260 : memref<1x6x128xi32, #tpu.memory_space<vmem>> -> memref<6x128xi32, #tpu.memory_space<vmem>>
    %dma_start3A_262 = arith.constant 0 : i32
    %dma_start3A_263 = tpu.memref_slice %dma_start3A_261[%dma_start3A_249, %dma_start3A_262] : memref<6x128xi32, #tpu.memory_space<vmem>> -> memref<1x128xi32, #tpu.memory_space<vmem>>
    %dma_start3A_264 = tpu.memref_squeeze %dma_start3A_263 : memref<1x128xi32, #tpu.memory_space<vmem>> -> memref<128xi32, #tpu.memory_space<vmem>>
    %dma_start3A_265 = arith.constant 0 : i32
    %dma_start3A_266 = arith.constant 0 : i32
    %dma_start3A_267 = tpu.memref_slice %arg4[%dma_start3A_265, %dma_start3A_266] : memref<1100001x32xf32, #tpu.memory_space<hbm>> -> memref<1100001x32xf32, #tpu.memory_space<hbm>>
    tpu.enqueue_indirect_dma source(%dma_start3A_267 : memref<1100001x32xf32, #tpu.memory_space<hbm>>) target(%dma_start3A_257 : memref<128x32xf32, #tpu.memory_space<vmem>>) offsets(%dma_start3A_264 : memref<128xi32, #tpu.memory_space<vmem>>) semaphore(%arg13 : memref<!tpu.dma_semaphore, #tpu.memory_space<semaphore_mem>>)
    %dma_start3A_268 = arith.constant 0 : i32
    %dma_start3A_269 = arith.constant 4 : i32
    %dma_start3A_270 = arith.constant 0 : i32
    %dma_start3A_271 = arith.constant 0 : i32
    %dma_start3A_272 = arith.constant 0 : i32
    %dma_start3A_273 = tpu.memref_slice %arg8[%dma_start3A_270, %dma_start3A_271, %dma_start3A_272] : memref<2x768x32xf32, #tpu.memory_space<vmem>> -> memref<1x768x32xf32, #tpu.memory_space<vmem>>
    %dma_start3A_274 = tpu.memref_squeeze %dma_start3A_273 : memref<1x768x32xf32, #tpu.memory_space<vmem>> -> memref<768x32xf32, #tpu.memory_space<vmem>>
    %dma_start3A_275 = arith.constant 512 : i32
    %dma_start3A_276 = arith.constant 0 : i32
    %dma_start3A_277 = tpu.memref_slice %dma_start3A_274[%dma_start3A_275, %dma_start3A_276] : memref<768x32xf32, #tpu.memory_space<vmem>> -> memref<128x32xf32, #tpu.memory_space<vmem>>
    %dma_start3A_278 = arith.constant 0 : i32
    %dma_start3A_279 = arith.constant 0 : i32
    %dma_start3A_280 = tpu.memref_slice %arg6[%dma_start3A_268, %dma_start3A_278, %dma_start3A_279] : memref<2x6x128xi32, #tpu.memory_space<vmem>> -> memref<1x6x128xi32, #tpu.memory_space<vmem>>
    %dma_start3A_281 = tpu.memref_squeeze %dma_start3A_280 : memref<1x6x128xi32, #tpu.memory_space<vmem>> -> memref<6x128xi32, #tpu.memory_space<vmem>>
    %dma_start3A_282 = arith.constant 0 : i32
    %dma_start3A_283 = tpu.memref_slice %dma_start3A_281[%dma_start3A_269, %dma_start3A_282] : memref<6x128xi32, #tpu.memory_space<vmem>> -> memref<1x128xi32, #tpu.memory_space<vmem>>
    %dma_start3A_284 = tpu.memref_squeeze %dma_start3A_283 : memref<1x128xi32, #tpu.memory_space<vmem>> -> memref<128xi32, #tpu.memory_space<vmem>>
    %dma_start3A_285 = arith.constant 0 : i32
    %dma_start3A_286 = arith.constant 0 : i32
    %dma_start3A_287 = tpu.memref_slice %arg4[%dma_start3A_285, %dma_start3A_286] : memref<1100001x32xf32, #tpu.memory_space<hbm>> -> memref<1100001x32xf32, #tpu.memory_space<hbm>>
    tpu.enqueue_indirect_dma source(%dma_start3A_287 : memref<1100001x32xf32, #tpu.memory_space<hbm>>) target(%dma_start3A_277 : memref<128x32xf32, #tpu.memory_space<vmem>>) offsets(%dma_start3A_284 : memref<128xi32, #tpu.memory_space<vmem>>) semaphore(%arg13 : memref<!tpu.dma_semaphore, #tpu.memory_space<semaphore_mem>>)
    %dma_start3A_288 = arith.constant 0 : i32
    %dma_start3A_289 = arith.constant 5 : i32
    %dma_start3A_290 = arith.constant 0 : i32
    %dma_start3A_291 = arith.constant 0 : i32
    %dma_start3A_292 = arith.constant 0 : i32
    %dma_start3A_293 = tpu.memref_slice %arg8[%dma_start3A_290, %dma_start3A_291, %dma_start3A_292] : memref<2x768x32xf32, #tpu.memory_space<vmem>> -> memref<1x768x32xf32, #tpu.memory_space<vmem>>
    %dma_start3A_294 = tpu.memref_squeeze %dma_start3A_293 : memref<1x768x32xf32, #tpu.memory_space<vmem>> -> memref<768x32xf32, #tpu.memory_space<vmem>>
    %dma_start3A_295 = arith.constant 640 : i32
    %dma_start3A_296 = arith.constant 0 : i32
    %dma_start3A_297 = tpu.memref_slice %dma_start3A_294[%dma_start3A_295, %dma_start3A_296] : memref<768x32xf32, #tpu.memory_space<vmem>> -> memref<128x32xf32, #tpu.memory_space<vmem>>
    %dma_start3A_298 = arith.constant 0 : i32
    %dma_start3A_299 = arith.constant 0 : i32
    %dma_start3A_300 = tpu.memref_slice %arg6[%dma_start3A_288, %dma_start3A_298, %dma_start3A_299] : memref<2x6x128xi32, #tpu.memory_space<vmem>> -> memref<1x6x128xi32, #tpu.memory_space<vmem>>
    %dma_start3A_301 = tpu.memref_squeeze %dma_start3A_300 : memref<1x6x128xi32, #tpu.memory_space<vmem>> -> memref<6x128xi32, #tpu.memory_space<vmem>>
    %dma_start3A_302 = arith.constant 0 : i32
    %dma_start3A_303 = tpu.memref_slice %dma_start3A_301[%dma_start3A_289, %dma_start3A_302] : memref<6x128xi32, #tpu.memory_space<vmem>> -> memref<1x128xi32, #tpu.memory_space<vmem>>
    %dma_start3A_304 = tpu.memref_squeeze %dma_start3A_303 : memref<1x128xi32, #tpu.memory_space<vmem>> -> memref<128xi32, #tpu.memory_space<vmem>>
    %dma_start3A_305 = arith.constant 0 : i32
    %dma_start3A_306 = arith.constant 0 : i32
    %dma_start3A_307 = tpu.memref_slice %arg4[%dma_start3A_305, %dma_start3A_306] : memref<1100001x32xf32, #tpu.memory_space<hbm>> -> memref<1100001x32xf32, #tpu.memory_space<hbm>>
    tpu.enqueue_indirect_dma source(%dma_start3A_307 : memref<1100001x32xf32, #tpu.memory_space<hbm>>) target(%dma_start3A_297 : memref<128x32xf32, #tpu.memory_space<vmem>>) offsets(%dma_start3A_304 : memref<128xi32, #tpu.memory_space<vmem>>) semaphore(%arg13 : memref<!tpu.dma_semaphore, #tpu.memory_space<semaphore_mem>>)
    %dma_start3A_308 = arith.constant 0 : i32
    %dma_start3A_309 = arith.constant 0 : i32
    %dma_start3A_310 = arith.constant 0 : i32
    %dma_start3A_311 = arith.constant 0 : i32
    %dma_start3A_312 = tpu.memref_slice %arg9[%dma_start3A_309, %dma_start3A_310, %dma_start3A_311] : memref<2x128x32xf32, #tpu.memory_space<vmem>> -> memref<1x128x32xf32, #tpu.memory_space<vmem>>
    %dma_start3A_313 = tpu.memref_squeeze %dma_start3A_312 : memref<1x128x32xf32, #tpu.memory_space<vmem>> -> memref<128x32xf32, #tpu.memory_space<vmem>>
    %dma_start3A_314 = arith.constant 0 : i32
    %dma_start3A_315 = tpu.memref_slice %arg7[%dma_start3A_308, %dma_start3A_314] : memref<2x128xi32, #tpu.memory_space<vmem>> -> memref<1x128xi32, #tpu.memory_space<vmem>>
    %dma_start3A_316 = tpu.memref_squeeze %dma_start3A_315 : memref<1x128xi32, #tpu.memory_space<vmem>> -> memref<128xi32, #tpu.memory_space<vmem>>
    %dma_start3A_317 = arith.constant 0 : i32
    %dma_start3A_318 = arith.constant 0 : i32
    %dma_start3A_319 = tpu.memref_slice %arg4[%dma_start3A_317, %dma_start3A_318] : memref<1100001x32xf32, #tpu.memory_space<hbm>> -> memref<1100001x32xf32, #tpu.memory_space<hbm>>
    tpu.enqueue_indirect_dma source(%dma_start3A_319 : memref<1100001x32xf32, #tpu.memory_space<hbm>>) target(%dma_start3A_313 : memref<128x32xf32, #tpu.memory_space<vmem>>) offsets(%dma_start3A_316 : memref<128xi32, #tpu.memory_space<vmem>>) semaphore(%arg13 : memref<!tpu.dma_semaphore, #tpu.memory_space<semaphore_mem>>)
    %scan3A = arith.constant 0 : i32
    %scan3A_320 = arith.constant 0.142857149 : f32
    %scan3A_321 = arith.constant 0 : i32
    %scan3A_322 = arith.constant 25 : i32
    %scan3A_323 = arith.addi %scan3A_321, %scan3A_322 : i32
    %scan3A_324 = arith.constant 1 : i32
    scf.for %scan3A_326 = %scan3A_321 to %scan3A_323 step %scan3A_324  : i32 {
      %mul3A_327 = arith.constant 2 : i32
      %mul3A_328 = arith.muli %mul3A_327, %scan3A_326 : i32
      %add3A_329 = arith.constant 0 : i32
      %add3A_330 = arith.addi %mul3A_328, %add3A_329 : i32
      %dma_wait3A_331 = arith.constant 0 : i32
      %dma_wait3A_332 = arith.constant 0 : i32
      %dma_wait3A_333 = arith.constant 0 : i32
      %dma_wait3A_334 = tpu.memref_slice %arg8[%dma_wait3A_331, %dma_wait3A_332, %dma_wait3A_333] : memref<2x768x32xf32, #tpu.memory_space<vmem>> -> memref<1x768x32xf32, #tpu.memory_space<vmem>>
      %dma_wait3A_335 = tpu.memref_squeeze %dma_wait3A_334 : memref<1x768x32xf32, #tpu.memory_space<vmem>> -> memref<768x32xf32, #tpu.memory_space<vmem>>
      %dma_wait3A_336 = arith.constant 0 : i32
      %dma_wait3A_337 = arith.constant 0 : i32
      %dma_wait3A_338 = tpu.memref_slice %arg4[%dma_wait3A_336, %dma_wait3A_337] : memref<1100001x32xf32, #tpu.memory_space<hbm>> -> memref<768x32xf32, #tpu.memory_space<hbm>>
      %dma_wait3A_339 = arith.constant 0 : i32
      %dma_wait3A_340 = arith.constant 0 : i32
      %dma_wait3A_341 = tpu.memref_slice %arg8[%dma_wait3A_331, %dma_wait3A_339, %dma_wait3A_340] : memref<2x768x32xf32, #tpu.memory_space<vmem>> -> memref<1x768x32xf32, #tpu.memory_space<vmem>>
      %dma_wait3A_342 = tpu.memref_squeeze %dma_wait3A_341 : memref<1x768x32xf32, #tpu.memory_space<vmem>> -> memref<768x32xf32, #tpu.memory_space<vmem>>
      %dma_wait3A_343 = arith.constant 0 : i32
      %dma_wait3A_344 = arith.constant 0 : i32
      %dma_wait3A_345 = tpu.memref_slice %arg4[%dma_wait3A_343, %dma_wait3A_344] : memref<1100001x32xf32, #tpu.memory_space<hbm>> -> memref<768x32xf32, #tpu.memory_space<hbm>>
      tpu.wait_dma2 semaphore(%arg13 : memref<!tpu.dma_semaphore, #tpu.memory_space<semaphore_mem>>) src(%dma_wait3A_345 : memref<768x32xf32, #tpu.memory_space<hbm>>) dst(%dma_wait3A_342 : memref<768x32xf32, #tpu.memory_space<vmem>>)
      %dma_wait3A_346 = arith.constant 0 : i32
      %dma_wait3A_347 = arith.constant 0 : i32
      %dma_wait3A_348 = arith.constant 0 : i32
      %dma_wait3A_349 = tpu.memref_slice %arg9[%dma_wait3A_346, %dma_wait3A_347, %dma_wait3A_348] : memref<2x128x32xf32, #tpu.memory_space<vmem>> -> memref<1x128x32xf32, #tpu.memory_space<vmem>>
      %dma_wait3A_350 = tpu.memref_squeeze %dma_wait3A_349 : memref<1x128x32xf32, #tpu.memory_space<vmem>> -> memref<128x32xf32, #tpu.memory_space<vmem>>
      %dma_wait3A_351 = arith.constant 0 : i32
      %dma_wait3A_352 = arith.constant 0 : i32
      %dma_wait3A_353 = tpu.memref_slice %arg4[%dma_wait3A_351, %dma_wait3A_352] : memref<1100001x32xf32, #tpu.memory_space<hbm>> -> memref<128x32xf32, #tpu.memory_space<hbm>>
      %dma_wait3A_354 = arith.constant 0 : i32
      %dma_wait3A_355 = arith.constant 0 : i32
      %dma_wait3A_356 = tpu.memref_slice %arg9[%dma_wait3A_346, %dma_wait3A_354, %dma_wait3A_355] : memref<2x128x32xf32, #tpu.memory_space<vmem>> -> memref<1x128x32xf32, #tpu.memory_space<vmem>>
      %dma_wait3A_357 = tpu.memref_squeeze %dma_wait3A_356 : memref<1x128x32xf32, #tpu.memory_space<vmem>> -> memref<128x32xf32, #tpu.memory_space<vmem>>
      %dma_wait3A_358 = arith.constant 0 : i32
      %dma_wait3A_359 = arith.constant 0 : i32
      %dma_wait3A_360 = tpu.memref_slice %arg4[%dma_wait3A_358, %dma_wait3A_359] : memref<1100001x32xf32, #tpu.memory_space<hbm>> -> memref<128x32xf32, #tpu.memory_space<hbm>>
      tpu.wait_dma2 semaphore(%arg13 : memref<!tpu.dma_semaphore, #tpu.memory_space<semaphore_mem>>) src(%dma_wait3A_360 : memref<128x32xf32, #tpu.memory_space<hbm>>) dst(%dma_wait3A_357 : memref<128x32xf32, #tpu.memory_space<vmem>>)
      %add3A_361 = arith.constant 2 : i32
      %add3A_362 = arith.addi %add3A_330, %add3A_361 : i32
      %lt3A = arith.constant 50 : i32
      %lt3A_363 = arith.cmpi slt, %add3A_362, %lt3A : i32
      %convert_element_type3A = arith.extui %lt3A_363 : i1 to i32
      %cond3A = arith.constant 0 : i32
      %cond3A_364 = arith.cmpi ne, %convert_element_type3A, %cond3A : i32
      scf.if %cond3A_364 {
        %add3A_736 = arith.constant 2 : i32
        %add3A_737 = arith.addi %add3A_330, %add3A_736 : i32
        %dma_start3A_738 = arith.constant 0 : i32
        %dma_start3A_739 = arith.constant 0 : i32
        %dma_start3A_740 = arith.constant 0 : i32
        %dma_start3A_741 = tpu.memref_slice %arg6[%dma_start3A_738, %dma_start3A_739, %dma_start3A_740] : memref<2x6x128xi32, #tpu.memory_space<vmem>> -> memref<1x6x128xi32, #tpu.memory_space<vmem>>
        %dma_start3A_742 = tpu.memref_squeeze %dma_start3A_741 : memref<1x6x128xi32, #tpu.memory_space<vmem>> -> memref<6x128xi32, #tpu.memory_space<vmem>>
        %dma_start3A_743 = arith.constant 0 : i32
        %dma_start3A_744 = tpu.memref_slice %arg2[%dma_start3A_743, %add3A_737, %mul3A_2] : memref<6x50x4096xi32, #tpu.memory_space<hbm>> -> memref<6x1x128xi32, #tpu.memory_space<hbm>>
        %dma_start3A_745 = tpu.memref_squeeze %dma_start3A_744 : memref<6x1x128xi32, #tpu.memory_space<hbm>> -> memref<6x128xi32, #tpu.memory_space<hbm>>
        %dma_start3A_746 = arith.constant 0 : i32
        %dma_start3A_747 = arith.constant 0 : i32
        %dma_start3A_748 = tpu.memref_slice %arg6[%dma_start3A_738, %dma_start3A_746, %dma_start3A_747] : memref<2x6x128xi32, #tpu.memory_space<vmem>> -> memref<1x6x128xi32, #tpu.memory_space<vmem>>
        %dma_start3A_749 = tpu.memref_squeeze %dma_start3A_748 : memref<1x6x128xi32, #tpu.memory_space<vmem>> -> memref<6x128xi32, #tpu.memory_space<vmem>>
        %dma_start3A_750 = arith.constant 0 : i32
        %dma_start3A_751 = tpu.memref_slice %arg2[%dma_start3A_750, %add3A_737, %mul3A_2] : memref<6x50x4096xi32, #tpu.memory_space<hbm>> -> memref<6x1x128xi32, #tpu.memory_space<hbm>>
        %dma_start3A_752 = tpu.memref_squeeze %dma_start3A_751 : memref<6x1x128xi32, #tpu.memory_space<hbm>> -> memref<6x128xi32, #tpu.memory_space<hbm>>
        tpu.enqueue_dma source(%dma_start3A_752 : memref<6x128xi32, #tpu.memory_space<hbm>>) target(%dma_start3A_749 : memref<6x128xi32, #tpu.memory_space<vmem>>) target_semaphore(%arg11 : memref<!tpu.dma_semaphore, #tpu.memory_space<semaphore_mem>>)
        %dma_start3A_753 = arith.constant 0 : i32
        %dma_start3A_754 = arith.constant 0 : i32
        %dma_start3A_755 = tpu.memref_slice %arg7[%dma_start3A_753, %dma_start3A_754] : memref<2x128xi32, #tpu.memory_space<vmem>> -> memref<1x128xi32, #tpu.memory_space<vmem>>
        %dma_start3A_756 = tpu.memref_squeeze %dma_start3A_755 : memref<1x128xi32, #tpu.memory_space<vmem>> -> memref<128xi32, #tpu.memory_space<vmem>>
        %dma_start3A_757 = tpu.memref_slice %arg3[%add3A_737, %mul3A_2] : memref<50x4096xi32, #tpu.memory_space<hbm>> -> memref<1x128xi32, #tpu.memory_space<hbm>>
        %dma_start3A_758 = tpu.memref_squeeze %dma_start3A_757 : memref<1x128xi32, #tpu.memory_space<hbm>> -> memref<128xi32, #tpu.memory_space<hbm>>
        %dma_start3A_759 = arith.constant 0 : i32
        %dma_start3A_760 = tpu.memref_slice %arg7[%dma_start3A_753, %dma_start3A_759] : memref<2x128xi32, #tpu.memory_space<vmem>> -> memref<1x128xi32, #tpu.memory_space<vmem>>
        %dma_start3A_761 = tpu.memref_squeeze %dma_start3A_760 : memref<1x128xi32, #tpu.memory_space<vmem>> -> memref<128xi32, #tpu.memory_space<vmem>>
        %dma_start3A_762 = tpu.memref_slice %arg3[%add3A_737, %mul3A_2] : memref<50x4096xi32, #tpu.memory_space<hbm>> -> memref<1x128xi32, #tpu.memory_space<hbm>>
        %dma_start3A_763 = tpu.memref_squeeze %dma_start3A_762 : memref<1x128xi32, #tpu.memory_space<hbm>> -> memref<128xi32, #tpu.memory_space<hbm>>
        tpu.enqueue_dma source(%dma_start3A_763 : memref<128xi32, #tpu.memory_space<hbm>>) target(%dma_start3A_761 : memref<128xi32, #tpu.memory_space<vmem>>) target_semaphore(%arg11 : memref<!tpu.dma_semaphore, #tpu.memory_space<semaphore_mem>>)
      } else {
      }
      %add3A_365 = arith.constant 1 : i32
      %add3A_366 = arith.addi %add3A_330, %add3A_365 : i32
      %lt3A_367 = arith.constant 50 : i32
      %lt3A_368 = arith.cmpi slt, %add3A_366, %lt3A_367 : i32
      %convert_element_type3A_369 = arith.extui %lt3A_368 : i1 to i32
      %cond3A_370 = arith.constant 0 : i32
      %cond3A_371 = arith.cmpi ne, %convert_element_type3A_369, %cond3A_370 : i32
      scf.if %cond3A_371 {
        %dma_wait3A_736 = arith.constant 0 : i32
        %dma_wait3A_737 = arith.constant 1 : i32
        %dma_wait3A_738 = arith.constant 0 : i32
        %dma_wait3A_739 = arith.constant 0 : i32
        %dma_wait3A_740 = tpu.memref_slice %arg6[%dma_wait3A_737, %dma_wait3A_738, %dma_wait3A_739] : memref<2x6x128xi32, #tpu.memory_space<vmem>> -> memref<1x6x128xi32, #tpu.memory_space<vmem>>
        %dma_wait3A_741 = tpu.memref_squeeze %dma_wait3A_740 : memref<1x6x128xi32, #tpu.memory_space<vmem>> -> memref<6x128xi32, #tpu.memory_space<vmem>>
        %dma_wait3A_742 = arith.constant 0 : i32
        %dma_wait3A_743 = arith.constant 0 : i32
        %dma_wait3A_744 = tpu.memref_slice %arg2[%dma_wait3A_742, %dma_wait3A_736, %dma_wait3A_743] : memref<6x50x4096xi32, #tpu.memory_space<hbm>> -> memref<6x1x128xi32, #tpu.memory_space<hbm>>
        %dma_wait3A_745 = tpu.memref_squeeze %dma_wait3A_744 : memref<6x1x128xi32, #tpu.memory_space<hbm>> -> memref<6x128xi32, #tpu.memory_space<hbm>>
        %dma_wait3A_746 = arith.constant 0 : i32
        %dma_wait3A_747 = arith.constant 0 : i32
        %dma_wait3A_748 = tpu.memref_slice %arg6[%dma_wait3A_737, %dma_wait3A_746, %dma_wait3A_747] : memref<2x6x128xi32, #tpu.memory_space<vmem>> -> memref<1x6x128xi32, #tpu.memory_space<vmem>>
        %dma_wait3A_749 = tpu.memref_squeeze %dma_wait3A_748 : memref<1x6x128xi32, #tpu.memory_space<vmem>> -> memref<6x128xi32, #tpu.memory_space<vmem>>
        %dma_wait3A_750 = arith.constant 0 : i32
        %dma_wait3A_751 = arith.constant 0 : i32
        %dma_wait3A_752 = tpu.memref_slice %arg2[%dma_wait3A_750, %dma_wait3A_736, %dma_wait3A_751] : memref<6x50x4096xi32, #tpu.memory_space<hbm>> -> memref<6x1x128xi32, #tpu.memory_space<hbm>>
        %dma_wait3A_753 = tpu.memref_squeeze %dma_wait3A_752 : memref<6x1x128xi32, #tpu.memory_space<hbm>> -> memref<6x128xi32, #tpu.memory_space<hbm>>
        tpu.wait_dma2 semaphore(%arg12 : memref<!tpu.dma_semaphore, #tpu.memory_space<semaphore_mem>>) src(%dma_wait3A_753 : memref<6x128xi32, #tpu.memory_space<hbm>>) dst(%dma_wait3A_749 : memref<6x128xi32, #tpu.memory_space<vmem>>)
        %dma_wait3A_754 = arith.constant 0 : i32
        %dma_wait3A_755 = arith.constant 1 : i32
        %dma_wait3A_756 = arith.constant 0 : i32
        %dma_wait3A_757 = tpu.memref_slice %arg7[%dma_wait3A_755, %dma_wait3A_756] : memref<2x128xi32, #tpu.memory_space<vmem>> -> memref<1x128xi32, #tpu.memory_space<vmem>>
        %dma_wait3A_758 = tpu.memref_squeeze %dma_wait3A_757 : memref<1x128xi32, #tpu.memory_space<vmem>> -> memref<128xi32, #tpu.memory_space<vmem>>
        %dma_wait3A_759 = arith.constant 0 : i32
        %dma_wait3A_760 = tpu.memref_slice %arg3[%dma_wait3A_754, %dma_wait3A_759] : memref<50x4096xi32, #tpu.memory_space<hbm>> -> memref<1x128xi32, #tpu.memory_space<hbm>>
        %dma_wait3A_761 = tpu.memref_squeeze %dma_wait3A_760 : memref<1x128xi32, #tpu.memory_space<hbm>> -> memref<128xi32, #tpu.memory_space<hbm>>
        %dma_wait3A_762 = arith.constant 0 : i32
        %dma_wait3A_763 = tpu.memref_slice %arg7[%dma_wait3A_755, %dma_wait3A_762] : memref<2x128xi32, #tpu.memory_space<vmem>> -> memref<1x128xi32, #tpu.memory_space<vmem>>
        %dma_wait3A_764 = tpu.memref_squeeze %dma_wait3A_763 : memref<1x128xi32, #tpu.memory_space<vmem>> -> memref<128xi32, #tpu.memory_space<vmem>>
        %dma_wait3A_765 = arith.constant 0 : i32
        %dma_wait3A_766 = tpu.memref_slice %arg3[%dma_wait3A_754, %dma_wait3A_765] : memref<50x4096xi32, #tpu.memory_space<hbm>> -> memref<1x128xi32, #tpu.memory_space<hbm>>
        %dma_wait3A_767 = tpu.memref_squeeze %dma_wait3A_766 : memref<1x128xi32, #tpu.memory_space<hbm>> -> memref<128xi32, #tpu.memory_space<hbm>>
        tpu.wait_dma2 semaphore(%arg12 : memref<!tpu.dma_semaphore, #tpu.memory_space<semaphore_mem>>) src(%dma_wait3A_767 : memref<128xi32, #tpu.memory_space<hbm>>) dst(%dma_wait3A_764 : memref<128xi32, #tpu.memory_space<vmem>>)
        %get3A_768 = arith.constant 1 : i32
        %get3A_769 = arith.index_cast %get3A_768 : i32 to index
        %get3A_770 = arith.constant 0 : index
        %get3A_771 = tpu.vector_load %arg7[%get3A_769, %get3A_770] {strides = array<i32>} : memref<2x128xi32, #tpu.memory_space<vmem>>, vector<16xi32>,
        %add3A_772 = arith.constant 1000000 : i32
        %add3A_773 = vector.broadcast %add3A_772 : i32 to vector<16xi32>
        %add3A_774 = arith.addi %get3A_771, %add3A_773 : vector<16xi32>
        %swap3A_775 = arith.constant 1 : i32
        %swap3A_776 = arith.index_cast %swap3A_775 : i32 to index
        %swap3A_777 = arith.constant 0 : index
        %swap3A_778 = tpu.vector_load %arg7[%swap3A_776, %swap3A_777] {strides = array<i32>} : memref<2x128xi32, #tpu.memory_space<vmem>>, vector<16xi32>,
        tpu.vector_store %arg7[%swap3A_776, %swap3A_777], %add3A_774 {strides = array<i32>} : memref<2x128xi32, #tpu.memory_space<vmem>>, vector<16xi32>,
        %get3A_779 = arith.constant 1 : i32
        %get3A_780 = arith.index_cast %get3A_779 : i32 to index
        %get3A_781 = arith.constant 16 : index
        %get3A_782 = tpu.vector_load %arg7[%get3A_780, %get3A_781] {strides = array<i32>} : memref<2x128xi32, #tpu.memory_space<vmem>>, vector<16xi32>,
        %add3A_783 = arith.constant 1000000 : i32
        %add3A_784 = vector.broadcast %add3A_783 : i32 to vector<16xi32>
        %add3A_785 = arith.addi %get3A_782, %add3A_784 : vector<16xi32>
        %swap3A_786 = arith.constant 1 : i32
        %swap3A_787 = arith.index_cast %swap3A_786 : i32 to index
        %swap3A_788 = arith.constant 16 : index
        %swap3A_789 = tpu.vector_load %arg7[%swap3A_787, %swap3A_788] {strides = array<i32>} : memref<2x128xi32, #tpu.memory_space<vmem>>, vector<16xi32>,
        tpu.vector_store %arg7[%swap3A_787, %swap3A_788], %add3A_785 {strides = array<i32>} : memref<2x128xi32, #tpu.memory_space<vmem>>, vector<16xi32>,
        %get3A_790 = arith.constant 1 : i32
        %get3A_791 = arith.index_cast %get3A_790 : i32 to index
        %get3A_792 = arith.constant 32 : index
        %get3A_793 = tpu.vector_load %arg7[%get3A_791, %get3A_792] {strides = array<i32>} : memref<2x128xi32, #tpu.memory_space<vmem>>, vector<16xi32>,
        %add3A_794 = arith.constant 1000000 : i32
        %add3A_795 = vector.broadcast %add3A_794 : i32 to vector<16xi32>
        %add3A_796 = arith.addi %get3A_793, %add3A_795 : vector<16xi32>
        %swap3A_797 = arith.constant 1 : i32
        %swap3A_798 = arith.index_cast %swap3A_797 : i32 to index
        %swap3A_799 = arith.constant 32 : index
        %swap3A_800 = tpu.vector_load %arg7[%swap3A_798, %swap3A_799] {strides = array<i32>} : memref<2x128xi32, #tpu.memory_space<vmem>>, vector<16xi32>,
        tpu.vector_store %arg7[%swap3A_798, %swap3A_799], %add3A_796 {strides = array<i32>} : memref<2x128xi32, #tpu.memory_space<vmem>>, vector<16xi32>,
        %get3A_801 = arith.constant 1 : i32
        %get3A_802 = arith.index_cast %get3A_801 : i32 to index
        %get3A_803 = arith.constant 48 : index
        %get3A_804 = tpu.vector_load %arg7[%get3A_802, %get3A_803] {strides = array<i32>} : memref<2x128xi32, #tpu.memory_space<vmem>>, vector<16xi32>,
        %add3A_805 = arith.constant 1000000 : i32
        %add3A_806 = vector.broadcast %add3A_805 : i32 to vector<16xi32>
        %add3A_807 = arith.addi %get3A_804, %add3A_806 : vector<16xi32>
        %swap3A_808 = arith.constant 1 : i32
        %swap3A_809 = arith.index_cast %swap3A_808 : i32 to index
        %swap3A_810 = arith.constant 48 : index
        %swap3A_811 = tpu.vector_load %arg7[%swap3A_809, %swap3A_810] {strides = array<i32>} : memref<2x128xi32, #tpu.memory_space<vmem>>, vector<16xi32>,
        tpu.vector_store %arg7[%swap3A_809, %swap3A_810], %add3A_807 {strides = array<i32>} : memref<2x128xi32, #tpu.memory_space<vmem>>, vector<16xi32>,
        %get3A_812 = arith.constant 1 : i32
        %get3A_813 = arith.index_cast %get3A_812 : i32 to index
        %get3A_814 = arith.constant 64 : index
        %get3A_815 = tpu.vector_load %arg7[%get3A_813, %get3A_814] {strides = array<i32>} : memref<2x128xi32, #tpu.memory_space<vmem>>, vector<16xi32>,
        %add3A_816 = arith.constant 1000000 : i32
        %add3A_817 = vector.broadcast %add3A_816 : i32 to vector<16xi32>
        %add3A_818 = arith.addi %get3A_815, %add3A_817 : vector<16xi32>
        %swap3A_819 = arith.constant 1 : i32
        %swap3A_820 = arith.index_cast %swap3A_819 : i32 to index
        %swap3A_821 = arith.constant 64 : index
        %swap3A_822 = tpu.vector_load %arg7[%swap3A_820, %swap3A_821] {strides = array<i32>} : memref<2x128xi32, #tpu.memory_space<vmem>>, vector<16xi32>,
        tpu.vector_store %arg7[%swap3A_820, %swap3A_821], %add3A_818 {strides = array<i32>} : memref<2x128xi32, #tpu.memory_space<vmem>>, vector<16xi32>,
        %get3A_823 = arith.constant 1 : i32
        %get3A_824 = arith.index_cast %get3A_823 : i32 to index
        %get3A_825 = arith.constant 80 : index
        %get3A_826 = tpu.vector_load %arg7[%get3A_824, %get3A_825] {strides = array<i32>} : memref<2x128xi32, #tpu.memory_space<vmem>>, vector<16xi32>,
        %add3A_827 = arith.constant 1000000 : i32
        %add3A_828 = vector.broadcast %add3A_827 : i32 to vector<16xi32>
        %add3A_829 = arith.addi %get3A_826, %add3A_828 : vector<16xi32>
        %swap3A_830 = arith.constant 1 : i32
        %swap3A_831 = arith.index_cast %swap3A_830 : i32 to index
        %swap3A_832 = arith.constant 80 : index
        %swap3A_833 = tpu.vector_load %arg7[%swap3A_831, %swap3A_832] {strides = array<i32>} : memref<2x128xi32, #tpu.memory_space<vmem>>, vector<16xi32>,
        tpu.vector_store %arg7[%swap3A_831, %swap3A_832], %add3A_829 {strides = array<i32>} : memref<2x128xi32, #tpu.memory_space<vmem>>, vector<16xi32>,
        %get3A_834 = arith.constant 1 : i32
        %get3A_835 = arith.index_cast %get3A_834 : i32 to index
        %get3A_836 = arith.constant 96 : index
        %get3A_837 = tpu.vector_load %arg7[%get3A_835, %get3A_836] {strides = array<i32>} : memref<2x128xi32, #tpu.memory_space<vmem>>, vector<16xi32>,
        %add3A_838 = arith.constant 1000000 : i32
        %add3A_839 = vector.broadcast %add3A_838 : i32 to vector<16xi32>
        %add3A_840 = arith.addi %get3A_837, %add3A_839 : vector<16xi32>
        %swap3A_841 = arith.constant 1 : i32
        %swap3A_842 = arith.index_cast %swap3A_841 : i32 to index
        %swap3A_843 = arith.constant 96 : index
        %swap3A_844 = tpu.vector_load %arg7[%swap3A_842, %swap3A_843] {strides = array<i32>} : memref<2x128xi32, #tpu.memory_space<vmem>>, vector<16xi32>,
        tpu.vector_store %arg7[%swap3A_842, %swap3A_843], %add3A_840 {strides = array<i32>} : memref<2x128xi32, #tpu.memory_space<vmem>>, vector<16xi32>,
        %get3A_845 = arith.constant 1 : i32
        %get3A_846 = arith.index_cast %get3A_845 : i32 to index
        %get3A_847 = arith.constant 112 : index
        %get3A_848 = tpu.vector_load %arg7[%get3A_846, %get3A_847] {strides = array<i32>} : memref<2x128xi32, #tpu.memory_space<vmem>>, vector<16xi32>,
        %add3A_849 = arith.constant 1000000 : i32
        %add3A_850 = vector.broadcast %add3A_849 : i32 to vector<16xi32>
        %add3A_851 = arith.addi %get3A_848, %add3A_850 : vector<16xi32>
        %swap3A_852 = arith.constant 1 : i32
        %swap3A_853 = arith.index_cast %swap3A_852 : i32 to index
        %swap3A_854 = arith.constant 112 : index
        %swap3A_855 = tpu.vector_load %arg7[%swap3A_853, %swap3A_854] {strides = array<i32>} : memref<2x128xi32, #tpu.memory_space<vmem>>, vector<16xi32>,
        tpu.vector_store %arg7[%swap3A_853, %swap3A_854], %add3A_851 {strides = array<i32>} : memref<2x128xi32, #tpu.memory_space<vmem>>, vector<16xi32>,
        %dma_start3A_856 = arith.constant 1 : i32
        %dma_start3A_857 = arith.constant 0 : i32
        %dma_start3A_858 = arith.constant 1 : i32
        %dma_start3A_859 = arith.constant 0 : i32
        %dma_start3A_860 = arith.constant 0 : i32
        %dma_start3A_861 = tpu.memref_slice %arg8[%dma_start3A_858, %dma_start3A_859, %dma_start3A_860] : memref<2x768x32xf32, #tpu.memory_space<vmem>> -> memref<1x768x32xf32, #tpu.memory_space<vmem>>
        %dma_start3A_862 = tpu.memref_squeeze %dma_start3A_861 : memref<1x768x32xf32, #tpu.memory_space<vmem>> -> memref<768x32xf32, #tpu.memory_space<vmem>>
        %dma_start3A_863 = arith.constant 0 : i32
        %dma_start3A_864 = arith.constant 0 : i32
        %dma_start3A_865 = tpu.memref_slice %dma_start3A_862[%dma_start3A_863, %dma_start3A_864] : memref<768x32xf32, #tpu.memory_space<vmem>> -> memref<128x32xf32, #tpu.memory_space<vmem>>
        %dma_start3A_866 = arith.constant 0 : i32
        %dma_start3A_867 = arith.constant 0 : i32
        %dma_start3A_868 = tpu.memref_slice %arg6[%dma_start3A_856, %dma_start3A_866, %dma_start3A_867] : memref<2x6x128xi32, #tpu.memory_space<vmem>> -> memref<1x6x128xi32, #tpu.memory_space<vmem>>
        %dma_start3A_869 = tpu.memref_squeeze %dma_start3A_868 : memref<1x6x128xi32, #tpu.memory_space<vmem>> -> memref<6x128xi32, #tpu.memory_space<vmem>>
        %dma_start3A_870 = arith.constant 0 : i32
        %dma_start3A_871 = tpu.memref_slice %dma_start3A_869[%dma_start3A_857, %dma_start3A_870] : memref<6x128xi32, #tpu.memory_space<vmem>> -> memref<1x128xi32, #tpu.memory_space<vmem>>
        %dma_start3A_872 = tpu.memref_squeeze %dma_start3A_871 : memref<1x128xi32, #tpu.memory_space<vmem>> -> memref<128xi32, #tpu.memory_space<vmem>>
        %dma_start3A_873 = arith.constant 0 : i32
        %dma_start3A_874 = arith.constant 0 : i32
        %dma_start3A_875 = tpu.memref_slice %arg4[%dma_start3A_873, %dma_start3A_874] : memref<1100001x32xf32, #tpu.memory_space<hbm>> -> memref<1100001x32xf32, #tpu.memory_space<hbm>>
        tpu.enqueue_indirect_dma source(%dma_start3A_875 : memref<1100001x32xf32, #tpu.memory_space<hbm>>) target(%dma_start3A_865 : memref<128x32xf32, #tpu.memory_space<vmem>>) offsets(%dma_start3A_872 : memref<128xi32, #tpu.memory_space<vmem>>) semaphore(%arg14 : memref<!tpu.dma_semaphore, #tpu.memory_space<semaphore_mem>>)
        %dma_start3A_876 = arith.constant 1 : i32
        %dma_start3A_877 = arith.constant 1 : i32
        %dma_start3A_878 = arith.constant 1 : i32
        %dma_start3A_879 = arith.constant 0 : i32
        %dma_start3A_880 = arith.constant 0 : i32
        %dma_start3A_881 = tpu.memref_slice %arg8[%dma_start3A_878, %dma_start3A_879, %dma_start3A_880] : memref<2x768x32xf32, #tpu.memory_space<vmem>> -> memref<1x768x32xf32, #tpu.memory_space<vmem>>
        %dma_start3A_882 = tpu.memref_squeeze %dma_start3A_881 : memref<1x768x32xf32, #tpu.memory_space<vmem>> -> memref<768x32xf32, #tpu.memory_space<vmem>>
        %dma_start3A_883 = arith.constant 128 : i32
        %dma_start3A_884 = arith.constant 0 : i32
        %dma_start3A_885 = tpu.memref_slice %dma_start3A_882[%dma_start3A_883, %dma_start3A_884] : memref<768x32xf32, #tpu.memory_space<vmem>> -> memref<128x32xf32, #tpu.memory_space<vmem>>
        %dma_start3A_886 = arith.constant 0 : i32
        %dma_start3A_887 = arith.constant 0 : i32
        %dma_start3A_888 = tpu.memref_slice %arg6[%dma_start3A_876, %dma_start3A_886, %dma_start3A_887] : memref<2x6x128xi32, #tpu.memory_space<vmem>> -> memref<1x6x128xi32, #tpu.memory_space<vmem>>
        %dma_start3A_889 = tpu.memref_squeeze %dma_start3A_888 : memref<1x6x128xi32, #tpu.memory_space<vmem>> -> memref<6x128xi32, #tpu.memory_space<vmem>>
        %dma_start3A_890 = arith.constant 0 : i32
        %dma_start3A_891 = tpu.memref_slice %dma_start3A_889[%dma_start3A_877, %dma_start3A_890] : memref<6x128xi32, #tpu.memory_space<vmem>> -> memref<1x128xi32, #tpu.memory_space<vmem>>
        %dma_start3A_892 = tpu.memref_squeeze %dma_start3A_891 : memref<1x128xi32, #tpu.memory_space<vmem>> -> memref<128xi32, #tpu.memory_space<vmem>>
        %dma_start3A_893 = arith.constant 0 : i32
        %dma_start3A_894 = arith.constant 0 : i32
        %dma_start3A_895 = tpu.memref_slice %arg4[%dma_start3A_893, %dma_start3A_894] : memref<1100001x32xf32, #tpu.memory_space<hbm>> -> memref<1100001x32xf32, #tpu.memory_space<hbm>>
        tpu.enqueue_indirect_dma source(%dma_start3A_895 : memref<1100001x32xf32, #tpu.memory_space<hbm>>) target(%dma_start3A_885 : memref<128x32xf32, #tpu.memory_space<vmem>>) offsets(%dma_start3A_892 : memref<128xi32, #tpu.memory_space<vmem>>) semaphore(%arg14 : memref<!tpu.dma_semaphore, #tpu.memory_space<semaphore_mem>>)
        %dma_start3A_896 = arith.constant 1 : i32
        %dma_start3A_897 = arith.constant 2 : i32
        %dma_start3A_898 = arith.constant 1 : i32
        %dma_start3A_899 = arith.constant 0 : i32
        %dma_start3A_900 = arith.constant 0 : i32
        %dma_start3A_901 = tpu.memref_slice %arg8[%dma_start3A_898, %dma_start3A_899, %dma_start3A_900] : memref<2x768x32xf32, #tpu.memory_space<vmem>> -> memref<1x768x32xf32, #tpu.memory_space<vmem>>
        %dma_start3A_902 = tpu.memref_squeeze %dma_start3A_901 : memref<1x768x32xf32, #tpu.memory_space<vmem>> -> memref<768x32xf32, #tpu.memory_space<vmem>>
        %dma_start3A_903 = arith.constant 256 : i32
        %dma_start3A_904 = arith.constant 0 : i32
        %dma_start3A_905 = tpu.memref_slice %dma_start3A_902[%dma_start3A_903, %dma_start3A_904] : memref<768x32xf32, #tpu.memory_space<vmem>> -> memref<128x32xf32, #tpu.memory_space<vmem>>
        %dma_start3A_906 = arith.constant 0 : i32
        %dma_start3A_907 = arith.constant 0 : i32
        %dma_start3A_908 = tpu.memref_slice %arg6[%dma_start3A_896, %dma_start3A_906, %dma_start3A_907] : memref<2x6x128xi32, #tpu.memory_space<vmem>> -> memref<1x6x128xi32, #tpu.memory_space<vmem>>
        %dma_start3A_909 = tpu.memref_squeeze %dma_start3A_908 : memref<1x6x128xi32, #tpu.memory_space<vmem>> -> memref<6x128xi32, #tpu.memory_space<vmem>>
        %dma_start3A_910 = arith.constant 0 : i32
        %dma_start3A_911 = tpu.memref_slice %dma_start3A_909[%dma_start3A_897, %dma_start3A_910] : memref<6x128xi32, #tpu.memory_space<vmem>> -> memref<1x128xi32, #tpu.memory_space<vmem>>
        %dma_start3A_912 = tpu.memref_squeeze %dma_start3A_911 : memref<1x128xi32, #tpu.memory_space<vmem>> -> memref<128xi32, #tpu.memory_space<vmem>>
        %dma_start3A_913 = arith.constant 0 : i32
        %dma_start3A_914 = arith.constant 0 : i32
        %dma_start3A_915 = tpu.memref_slice %arg4[%dma_start3A_913, %dma_start3A_914] : memref<1100001x32xf32, #tpu.memory_space<hbm>> -> memref<1100001x32xf32, #tpu.memory_space<hbm>>
        tpu.enqueue_indirect_dma source(%dma_start3A_915 : memref<1100001x32xf32, #tpu.memory_space<hbm>>) target(%dma_start3A_905 : memref<128x32xf32, #tpu.memory_space<vmem>>) offsets(%dma_start3A_912 : memref<128xi32, #tpu.memory_space<vmem>>) semaphore(%arg14 : memref<!tpu.dma_semaphore, #tpu.memory_space<semaphore_mem>>)
        %dma_start3A_916 = arith.constant 1 : i32
        %dma_start3A_917 = arith.constant 3 : i32
        %dma_start3A_918 = arith.constant 1 : i32
        %dma_start3A_919 = arith.constant 0 : i32
        %dma_start3A_920 = arith.constant 0 : i32
        %dma_start3A_921 = tpu.memref_slice %arg8[%dma_start3A_918, %dma_start3A_919, %dma_start3A_920] : memref<2x768x32xf32, #tpu.memory_space<vmem>> -> memref<1x768x32xf32, #tpu.memory_space<vmem>>
        %dma_start3A_922 = tpu.memref_squeeze %dma_start3A_921 : memref<1x768x32xf32, #tpu.memory_space<vmem>> -> memref<768x32xf32, #tpu.memory_space<vmem>>
        %dma_start3A_923 = arith.constant 384 : i32
        %dma_start3A_924 = arith.constant 0 : i32
        %dma_start3A_925 = tpu.memref_slice %dma_start3A_922[%dma_start3A_923, %dma_start3A_924] : memref<768x32xf32, #tpu.memory_space<vmem>> -> memref<128x32xf32, #tpu.memory_space<vmem>>
        %dma_start3A_926 = arith.constant 0 : i32
        %dma_start3A_927 = arith.constant 0 : i32
        %dma_start3A_928 = tpu.memref_slice %arg6[%dma_start3A_916, %dma_start3A_926, %dma_start3A_927] : memref<2x6x128xi32, #tpu.memory_space<vmem>> -> memref<1x6x128xi32, #tpu.memory_space<vmem>>
        %dma_start3A_929 = tpu.memref_squeeze %dma_start3A_928 : memref<1x6x128xi32, #tpu.memory_space<vmem>> -> memref<6x128xi32, #tpu.memory_space<vmem>>
        %dma_start3A_930 = arith.constant 0 : i32
        %dma_start3A_931 = tpu.memref_slice %dma_start3A_929[%dma_start3A_917, %dma_start3A_930] : memref<6x128xi32, #tpu.memory_space<vmem>> -> memref<1x128xi32, #tpu.memory_space<vmem>>
        %dma_start3A_932 = tpu.memref_squeeze %dma_start3A_931 : memref<1x128xi32, #tpu.memory_space<vmem>> -> memref<128xi32, #tpu.memory_space<vmem>>
        %dma_start3A_933 = arith.constant 0 : i32
        %dma_start3A_934 = arith.constant 0 : i32
        %dma_start3A_935 = tpu.memref_slice %arg4[%dma_start3A_933, %dma_start3A_934] : memref<1100001x32xf32, #tpu.memory_space<hbm>> -> memref<1100001x32xf32, #tpu.memory_space<hbm>>
        tpu.enqueue_indirect_dma source(%dma_start3A_935 : memref<1100001x32xf32, #tpu.memory_space<hbm>>) target(%dma_start3A_925 : memref<128x32xf32, #tpu.memory_space<vmem>>) offsets(%dma_start3A_932 : memref<128xi32, #tpu.memory_space<vmem>>) semaphore(%arg14 : memref<!tpu.dma_semaphore, #tpu.memory_space<semaphore_mem>>)
        %dma_start3A_936 = arith.constant 1 : i32
        %dma_start3A_937 = arith.constant 4 : i32
        %dma_start3A_938 = arith.constant 1 : i32
        %dma_start3A_939 = arith.constant 0 : i32
        %dma_start3A_940 = arith.constant 0 : i32
        %dma_start3A_941 = tpu.memref_slice %arg8[%dma_start3A_938, %dma_start3A_939, %dma_start3A_940] : memref<2x768x32xf32, #tpu.memory_space<vmem>> -> memref<1x768x32xf32, #tpu.memory_space<vmem>>
        %dma_start3A_942 = tpu.memref_squeeze %dma_start3A_941 : memref<1x768x32xf32, #tpu.memory_space<vmem>> -> memref<768x32xf32, #tpu.memory_space<vmem>>
        %dma_start3A_943 = arith.constant 512 : i32
        %dma_start3A_944 = arith.constant 0 : i32
        %dma_start3A_945 = tpu.memref_slice %dma_start3A_942[%dma_start3A_943, %dma_start3A_944] : memref<768x32xf32, #tpu.memory_space<vmem>> -> memref<128x32xf32, #tpu.memory_space<vmem>>
        %dma_start3A_946 = arith.constant 0 : i32
        %dma_start3A_947 = arith.constant 0 : i32
        %dma_start3A_948 = tpu.memref_slice %arg6[%dma_start3A_936, %dma_start3A_946, %dma_start3A_947] : memref<2x6x128xi32, #tpu.memory_space<vmem>> -> memref<1x6x128xi32, #tpu.memory_space<vmem>>
        %dma_start3A_949 = tpu.memref_squeeze %dma_start3A_948 : memref<1x6x128xi32, #tpu.memory_space<vmem>> -> memref<6x128xi32, #tpu.memory_space<vmem>>
        %dma_start3A_950 = arith.constant 0 : i32
        %dma_start3A_951 = tpu.memref_slice %dma_start3A_949[%dma_start3A_937, %dma_start3A_950] : memref<6x128xi32, #tpu.memory_space<vmem>> -> memref<1x128xi32, #tpu.memory_space<vmem>>
        %dma_start3A_952 = tpu.memref_squeeze %dma_start3A_951 : memref<1x128xi32, #tpu.memory_space<vmem>> -> memref<128xi32, #tpu.memory_space<vmem>>
        %dma_start3A_953 = arith.constant 0 : i32
        %dma_start3A_954 = arith.constant 0 : i32
        %dma_start3A_955 = tpu.memref_slice %arg4[%dma_start3A_953, %dma_start3A_954] : memref<1100001x32xf32, #tpu.memory_space<hbm>> -> memref<1100001x32xf32, #tpu.memory_space<hbm>>
        tpu.enqueue_indirect_dma source(%dma_start3A_955 : memref<1100001x32xf32, #tpu.memory_space<hbm>>) target(%dma_start3A_945 : memref<128x32xf32, #tpu.memory_space<vmem>>) offsets(%dma_start3A_952 : memref<128xi32, #tpu.memory_space<vmem>>) semaphore(%arg14 : memref<!tpu.dma_semaphore, #tpu.memory_space<semaphore_mem>>)
        %dma_start3A_956 = arith.constant 1 : i32
        %dma_start3A_957 = arith.constant 5 : i32
        %dma_start3A_958 = arith.constant 1 : i32
        %dma_start3A_959 = arith.constant 0 : i32
        %dma_start3A_960 = arith.constant 0 : i32
        %dma_start3A_961 = tpu.memref_slice %arg8[%dma_start3A_958, %dma_start3A_959, %dma_start3A_960] : memref<2x768x32xf32, #tpu.memory_space<vmem>> -> memref<1x768x32xf32, #tpu.memory_space<vmem>>
        %dma_start3A_962 = tpu.memref_squeeze %dma_start3A_961 : memref<1x768x32xf32, #tpu.memory_space<vmem>> -> memref<768x32xf32, #tpu.memory_space<vmem>>
        %dma_start3A_963 = arith.constant 640 : i32
        %dma_start3A_964 = arith.constant 0 : i32
        %dma_start3A_965 = tpu.memref_slice %dma_start3A_962[%dma_start3A_963, %dma_start3A_964] : memref<768x32xf32, #tpu.memory_space<vmem>> -> memref<128x32xf32, #tpu.memory_space<vmem>>
        %dma_start3A_966 = arith.constant 0 : i32
        %dma_start3A_967 = arith.constant 0 : i32
        %dma_start3A_968 = tpu.memref_slice %arg6[%dma_start3A_956, %dma_start3A_966, %dma_start3A_967] : memref<2x6x128xi32, #tpu.memory_space<vmem>> -> memref<1x6x128xi32, #tpu.memory_space<vmem>>
        %dma_start3A_969 = tpu.memref_squeeze %dma_start3A_968 : memref<1x6x128xi32, #tpu.memory_space<vmem>> -> memref<6x128xi32, #tpu.memory_space<vmem>>
        %dma_start3A_970 = arith.constant 0 : i32
        %dma_start3A_971 = tpu.memref_slice %dma_start3A_969[%dma_start3A_957, %dma_start3A_970] : memref<6x128xi32, #tpu.memory_space<vmem>> -> memref<1x128xi32, #tpu.memory_space<vmem>>
        %dma_start3A_972 = tpu.memref_squeeze %dma_start3A_971 : memref<1x128xi32, #tpu.memory_space<vmem>> -> memref<128xi32, #tpu.memory_space<vmem>>
        %dma_start3A_973 = arith.constant 0 : i32
        %dma_start3A_974 = arith.constant 0 : i32
        %dma_start3A_975 = tpu.memref_slice %arg4[%dma_start3A_973, %dma_start3A_974] : memref<1100001x32xf32, #tpu.memory_space<hbm>> -> memref<1100001x32xf32, #tpu.memory_space<hbm>>
        tpu.enqueue_indirect_dma source(%dma_start3A_975 : memref<1100001x32xf32, #tpu.memory_space<hbm>>) target(%dma_start3A_965 : memref<128x32xf32, #tpu.memory_space<vmem>>) offsets(%dma_start3A_972 : memref<128xi32, #tpu.memory_space<vmem>>) semaphore(%arg14 : memref<!tpu.dma_semaphore, #tpu.memory_space<semaphore_mem>>)
        %dma_start3A_976 = arith.constant 1 : i32
        %dma_start3A_977 = arith.constant 1 : i32
        %dma_start3A_978 = arith.constant 0 : i32
        %dma_start3A_979 = arith.constant 0 : i32
        %dma_start3A_980 = tpu.memref_slice %arg9[%dma_start3A_977, %dma_start3A_978, %dma_start3A_979] : memref<2x128x32xf32, #tpu.memory_space<vmem>> -> memref<1x128x32xf32, #tpu.memory_space<vmem>>
        %dma_start3A_981 = tpu.memref_squeeze %dma_start3A_980 : memref<1x128x32xf32, #tpu.memory_space<vmem>> -> memref<128x32xf32, #tpu.memory_space<vmem>>
        %dma_start3A_982 = arith.constant 0 : i32
        %dma_start3A_983 = tpu.memref_slice %arg7[%dma_start3A_976, %dma_start3A_982] : memref<2x128xi32, #tpu.memory_space<vmem>> -> memref<1x128xi32, #tpu.memory_space<vmem>>
        %dma_start3A_984 = tpu.memref_squeeze %dma_start3A_983 : memref<1x128xi32, #tpu.memory_space<vmem>> -> memref<128xi32, #tpu.memory_space<vmem>>
        %dma_start3A_985 = arith.constant 0 : i32
        %dma_start3A_986 = arith.constant 0 : i32
        %dma_start3A_987 = tpu.memref_slice %arg4[%dma_start3A_985, %dma_start3A_986] : memref<1100001x32xf32, #tpu.memory_space<hbm>> -> memref<1100001x32xf32, #tpu.memory_space<hbm>>
        tpu.enqueue_indirect_dma source(%dma_start3A_987 : memref<1100001x32xf32, #tpu.memory_space<hbm>>) target(%dma_start3A_981 : memref<128x32xf32, #tpu.memory_space<vmem>>) offsets(%dma_start3A_984 : memref<128xi32, #tpu.memory_space<vmem>>) semaphore(%arg14 : memref<!tpu.dma_semaphore, #tpu.memory_space<semaphore_mem>>)
      } else {
      }
      %scan3A_372 = arith.constant 0 : i32
      %scan3A_373 = arith.constant 0 : i32
      %scan3A_374 = arith.constant 64 : i32
      %scan3A_375 = arith.addi %scan3A_373, %scan3A_374 : i32
      %scan3A_376 = arith.constant 1 : i32
      scf.for %scan3A_736 = %scan3A_373 to %scan3A_375 step %scan3A_376  : i32 {
        %mul3A_737 = arith.constant 2 : i32
        %mul3A_738 = arith.muli %scan3A_736, %mul3A_737 : i32
        %add3A_739 = arith.constant 0 : i32
        %add3A_740 = arith.addi %mul3A_738, %add3A_739 : i32
        %get3A_741 = arith.constant 0 : i32
        %get3A_742 = arith.index_cast %get3A_741 : i32 to index
        %get3A_743 = arith.index_cast %add3A_740 : i32 to index
        %get3A_744 = arith.constant 0 : index
        %get3A_745 = tpu.vector_load %arg9[%get3A_742, %get3A_743, %get3A_744] {strides = array<i32>} : memref<2x128x32xf32, #tpu.memory_space<vmem>>, vector<16xf32>,
        %get3A_746 = arith.constant 0 : i32
        %get3A_747 = arith.index_cast %get3A_746 : i32 to index
        %get3A_748 = arith.index_cast %add3A_740 : i32 to index
        %get3A_749 = arith.constant 16 : index
        %get3A_750 = tpu.vector_load %arg9[%get3A_747, %get3A_748, %get3A_749] {strides = array<i32>} : memref<2x128x32xf32, #tpu.memory_space<vmem>>, vector<16xf32>,
        %add3A_751 = arith.constant 0 : i32
        %add3A_752 = arith.addi %add3A_751, %add3A_740 : i32
        %get3A_753 = arith.constant 0 : i32
        %get3A_754 = arith.index_cast %get3A_753 : i32 to index
        %get3A_755 = arith.index_cast %add3A_752 : i32 to index
        %get3A_756 = arith.constant 0 : index
        %get3A_757 = tpu.vector_load %arg8[%get3A_754, %get3A_755, %get3A_756] {strides = array<i32>} : memref<2x768x32xf32, #tpu.memory_space<vmem>>, vector<16xf32>,
        %add3A_758 = arith.addf %get3A_745, %get3A_757 : vector<16xf32>
        %add3A_759 = arith.constant 0 : i32
        %add3A_760 = arith.addi %add3A_759, %add3A_740 : i32
        %get3A_761 = arith.constant 0 : i32
        %get3A_762 = arith.index_cast %get3A_761 : i32 to index
        %get3A_763 = arith.index_cast %add3A_760 : i32 to index
        %get3A_764 = arith.constant 16 : index
        %get3A_765 = tpu.vector_load %arg8[%get3A_762, %get3A_763, %get3A_764] {strides = array<i32>} : memref<2x768x32xf32, #tpu.memory_space<vmem>>, vector<16xf32>,
        %add3A_766 = arith.addf %get3A_750, %get3A_765 : vector<16xf32>
        %add3A_767 = arith.constant 128 : i32
        %add3A_768 = arith.addi %add3A_767, %add3A_740 : i32
        %get3A_769 = arith.constant 0 : i32
        %get3A_770 = arith.index_cast %get3A_769 : i32 to index
        %get3A_771 = arith.index_cast %add3A_768 : i32 to index
        %get3A_772 = arith.constant 0 : index
        %get3A_773 = tpu.vector_load %arg8[%get3A_770, %get3A_771, %get3A_772] {strides = array<i32>} : memref<2x768x32xf32, #tpu.memory_space<vmem>>, vector<16xf32>,
        %add3A_774 = arith.addf %add3A_758, %get3A_773 : vector<16xf32>
        %add3A_775 = arith.constant 128 : i32
        %add3A_776 = arith.addi %add3A_775, %add3A_740 : i32
        %get3A_777 = arith.constant 0 : i32
        %get3A_778 = arith.index_cast %get3A_777 : i32 to index
        %get3A_779 = arith.index_cast %add3A_776 : i32 to index
        %get3A_780 = arith.constant 16 : index
        %get3A_781 = tpu.vector_load %arg8[%get3A_778, %get3A_779, %get3A_780] {strides = array<i32>} : memref<2x768x32xf32, #tpu.memory_space<vmem>>, vector<16xf32>,
        %add3A_782 = arith.addf %add3A_766, %get3A_781 : vector<16xf32>
        %add3A_783 = arith.constant 256 : i32
        %add3A_784 = arith.addi %add3A_783, %add3A_740 : i32
        %get3A_785 = arith.constant 0 : i32
        %get3A_786 = arith.index_cast %get3A_785 : i32 to index
        %get3A_787 = arith.index_cast %add3A_784 : i32 to index
        %get3A_788 = arith.constant 0 : index
        %get3A_789 = tpu.vector_load %arg8[%get3A_786, %get3A_787, %get3A_788] {strides = array<i32>} : memref<2x768x32xf32, #tpu.memory_space<vmem>>, vector<16xf32>,
        %add3A_790 = arith.addf %add3A_774, %get3A_789 : vector<16xf32>
        %add3A_791 = arith.constant 256 : i32
        %add3A_792 = arith.addi %add3A_791, %add3A_740 : i32
        %get3A_793 = arith.constant 0 : i32
        %get3A_794 = arith.index_cast %get3A_793 : i32 to index
        %get3A_795 = arith.index_cast %add3A_792 : i32 to index
        %get3A_796 = arith.constant 16 : index
        %get3A_797 = tpu.vector_load %arg8[%get3A_794, %get3A_795, %get3A_796] {strides = array<i32>} : memref<2x768x32xf32, #tpu.memory_space<vmem>>, vector<16xf32>,
        %add3A_798 = arith.addf %add3A_782, %get3A_797 : vector<16xf32>
        %add3A_799 = arith.constant 384 : i32
        %add3A_800 = arith.addi %add3A_799, %add3A_740 : i32
        %get3A_801 = arith.constant 0 : i32
        %get3A_802 = arith.index_cast %get3A_801 : i32 to index
        %get3A_803 = arith.index_cast %add3A_800 : i32 to index
        %get3A_804 = arith.constant 0 : index
        %get3A_805 = tpu.vector_load %arg8[%get3A_802, %get3A_803, %get3A_804] {strides = array<i32>} : memref<2x768x32xf32, #tpu.memory_space<vmem>>, vector<16xf32>,
        %add3A_806 = arith.addf %add3A_790, %get3A_805 : vector<16xf32>
        %add3A_807 = arith.constant 384 : i32
        %add3A_808 = arith.addi %add3A_807, %add3A_740 : i32
        %get3A_809 = arith.constant 0 : i32
        %get3A_810 = arith.index_cast %get3A_809 : i32 to index
        %get3A_811 = arith.index_cast %add3A_808 : i32 to index
        %get3A_812 = arith.constant 16 : index
        %get3A_813 = tpu.vector_load %arg8[%get3A_810, %get3A_811, %get3A_812] {strides = array<i32>} : memref<2x768x32xf32, #tpu.memory_space<vmem>>, vector<16xf32>,
        %add3A_814 = arith.addf %add3A_798, %get3A_813 : vector<16xf32>
        %add3A_815 = arith.constant 512 : i32
        %add3A_816 = arith.addi %add3A_815, %add3A_740 : i32
        %get3A_817 = arith.constant 0 : i32
        %get3A_818 = arith.index_cast %get3A_817 : i32 to index
        %get3A_819 = arith.index_cast %add3A_816 : i32 to index
        %get3A_820 = arith.constant 0 : index
        %get3A_821 = tpu.vector_load %arg8[%get3A_818, %get3A_819, %get3A_820] {strides = array<i32>} : memref<2x768x32xf32, #tpu.memory_space<vmem>>, vector<16xf32>,
        %add3A_822 = arith.addf %add3A_806, %get3A_821 : vector<16xf32>
        %add3A_823 = arith.constant 512 : i32
        %add3A_824 = arith.addi %add3A_823, %add3A_740 : i32
        %get3A_825 = arith.constant 0 : i32
        %get3A_826 = arith.index_cast %get3A_825 : i32 to index
        %get3A_827 = arith.index_cast %add3A_824 : i32 to index
        %get3A_828 = arith.constant 16 : index
        %get3A_829 = tpu.vector_load %arg8[%get3A_826, %get3A_827, %get3A_828] {strides = array<i32>} : memref<2x768x32xf32, #tpu.memory_space<vmem>>, vector<16xf32>,
        %add3A_830 = arith.addf %add3A_814, %get3A_829 : vector<16xf32>
        %add3A_831 = arith.constant 640 : i32
        %add3A_832 = arith.addi %add3A_831, %add3A_740 : i32
        %get3A_833 = arith.constant 0 : i32
        %get3A_834 = arith.index_cast %get3A_833 : i32 to index
        %get3A_835 = arith.index_cast %add3A_832 : i32 to index
        %get3A_836 = arith.constant 0 : index
        %get3A_837 = tpu.vector_load %arg8[%get3A_834, %get3A_835, %get3A_836] {strides = array<i32>} : memref<2x768x32xf32, #tpu.memory_space<vmem>>, vector<16xf32>,
        %add3A_838 = arith.addf %add3A_822, %get3A_837 : vector<16xf32>
        %add3A_839 = arith.constant 640 : i32
        %add3A_840 = arith.addi %add3A_839, %add3A_740 : i32
        %get3A_841 = arith.constant 0 : i32
        %get3A_842 = arith.index_cast %get3A_841 : i32 to index
        %get3A_843 = arith.index_cast %add3A_840 : i32 to index
        %get3A_844 = arith.constant 16 : index
        %get3A_845 = tpu.vector_load %arg8[%get3A_842, %get3A_843, %get3A_844] {strides = array<i32>} : memref<2x768x32xf32, #tpu.memory_space<vmem>>, vector<16xf32>,
        %add3A_846 = arith.addf %add3A_830, %get3A_845 : vector<16xf32>
        %add3A_847 = vector.broadcast %add3A_740 : i32 to vector<16xi32>
        %add3A_848 = arith.addi %add3A_12, %add3A_847 : vector<16xi32>
        %mul3A_849 = vector.broadcast %scan3A_320 : f32 to vector<16xf32>
        %mul3A_850 = arith.mulf %add3A_838, %mul3A_849 : vector<16xf32>
        %scatter3A = arith.constant 0 : i32
        %scatter3A_851 = arith.constant 0 : i32
        %scatter3A_852 = tpu.memref_slice %arg10[%scatter3A, %scatter3A_851] : memref<2x4096xf32, #tpu.memory_space<vmem>> -> memref<1x4096xf32, #tpu.memory_space<vmem>>
        %scatter3A_853 = tpu.memref_squeeze %scatter3A_852 : memref<1x4096xf32, #tpu.memory_space<vmem>> -> memref<4096xf32, #tpu.memory_space<vmem>>
        tpu.vector_store_idx %scatter3A_853[%add3A_848], %mul3A_850 : memref<4096xf32, #tpu.memory_space<vmem>>[vector<16xi32>], vector<16xf32>,
        %add3A_854 = vector.broadcast %add3A_740 : i32 to vector<16xi32>
        %add3A_855 = arith.addi %add3A_15, %add3A_854 : vector<16xi32>
        %mul3A_856 = vector.broadcast %scan3A_320 : f32 to vector<16xf32>
        %mul3A_857 = arith.mulf %add3A_846, %mul3A_856 : vector<16xf32>
        %scatter3A_858 = arith.constant 0 : i32
        %scatter3A_859 = arith.constant 0 : i32
        %scatter3A_860 = tpu.memref_slice %arg10[%scatter3A_858, %scatter3A_859] : memref<2x4096xf32, #tpu.memory_space<vmem>> -> memref<1x4096xf32, #tpu.memory_space<vmem>>
        %scatter3A_861 = tpu.memref_squeeze %scatter3A_860 : memref<1x4096xf32, #tpu.memory_space<vmem>> -> memref<4096xf32, #tpu.memory_space<vmem>>
        tpu.vector_store_idx %scatter3A_861[%add3A_855], %mul3A_857 : memref<4096xf32, #tpu.memory_space<vmem>>[vector<16xi32>], vector<16xf32>,
        %mul3A_862 = arith.constant 2 : i32
        %mul3A_863 = arith.muli %scan3A_736, %mul3A_862 : i32
        %add3A_864 = arith.constant 1 : i32
        %add3A_865 = arith.addi %mul3A_863, %add3A_864 : i32
        %get3A_866 = arith.constant 0 : i32
        %get3A_867 = arith.index_cast %get3A_866 : i32 to index
        %get3A_868 = arith.index_cast %add3A_865 : i32 to index
        %get3A_869 = arith.constant 0 : index
        %get3A_870 = tpu.vector_load %arg9[%get3A_867, %get3A_868, %get3A_869] {strides = array<i32>} : memref<2x128x32xf32, #tpu.memory_space<vmem>>, vector<16xf32>,
        %get3A_871 = arith.constant 0 : i32
        %get3A_872 = arith.index_cast %get3A_871 : i32 to index
        %get3A_873 = arith.index_cast %add3A_865 : i32 to index
        %get3A_874 = arith.constant 16 : index
        %get3A_875 = tpu.vector_load %arg9[%get3A_872, %get3A_873, %get3A_874] {strides = array<i32>} : memref<2x128x32xf32, #tpu.memory_space<vmem>>, vector<16xf32>,
        %add3A_876 = arith.constant 0 : i32
        %add3A_877 = arith.addi %add3A_876, %add3A_865 : i32
        %get3A_878 = arith.constant 0 : i32
        %get3A_879 = arith.index_cast %get3A_878 : i32 to index
        %get3A_880 = arith.index_cast %add3A_877 : i32 to index
        %get3A_881 = arith.constant 0 : index
        %get3A_882 = tpu.vector_load %arg8[%get3A_879, %get3A_880, %get3A_881] {strides = array<i32>} : memref<2x768x32xf32, #tpu.memory_space<vmem>>, vector<16xf32>,
        %add3A_883 = arith.addf %get3A_870, %get3A_882 : vector<16xf32>
        %add3A_884 = arith.constant 0 : i32
        %add3A_885 = arith.addi %add3A_884, %add3A_865 : i32
        %get3A_886 = arith.constant 0 : i32
        %get3A_887 = arith.index_cast %get3A_886 : i32 to index
        %get3A_888 = arith.index_cast %add3A_885 : i32 to index
        %get3A_889 = arith.constant 16 : index
        %get3A_890 = tpu.vector_load %arg8[%get3A_887, %get3A_888, %get3A_889] {strides = array<i32>} : memref<2x768x32xf32, #tpu.memory_space<vmem>>, vector<16xf32>,
        %add3A_891 = arith.addf %get3A_875, %get3A_890 : vector<16xf32>
        %add3A_892 = arith.constant 128 : i32
        %add3A_893 = arith.addi %add3A_892, %add3A_865 : i32
        %get3A_894 = arith.constant 0 : i32
        %get3A_895 = arith.index_cast %get3A_894 : i32 to index
        %get3A_896 = arith.index_cast %add3A_893 : i32 to index
        %get3A_897 = arith.constant 0 : index
        %get3A_898 = tpu.vector_load %arg8[%get3A_895, %get3A_896, %get3A_897] {strides = array<i32>} : memref<2x768x32xf32, #tpu.memory_space<vmem>>, vector<16xf32>,
        %add3A_899 = arith.addf %add3A_883, %get3A_898 : vector<16xf32>
        %add3A_900 = arith.constant 128 : i32
        %add3A_901 = arith.addi %add3A_900, %add3A_865 : i32
        %get3A_902 = arith.constant 0 : i32
        %get3A_903 = arith.index_cast %get3A_902 : i32 to index
        %get3A_904 = arith.index_cast %add3A_901 : i32 to index
        %get3A_905 = arith.constant 16 : index
        %get3A_906 = tpu.vector_load %arg8[%get3A_903, %get3A_904, %get3A_905] {strides = array<i32>} : memref<2x768x32xf32, #tpu.memory_space<vmem>>, vector<16xf32>,
        %add3A_907 = arith.addf %add3A_891, %get3A_906 : vector<16xf32>
        %add3A_908 = arith.constant 256 : i32
        %add3A_909 = arith.addi %add3A_908, %add3A_865 : i32
        %get3A_910 = arith.constant 0 : i32
        %get3A_911 = arith.index_cast %get3A_910 : i32 to index
        %get3A_912 = arith.index_cast %add3A_909 : i32 to index
        %get3A_913 = arith.constant 0 : index
        %get3A_914 = tpu.vector_load %arg8[%get3A_911, %get3A_912, %get3A_913] {strides = array<i32>} : memref<2x768x32xf32, #tpu.memory_space<vmem>>, vector<16xf32>,
        %add3A_915 = arith.addf %add3A_899, %get3A_914 : vector<16xf32>
        %add3A_916 = arith.constant 256 : i32
        %add3A_917 = arith.addi %add3A_916, %add3A_865 : i32
        %get3A_918 = arith.constant 0 : i32
        %get3A_919 = arith.index_cast %get3A_918 : i32 to index
        %get3A_920 = arith.index_cast %add3A_917 : i32 to index
        %get3A_921 = arith.constant 16 : index
        %get3A_922 = tpu.vector_load %arg8[%get3A_919, %get3A_920, %get3A_921] {strides = array<i32>} : memref<2x768x32xf32, #tpu.memory_space<vmem>>, vector<16xf32>,
        %add3A_923 = arith.addf %add3A_907, %get3A_922 : vector<16xf32>
        %add3A_924 = arith.constant 384 : i32
        %add3A_925 = arith.addi %add3A_924, %add3A_865 : i32
        %get3A_926 = arith.constant 0 : i32
        %get3A_927 = arith.index_cast %get3A_926 : i32 to index
        %get3A_928 = arith.index_cast %add3A_925 : i32 to index
        %get3A_929 = arith.constant 0 : index
        %get3A_930 = tpu.vector_load %arg8[%get3A_927, %get3A_928, %get3A_929] {strides = array<i32>} : memref<2x768x32xf32, #tpu.memory_space<vmem>>, vector<16xf32>,
        %add3A_931 = arith.addf %add3A_915, %get3A_930 : vector<16xf32>
        %add3A_932 = arith.constant 384 : i32
        %add3A_933 = arith.addi %add3A_932, %add3A_865 : i32
        %get3A_934 = arith.constant 0 : i32
        %get3A_935 = arith.index_cast %get3A_934 : i32 to index
        %get3A_936 = arith.index_cast %add3A_933 : i32 to index
        %get3A_937 = arith.constant 16 : index
        %get3A_938 = tpu.vector_load %arg8[%get3A_935, %get3A_936, %get3A_937] {strides = array<i32>} : memref<2x768x32xf32, #tpu.memory_space<vmem>>, vector<16xf32>,
        %add3A_939 = arith.addf %add3A_923, %get3A_938 : vector<16xf32>
        %add3A_940 = arith.constant 512 : i32
        %add3A_941 = arith.addi %add3A_940, %add3A_865 : i32
        %get3A_942 = arith.constant 0 : i32
        %get3A_943 = arith.index_cast %get3A_942 : i32 to index
        %get3A_944 = arith.index_cast %add3A_941 : i32 to index
        %get3A_945 = arith.constant 0 : index
        %get3A_946 = tpu.vector_load %arg8[%get3A_943, %get3A_944, %get3A_945] {strides = array<i32>} : memref<2x768x32xf32, #tpu.memory_space<vmem>>, vector<16xf32>,
        %add3A_947 = arith.addf %add3A_931, %get3A_946 : vector<16xf32>
        %add3A_948 = arith.constant 512 : i32
        %add3A_949 = arith.addi %add3A_948, %add3A_865 : i32
        %get3A_950 = arith.constant 0 : i32
        %get3A_951 = arith.index_cast %get3A_950 : i32 to index
        %get3A_952 = arith.index_cast %add3A_949 : i32 to index
        %get3A_953 = arith.constant 16 : index
        %get3A_954 = tpu.vector_load %arg8[%get3A_951, %get3A_952, %get3A_953] {strides = array<i32>} : memref<2x768x32xf32, #tpu.memory_space<vmem>>, vector<16xf32>,
        %add3A_955 = arith.addf %add3A_939, %get3A_954 : vector<16xf32>
        %add3A_956 = arith.constant 640 : i32
        %add3A_957 = arith.addi %add3A_956, %add3A_865 : i32
        %get3A_958 = arith.constant 0 : i32
        %get3A_959 = arith.index_cast %get3A_958 : i32 to index
        %get3A_960 = arith.index_cast %add3A_957 : i32 to index
        %get3A_961 = arith.constant 0 : index
        %get3A_962 = tpu.vector_load %arg8[%get3A_959, %get3A_960, %get3A_961] {strides = array<i32>} : memref<2x768x32xf32, #tpu.memory_space<vmem>>, vector<16xf32>,
        %add3A_963 = arith.addf %add3A_947, %get3A_962 : vector<16xf32>
        %add3A_964 = arith.constant 640 : i32
        %add3A_965 = arith.addi %add3A_964, %add3A_865 : i32
        %get3A_966 = arith.constant 0 : i32
        %get3A_967 = arith.index_cast %get3A_966 : i32 to index
        %get3A_968 = arith.index_cast %add3A_965 : i32 to index
        %get3A_969 = arith.constant 16 : index
        %get3A_970 = tpu.vector_load %arg8[%get3A_967, %get3A_968, %get3A_969] {strides = array<i32>} : memref<2x768x32xf32, #tpu.memory_space<vmem>>, vector<16xf32>,
        %add3A_971 = arith.addf %add3A_955, %get3A_970 : vector<16xf32>
        %add3A_972 = vector.broadcast %add3A_865 : i32 to vector<16xi32>
        %add3A_973 = arith.addi %add3A_12, %add3A_972 : vector<16xi32>
        %mul3A_974 = vector.broadcast %scan3A_320 : f32 to vector<16xf32>
        %mul3A_975 = arith.mulf %add3A_963, %mul3A_974 : vector<16xf32>
        %scatter3A_976 = arith.constant 0 : i32
        %scatter3A_977 = arith.constant 0 : i32
        %scatter3A_978 = tpu.memref_slice %arg10[%scatter3A_976, %scatter3A_977] : memref<2x4096xf32, #tpu.memory_space<vmem>> -> memref<1x4096xf32, #tpu.memory_space<vmem>>
        %scatter3A_979 = tpu.memref_squeeze %scatter3A_978 : memref<1x4096xf32, #tpu.memory_space<vmem>> -> memref<4096xf32, #tpu.memory_space<vmem>>
        tpu.vector_store_idx %scatter3A_979[%add3A_973], %mul3A_975 : memref<4096xf32, #tpu.memory_space<vmem>>[vector<16xi32>], vector<16xf32>,
        %add3A_980 = vector.broadcast %add3A_865 : i32 to vector<16xi32>
        %add3A_981 = arith.addi %add3A_15, %add3A_980 : vector<16xi32>
        %mul3A_982 = vector.broadcast %scan3A_320 : f32 to vector<16xf32>
        %mul3A_983 = arith.mulf %add3A_971, %mul3A_982 : vector<16xf32>
        %scatter3A_984 = arith.constant 0 : i32
        %scatter3A_985 = arith.constant 0 : i32
        %scatter3A_986 = tpu.memref_slice %arg10[%scatter3A_984, %scatter3A_985] : memref<2x4096xf32, #tpu.memory_space<vmem>> -> memref<1x4096xf32, #tpu.memory_space<vmem>>
        %scatter3A_987 = tpu.memref_squeeze %scatter3A_986 : memref<1x4096xf32, #tpu.memory_space<vmem>> -> memref<4096xf32, #tpu.memory_space<vmem>>
        tpu.vector_store_idx %scatter3A_987[%add3A_981], %mul3A_983 : memref<4096xf32, #tpu.memory_space<vmem>>[vector<16xi32>], vector<16xf32>,
      }
      %scan3A_377 = arith.constant 64 : i32
      %dma_start3A_378 = arith.constant 0 : i32
      %dma_start3A_379 = arith.constant 0 : i32
      %dma_start3A_380 = arith.constant 0 : i32
      %dma_start3A_381 = tpu.memref_slice %arg10[%dma_start3A_378, %dma_start3A_380] : memref<2x4096xf32, #tpu.memory_space<vmem>> -> memref<1x4096xf32, #tpu.memory_space<vmem>>
      %dma_start3A_382 = tpu.memref_squeeze %dma_start3A_381 : memref<1x4096xf32, #tpu.memory_space<vmem>> -> memref<4096xf32, #tpu.memory_space<vmem>>
      %dma_start3A_383 = arith.constant 0 : i32
      %dma_start3A_384 = tpu.memref_slice %dma_start3A_382[%dma_start3A_383] : memref<4096xf32, #tpu.memory_space<vmem>> -> memref<1024xf32, #tpu.memory_space<vmem>>
      %dma_start3A_385 = arith.constant 0 : i32
      %dma_start3A_386 = tpu.memref_slice %arg5[%add3A_330, %dma_start3A_379, %add3A, %dma_start3A_385] : memref<50x4x32x1024xf32, #tpu.memory_space<hbm>> -> memref<1x1x1x1024xf32, #tpu.memory_space<hbm>>
      %dma_start3A_387 = tpu.memref_squeeze %dma_start3A_386 : memref<1x1x1x1024xf32, #tpu.memory_space<hbm>> -> memref<1024xf32, #tpu.memory_space<hbm>>
      %dma_start3A_388 = arith.constant 0 : i32
      %dma_start3A_389 = tpu.memref_slice %arg5[%add3A_330, %dma_start3A_379, %add3A, %dma_start3A_388] : memref<50x4x32x1024xf32, #tpu.memory_space<hbm>> -> memref<1x1x1x1024xf32, #tpu.memory_space<hbm>>
      %dma_start3A_390 = tpu.memref_squeeze %dma_start3A_389 : memref<1x1x1x1024xf32, #tpu.memory_space<hbm>> -> memref<1024xf32, #tpu.memory_space<hbm>>
      %dma_start3A_391 = arith.constant 0 : i32
      %dma_start3A_392 = tpu.memref_slice %arg10[%dma_start3A_378, %dma_start3A_391] : memref<2x4096xf32, #tpu.memory_space<vmem>> -> memref<1x4096xf32, #tpu.memory_space<vmem>>
      %dma_start3A_393 = tpu.memref_squeeze %dma_start3A_392 : memref<1x4096xf32, #tpu.memory_space<vmem>> -> memref<4096xf32, #tpu.memory_space<vmem>>
      %dma_start3A_394 = arith.constant 0 : i32
      %dma_start3A_395 = tpu.memref_slice %dma_start3A_393[%dma_start3A_394] : memref<4096xf32, #tpu.memory_space<vmem>> -> memref<1024xf32, #tpu.memory_space<vmem>>
      tpu.enqueue_dma source(%dma_start3A_395 : memref<1024xf32, #tpu.memory_space<vmem>>) target(%dma_start3A_390 : memref<1024xf32, #tpu.memory_space<hbm>>) target_semaphore(%arg13 : memref<!tpu.dma_semaphore, #tpu.memory_space<semaphore_mem>>)
      %dma_start3A_396 = arith.constant 0 : i32
      %dma_start3A_397 = arith.constant 1 : i32
      %dma_start3A_398 = arith.constant 0 : i32
      %dma_start3A_399 = tpu.memref_slice %arg10[%dma_start3A_396, %dma_start3A_398] : memref<2x4096xf32, #tpu.memory_space<vmem>> -> memref<1x4096xf32, #tpu.memory_space<vmem>>
      %dma_start3A_400 = tpu.memref_squeeze %dma_start3A_399 : memref<1x4096xf32, #tpu.memory_space<vmem>> -> memref<4096xf32, #tpu.memory_space<vmem>>
      %dma_start3A_401 = arith.constant 1024 : i32
      %dma_start3A_402 = tpu.memref_slice %dma_start3A_400[%dma_start3A_401] : memref<4096xf32, #tpu.memory_space<vmem>> -> memref<1024xf32, #tpu.memory_space<vmem>>
      %dma_start3A_403 = arith.constant 0 : i32
      %dma_start3A_404 = tpu.memref_slice %arg5[%add3A_330, %dma_start3A_397, %add3A, %dma_start3A_403] : memref<50x4x32x1024xf32, #tpu.memory_space<hbm>> -> memref<1x1x1x1024xf32, #tpu.memory_space<hbm>>
      %dma_start3A_405 = tpu.memref_squeeze %dma_start3A_404 : memref<1x1x1x1024xf32, #tpu.memory_space<hbm>> -> memref<1024xf32, #tpu.memory_space<hbm>>
      %dma_start3A_406 = arith.constant 0 : i32
      %dma_start3A_407 = tpu.memref_slice %arg5[%add3A_330, %dma_start3A_397, %add3A, %dma_start3A_406] : memref<50x4x32x1024xf32, #tpu.memory_space<hbm>> -> memref<1x1x1x1024xf32, #tpu.memory_space<hbm>>
      %dma_start3A_408 = tpu.memref_squeeze %dma_start3A_407 : memref<1x1x1x1024xf32, #tpu.memory_space<hbm>> -> memref<1024xf32, #tpu.memory_space<hbm>>
      %dma_start3A_409 = arith.constant 0 : i32
      %dma_start3A_410 = tpu.memref_slice %arg10[%dma_start3A_396, %dma_start3A_409] : memref<2x4096xf32, #tpu.memory_space<vmem>> -> memref<1x4096xf32, #tpu.memory_space<vmem>>
      %dma_start3A_411 = tpu.memref_squeeze %dma_start3A_410 : memref<1x4096xf32, #tpu.memory_space<vmem>> -> memref<4096xf32, #tpu.memory_space<vmem>>
      %dma_start3A_412 = arith.constant 1024 : i32
      %dma_start3A_413 = tpu.memref_slice %dma_start3A_411[%dma_start3A_412] : memref<4096xf32, #tpu.memory_space<vmem>> -> memref<1024xf32, #tpu.memory_space<vmem>>
      tpu.enqueue_dma source(%dma_start3A_413 : memref<1024xf32, #tpu.memory_space<vmem>>) target(%dma_start3A_408 : memref<1024xf32, #tpu.memory_space<hbm>>) target_semaphore(%arg13 : memref<!tpu.dma_semaphore, #tpu.memory_space<semaphore_mem>>)
      %dma_start3A_414 = arith.constant 0 : i32
      %dma_start3A_415 = arith.constant 2 : i32
      %dma_start3A_416 = arith.constant 0 : i32
      %dma_start3A_417 = tpu.memref_slice %arg10[%dma_start3A_414, %dma_start3A_416] : memref<2x4096xf32, #tpu.memory_space<vmem>> -> memref<1x4096xf32, #tpu.memory_space<vmem>>
      %dma_start3A_418 = tpu.memref_squeeze %dma_start3A_417 : memref<1x4096xf32, #tpu.memory_space<vmem>> -> memref<4096xf32, #tpu.memory_space<vmem>>
      %dma_start3A_419 = arith.constant 2048 : i32
      %dma_start3A_420 = tpu.memref_slice %dma_start3A_418[%dma_start3A_419] : memref<4096xf32, #tpu.memory_space<vmem>> -> memref<1024xf32, #tpu.memory_space<vmem>>
      %dma_start3A_421 = arith.constant 0 : i32
      %dma_start3A_422 = tpu.memref_slice %arg5[%add3A_330, %dma_start3A_415, %add3A, %dma_start3A_421] : memref<50x4x32x1024xf32, #tpu.memory_space<hbm>> -> memref<1x1x1x1024xf32, #tpu.memory_space<hbm>>
      %dma_start3A_423 = tpu.memref_squeeze %dma_start3A_422 : memref<1x1x1x1024xf32, #tpu.memory_space<hbm>> -> memref<1024xf32, #tpu.memory_space<hbm>>
      %dma_start3A_424 = arith.constant 0 : i32
      %dma_start3A_425 = tpu.memref_slice %arg5[%add3A_330, %dma_start3A_415, %add3A, %dma_start3A_424] : memref<50x4x32x1024xf32, #tpu.memory_space<hbm>> -> memref<1x1x1x1024xf32, #tpu.memory_space<hbm>>
      %dma_start3A_426 = tpu.memref_squeeze %dma_start3A_425 : memref<1x1x1x1024xf32, #tpu.memory_space<hbm>> -> memref<1024xf32, #tpu.memory_space<hbm>>
      %dma_start3A_427 = arith.constant 0 : i32
      %dma_start3A_428 = tpu.memref_slice %arg10[%dma_start3A_414, %dma_start3A_427] : memref<2x4096xf32, #tpu.memory_space<vmem>> -> memref<1x4096xf32, #tpu.memory_space<vmem>>
      %dma_start3A_429 = tpu.memref_squeeze %dma_start3A_428 : memref<1x4096xf32, #tpu.memory_space<vmem>> -> memref<4096xf32, #tpu.memory_space<vmem>>
      %dma_start3A_430 = arith.constant 2048 : i32
      %dma_start3A_431 = tpu.memref_slice %dma_start3A_429[%dma_start3A_430] : memref<4096xf32, #tpu.memory_space<vmem>> -> memref<1024xf32, #tpu.memory_space<vmem>>
      tpu.enqueue_dma source(%dma_start3A_431 : memref<1024xf32, #tpu.memory_space<vmem>>) target(%dma_start3A_426 : memref<1024xf32, #tpu.memory_space<hbm>>) target_semaphore(%arg13 : memref<!tpu.dma_semaphore, #tpu.memory_space<semaphore_mem>>)
      %dma_start3A_432 = arith.constant 0 : i32
      %dma_start3A_433 = arith.constant 3 : i32
      %dma_start3A_434 = arith.constant 0 : i32
      %dma_start3A_435 = tpu.memref_slice %arg10[%dma_start3A_432, %dma_start3A_434] : memref<2x4096xf32, #tpu.memory_space<vmem>> -> memref<1x4096xf32, #tpu.memory_space<vmem>>
      %dma_start3A_436 = tpu.memref_squeeze %dma_start3A_435 : memref<1x4096xf32, #tpu.memory_space<vmem>> -> memref<4096xf32, #tpu.memory_space<vmem>>
      %dma_start3A_437 = arith.constant 3072 : i32
      %dma_start3A_438 = tpu.memref_slice %dma_start3A_436[%dma_start3A_437] : memref<4096xf32, #tpu.memory_space<vmem>> -> memref<1024xf32, #tpu.memory_space<vmem>>
      %dma_start3A_439 = arith.constant 0 : i32
      %dma_start3A_440 = tpu.memref_slice %arg5[%add3A_330, %dma_start3A_433, %add3A, %dma_start3A_439] : memref<50x4x32x1024xf32, #tpu.memory_space<hbm>> -> memref<1x1x1x1024xf32, #tpu.memory_space<hbm>>
      %dma_start3A_441 = tpu.memref_squeeze %dma_start3A_440 : memref<1x1x1x1024xf32, #tpu.memory_space<hbm>> -> memref<1024xf32, #tpu.memory_space<hbm>>
      %dma_start3A_442 = arith.constant 0 : i32
      %dma_start3A_443 = tpu.memref_slice %arg5[%add3A_330, %dma_start3A_433, %add3A, %dma_start3A_442] : memref<50x4x32x1024xf32, #tpu.memory_space<hbm>> -> memref<1x1x1x1024xf32, #tpu.memory_space<hbm>>
      %dma_start3A_444 = tpu.memref_squeeze %dma_start3A_443 : memref<1x1x1x1024xf32, #tpu.memory_space<hbm>> -> memref<1024xf32, #tpu.memory_space<hbm>>
      %dma_start3A_445 = arith.constant 0 : i32
      %dma_start3A_446 = tpu.memref_slice %arg10[%dma_start3A_432, %dma_start3A_445] : memref<2x4096xf32, #tpu.memory_space<vmem>> -> memref<1x4096xf32, #tpu.memory_space<vmem>>
      %dma_start3A_447 = tpu.memref_squeeze %dma_start3A_446 : memref<1x4096xf32, #tpu.memory_space<vmem>> -> memref<4096xf32, #tpu.memory_space<vmem>>
      %dma_start3A_448 = arith.constant 3072 : i32
      %dma_start3A_449 = tpu.memref_slice %dma_start3A_447[%dma_start3A_448] : memref<4096xf32, #tpu.memory_space<vmem>> -> memref<1024xf32, #tpu.memory_space<vmem>>
      tpu.enqueue_dma source(%dma_start3A_449 : memref<1024xf32, #tpu.memory_space<vmem>>) target(%dma_start3A_444 : memref<1024xf32, #tpu.memory_space<hbm>>) target_semaphore(%arg13 : memref<!tpu.dma_semaphore, #tpu.memory_space<semaphore_mem>>)
      %dma_wait3A_450 = arith.constant 0 : i32
      %dma_wait3A_451 = arith.constant 0 : i32
      %dma_wait3A_452 = arith.constant 0 : i32
      %dma_wait3A_453 = arith.constant 0 : i32
      %dma_wait3A_454 = arith.constant 0 : i32
      %dma_wait3A_455 = tpu.memref_slice %arg10[%dma_wait3A_450, %dma_wait3A_454] : memref<2x4096xf32, #tpu.memory_space<vmem>> -> memref<1x4096xf32, #tpu.memory_space<vmem>>
      %dma_wait3A_456 = tpu.memref_squeeze %dma_wait3A_455 : memref<1x4096xf32, #tpu.memory_space<vmem>> -> memref<4096xf32, #tpu.memory_space<vmem>>
      %dma_wait3A_457 = arith.constant 0 : i32
      %dma_wait3A_458 = tpu.memref_slice %dma_wait3A_456[%dma_wait3A_457] : memref<4096xf32, #tpu.memory_space<vmem>> -> memref<1024xf32, #tpu.memory_space<vmem>>
      %dma_wait3A_459 = arith.constant 0 : i32
      %dma_wait3A_460 = tpu.memref_slice %arg5[%dma_wait3A_451, %dma_wait3A_452, %dma_wait3A_453, %dma_wait3A_459] : memref<50x4x32x1024xf32, #tpu.memory_space<hbm>> -> memref<1x1x1x1024xf32, #tpu.memory_space<hbm>>
      %dma_wait3A_461 = tpu.memref_squeeze %dma_wait3A_460 : memref<1x1x1x1024xf32, #tpu.memory_space<hbm>> -> memref<1024xf32, #tpu.memory_space<hbm>>
      %dma_wait3A_462 = arith.constant 0 : i32
      %dma_wait3A_463 = tpu.memref_slice %arg5[%dma_wait3A_451, %dma_wait3A_452, %dma_wait3A_453, %dma_wait3A_462] : memref<50x4x32x1024xf32, #tpu.memory_space<hbm>> -> memref<1x1x1x1024xf32, #tpu.memory_space<hbm>>
      %dma_wait3A_464 = tpu.memref_squeeze %dma_wait3A_463 : memref<1x1x1x1024xf32, #tpu.memory_space<hbm>> -> memref<1024xf32, #tpu.memory_space<hbm>>
      %dma_wait3A_465 = arith.constant 0 : i32
      %dma_wait3A_466 = tpu.memref_slice %arg10[%dma_wait3A_450, %dma_wait3A_465] : memref<2x4096xf32, #tpu.memory_space<vmem>> -> memref<1x4096xf32, #tpu.memory_space<vmem>>
      %dma_wait3A_467 = tpu.memref_squeeze %dma_wait3A_466 : memref<1x4096xf32, #tpu.memory_space<vmem>> -> memref<4096xf32, #tpu.memory_space<vmem>>
      %dma_wait3A_468 = arith.constant 0 : i32
      %dma_wait3A_469 = tpu.memref_slice %dma_wait3A_467[%dma_wait3A_468] : memref<4096xf32, #tpu.memory_space<vmem>> -> memref<1024xf32, #tpu.memory_space<vmem>>
      tpu.wait_dma2 semaphore(%arg13 : memref<!tpu.dma_semaphore, #tpu.memory_space<semaphore_mem>>) src(%dma_wait3A_469 : memref<1024xf32, #tpu.memory_space<vmem>>) dst(%dma_wait3A_464 : memref<1024xf32, #tpu.memory_space<hbm>>)
      %dma_wait3A_470 = arith.constant 0 : i32
      %dma_wait3A_471 = arith.constant 0 : i32
      %dma_wait3A_472 = arith.constant 0 : i32
      %dma_wait3A_473 = arith.constant 0 : i32
      %dma_wait3A_474 = arith.constant 0 : i32
      %dma_wait3A_475 = tpu.memref_slice %arg10[%dma_wait3A_470, %dma_wait3A_474] : memref<2x4096xf32, #tpu.memory_space<vmem>> -> memref<1x4096xf32, #tpu.memory_space<vmem>>
      %dma_wait3A_476 = tpu.memref_squeeze %dma_wait3A_475 : memref<1x4096xf32, #tpu.memory_space<vmem>> -> memref<4096xf32, #tpu.memory_space<vmem>>
      %dma_wait3A_477 = arith.constant 0 : i32
      %dma_wait3A_478 = tpu.memref_slice %dma_wait3A_476[%dma_wait3A_477] : memref<4096xf32, #tpu.memory_space<vmem>> -> memref<1024xf32, #tpu.memory_space<vmem>>
      %dma_wait3A_479 = arith.constant 0 : i32
      %dma_wait3A_480 = tpu.memref_slice %arg5[%dma_wait3A_471, %dma_wait3A_472, %dma_wait3A_473, %dma_wait3A_479] : memref<50x4x32x1024xf32, #tpu.memory_space<hbm>> -> memref<1x1x1x1024xf32, #tpu.memory_space<hbm>>
      %dma_wait3A_481 = tpu.memref_squeeze %dma_wait3A_480 : memref<1x1x1x1024xf32, #tpu.memory_space<hbm>> -> memref<1024xf32, #tpu.memory_space<hbm>>
      %dma_wait3A_482 = arith.constant 0 : i32
      %dma_wait3A_483 = tpu.memref_slice %arg5[%dma_wait3A_471, %dma_wait3A_472, %dma_wait3A_473, %dma_wait3A_482] : memref<50x4x32x1024xf32, #tpu.memory_space<hbm>> -> memref<1x1x1x1024xf32, #tpu.memory_space<hbm>>
      %dma_wait3A_484 = tpu.memref_squeeze %dma_wait3A_483 : memref<1x1x1x1024xf32, #tpu.memory_space<hbm>> -> memref<1024xf32, #tpu.memory_space<hbm>>
      %dma_wait3A_485 = arith.constant 0 : i32
      %dma_wait3A_486 = tpu.memref_slice %arg10[%dma_wait3A_470, %dma_wait3A_485] : memref<2x4096xf32, #tpu.memory_space<vmem>> -> memref<1x4096xf32, #tpu.memory_space<vmem>>
      %dma_wait3A_487 = tpu.memref_squeeze %dma_wait3A_486 : memref<1x4096xf32, #tpu.memory_space<vmem>> -> memref<4096xf32, #tpu.memory_space<vmem>>
      %dma_wait3A_488 = arith.constant 0 : i32
      %dma_wait3A_489 = tpu.memref_slice %dma_wait3A_487[%dma_wait3A_488] : memref<4096xf32, #tpu.memory_space<vmem>> -> memref<1024xf32, #tpu.memory_space<vmem>>
      tpu.wait_dma2 semaphore(%arg13 : memref<!tpu.dma_semaphore, #tpu.memory_space<semaphore_mem>>) src(%dma_wait3A_489 : memref<1024xf32, #tpu.memory_space<vmem>>) dst(%dma_wait3A_484 : memref<1024xf32, #tpu.memory_space<hbm>>)
      %dma_wait3A_490 = arith.constant 0 : i32
      %dma_wait3A_491 = arith.constant 0 : i32
      %dma_wait3A_492 = arith.constant 0 : i32
      %dma_wait3A_493 = arith.constant 0 : i32
      %dma_wait3A_494 = arith.constant 0 : i32
      %dma_wait3A_495 = tpu.memref_slice %arg10[%dma_wait3A_490, %dma_wait3A_494] : memref<2x4096xf32, #tpu.memory_space<vmem>> -> memref<1x4096xf32, #tpu.memory_space<vmem>>
      %dma_wait3A_496 = tpu.memref_squeeze %dma_wait3A_495 : memref<1x4096xf32, #tpu.memory_space<vmem>> -> memref<4096xf32, #tpu.memory_space<vmem>>
      %dma_wait3A_497 = arith.constant 0 : i32
      %dma_wait3A_498 = tpu.memref_slice %dma_wait3A_496[%dma_wait3A_497] : memref<4096xf32, #tpu.memory_space<vmem>> -> memref<1024xf32, #tpu.memory_space<vmem>>
      %dma_wait3A_499 = arith.constant 0 : i32
      %dma_wait3A_500 = tpu.memref_slice %arg5[%dma_wait3A_491, %dma_wait3A_492, %dma_wait3A_493, %dma_wait3A_499] : memref<50x4x32x1024xf32, #tpu.memory_space<hbm>> -> memref<1x1x1x1024xf32, #tpu.memory_space<hbm>>
      %dma_wait3A_501 = tpu.memref_squeeze %dma_wait3A_500 : memref<1x1x1x1024xf32, #tpu.memory_space<hbm>> -> memref<1024xf32, #tpu.memory_space<hbm>>
      %dma_wait3A_502 = arith.constant 0 : i32
      %dma_wait3A_503 = tpu.memref_slice %arg5[%dma_wait3A_491, %dma_wait3A_492, %dma_wait3A_493, %dma_wait3A_502] : memref<50x4x32x1024xf32, #tpu.memory_space<hbm>> -> memref<1x1x1x1024xf32, #tpu.memory_space<hbm>>
      %dma_wait3A_504 = tpu.memref_squeeze %dma_wait3A_503 : memref<1x1x1x1024xf32, #tpu.memory_space<hbm>> -> memref<1024xf32, #tpu.memory_space<hbm>>
      %dma_wait3A_505 = arith.constant 0 : i32
      %dma_wait3A_506 = tpu.memref_slice %arg10[%dma_wait3A_490, %dma_wait3A_505] : memref<2x4096xf32, #tpu.memory_space<vmem>> -> memref<1x4096xf32, #tpu.memory_space<vmem>>
      %dma_wait3A_507 = tpu.memref_squeeze %dma_wait3A_506 : memref<1x4096xf32, #tpu.memory_space<vmem>> -> memref<4096xf32, #tpu.memory_space<vmem>>
      %dma_wait3A_508 = arith.constant 0 : i32
      %dma_wait3A_509 = tpu.memref_slice %dma_wait3A_507[%dma_wait3A_508] : memref<4096xf32, #tpu.memory_space<vmem>> -> memref<1024xf32, #tpu.memory_space<vmem>>
      tpu.wait_dma2 semaphore(%arg13 : memref<!tpu.dma_semaphore, #tpu.memory_space<semaphore_mem>>) src(%dma_wait3A_509 : memref<1024xf32, #tpu.memory_space<vmem>>) dst(%dma_wait3A_504 : memref<1024xf32, #tpu.memory_space<hbm>>)
      %dma_wait3A_510 = arith.constant 0 : i32
      %dma_wait3A_511 = arith.constant 0 : i32
      %dma_wait3A_512 = arith.constant 0 : i32
      %dma_wait3A_513 = arith.constant 0 : i32
      %dma_wait3A_514 = arith.constant 0 : i32
      %dma_wait3A_515 = tpu.memref_slice %arg10[%dma_wait3A_510, %dma_wait3A_514] : memref<2x4096xf32, #tpu.memory_space<vmem>> -> memref<1x4096xf32, #tpu.memory_space<vmem>>
      %dma_wait3A_516 = tpu.memref_squeeze %dma_wait3A_515 : memref<1x4096xf32, #tpu.memory_space<vmem>> -> memref<4096xf32, #tpu.memory_space<vmem>>
      %dma_wait3A_517 = arith.constant 0 : i32
      %dma_wait3A_518 = tpu.memref_slice %dma_wait3A_516[%dma_wait3A_517] : memref<4096xf32, #tpu.memory_space<vmem>> -> memref<1024xf32, #tpu.memory_space<vmem>>
      %dma_wait3A_519 = arith.constant 0 : i32
      %dma_wait3A_520 = tpu.memref_slice %arg5[%dma_wait3A_511, %dma_wait3A_512, %dma_wait3A_513, %dma_wait3A_519] : memref<50x4x32x1024xf32, #tpu.memory_space<hbm>> -> memref<1x1x1x1024xf32, #tpu.memory_space<hbm>>
      %dma_wait3A_521 = tpu.memref_squeeze %dma_wait3A_520 : memref<1x1x1x1024xf32, #tpu.memory_space<hbm>> -> memref<1024xf32, #tpu.memory_space<hbm>>
      %dma_wait3A_522 = arith.constant 0 : i32
      %dma_wait3A_523 = tpu.memref_slice %arg5[%dma_wait3A_511, %dma_wait3A_512, %dma_wait3A_513, %dma_wait3A_522] : memref<50x4x32x1024xf32, #tpu.memory_space<hbm>> -> memref<1x1x1x1024xf32, #tpu.memory_space<hbm>>
      %dma_wait3A_524 = tpu.memref_squeeze %dma_wait3A_523 : memref<1x1x1x1024xf32, #tpu.memory_space<hbm>> -> memref<1024xf32, #tpu.memory_space<hbm>>
      %dma_wait3A_525 = arith.constant 0 : i32
      %dma_wait3A_526 = tpu.memref_slice %arg10[%dma_wait3A_510, %dma_wait3A_525] : memref<2x4096xf32, #tpu.memory_space<vmem>> -> memref<1x4096xf32, #tpu.memory_space<vmem>>
      %dma_wait3A_527 = tpu.memref_squeeze %dma_wait3A_526 : memref<1x4096xf32, #tpu.memory_space<vmem>> -> memref<4096xf32, #tpu.memory_space<vmem>>
      %dma_wait3A_528 = arith.constant 0 : i32
      %dma_wait3A_529 = tpu.memref_slice %dma_wait3A_527[%dma_wait3A_528] : memref<4096xf32, #tpu.memory_space<vmem>> -> memref<1024xf32, #tpu.memory_space<vmem>>
      tpu.wait_dma2 semaphore(%arg13 : memref<!tpu.dma_semaphore, #tpu.memory_space<semaphore_mem>>) src(%dma_wait3A_529 : memref<1024xf32, #tpu.memory_space<vmem>>) dst(%dma_wait3A_524 : memref<1024xf32, #tpu.memory_space<hbm>>)
      %mul3A_530 = arith.constant 2 : i32
      %mul3A_531 = arith.muli %mul3A_530, %scan3A_326 : i32
      %add3A_532 = arith.constant 1 : i32
      %add3A_533 = arith.addi %mul3A_531, %add3A_532 : i32
      %dma_wait3A_534 = arith.constant 1 : i32
      %dma_wait3A_535 = arith.constant 0 : i32
      %dma_wait3A_536 = arith.constant 0 : i32
      %dma_wait3A_537 = tpu.memref_slice %arg8[%dma_wait3A_534, %dma_wait3A_535, %dma_wait3A_536] : memref<2x768x32xf32, #tpu.memory_space<vmem>> -> memref<1x768x32xf32, #tpu.memory_space<vmem>>
      %dma_wait3A_538 = tpu.memref_squeeze %dma_wait3A_537 : memref<1x768x32xf32, #tpu.memory_space<vmem>> -> memref<768x32xf32, #tpu.memory_space<vmem>>
      %dma_wait3A_539 = arith.constant 0 : i32
      %dma_wait3A_540 = arith.constant 0 : i32
      %dma_wait3A_541 = tpu.memref_slice %arg4[%dma_wait3A_539, %dma_wait3A_540] : memref<1100001x32xf32, #tpu.memory_space<hbm>> -> memref<768x32xf32, #tpu.memory_space<hbm>>
      %dma_wait3A_542 = arith.constant 0 : i32
      %dma_wait3A_543 = arith.constant 0 : i32
      %dma_wait3A_544 = tpu.memref_slice %arg8[%dma_wait3A_534, %dma_wait3A_542, %dma_wait3A_543] : memref<2x768x32xf32, #tpu.memory_space<vmem>> -> memref<1x768x32xf32, #tpu.memory_space<vmem>>
      %dma_wait3A_545 = tpu.memref_squeeze %dma_wait3A_544 : memref<1x768x32xf32, #tpu.memory_space<vmem>> -> memref<768x32xf32, #tpu.memory_space<vmem>>
      %dma_wait3A_546 = arith.constant 0 : i32
      %dma_wait3A_547 = arith.constant 0 : i32
      %dma_wait3A_548 = tpu.memref_slice %arg4[%dma_wait3A_546, %dma_wait3A_547] : memref<1100001x32xf32, #tpu.memory_space<hbm>> -> memref<768x32xf32, #tpu.memory_space<hbm>>
      tpu.wait_dma2 semaphore(%arg14 : memref<!tpu.dma_semaphore, #tpu.memory_space<semaphore_mem>>) src(%dma_wait3A_548 : memref<768x32xf32, #tpu.memory_space<hbm>>) dst(%dma_wait3A_545 : memref<768x32xf32, #tpu.memory_space<vmem>>)
      %dma_wait3A_549 = arith.constant 1 : i32
      %dma_wait3A_550 = arith.constant 0 : i32
      %dma_wait3A_551 = arith.constant 0 : i32
      %dma_wait3A_552 = tpu.memref_slice %arg9[%dma_wait3A_549, %dma_wait3A_550, %dma_wait3A_551] : memref<2x128x32xf32, #tpu.memory_space<vmem>> -> memref<1x128x32xf32, #tpu.memory_space<vmem>>
      %dma_wait3A_553 = tpu.memref_squeeze %dma_wait3A_552 : memref<1x128x32xf32, #tpu.memory_space<vmem>> -> memref<128x32xf32, #tpu.memory_space<vmem>>
      %dma_wait3A_554 = arith.constant 0 : i32
      %dma_wait3A_555 = arith.constant 0 : i32
      %dma_wait3A_556 = tpu.memref_slice %arg4[%dma_wait3A_554, %dma_wait3A_555] : memref<1100001x32xf32, #tpu.memory_space<hbm>> -> memref<128x32xf32, #tpu.memory_space<hbm>>
      %dma_wait3A_557 = arith.constant 0 : i32
      %dma_wait3A_558 = arith.constant 0 : i32
      %dma_wait3A_559 = tpu.memref_slice %arg9[%dma_wait3A_549, %dma_wait3A_557, %dma_wait3A_558] : memref<2x128x32xf32, #tpu.memory_space<vmem>> -> memref<1x128x32xf32, #tpu.memory_space<vmem>>
      %dma_wait3A_560 = tpu.memref_squeeze %dma_wait3A_559 : memref<1x128x32xf32, #tpu.memory_space<vmem>> -> memref<128x32xf32, #tpu.memory_space<vmem>>
      %dma_wait3A_561 = arith.constant 0 : i32
      %dma_wait3A_562 = arith.constant 0 : i32
      %dma_wait3A_563 = tpu.memref_slice %arg4[%dma_wait3A_561, %dma_wait3A_562] : memref<1100001x32xf32, #tpu.memory_space<hbm>> -> memref<128x32xf32, #tpu.memory_space<hbm>>
      tpu.wait_dma2 semaphore(%arg14 : memref<!tpu.dma_semaphore, #tpu.memory_space<semaphore_mem>>) src(%dma_wait3A_563 : memref<128x32xf32, #tpu.memory_space<hbm>>) dst(%dma_wait3A_560 : memref<128x32xf32, #tpu.memory_space<vmem>>)
      %add3A_564 = arith.constant 2 : i32
      %add3A_565 = arith.addi %add3A_533, %add3A_564 : i32
      %lt3A_566 = arith.constant 50 : i32
      %lt3A_567 = arith.cmpi slt, %add3A_565, %lt3A_566 : i32
      %convert_element_type3A_568 = arith.extui %lt3A_567 : i1 to i32
      %cond3A_569 = arith.constant 0 : i32
      %cond3A_570 = arith.cmpi ne, %convert_element_type3A_568, %cond3A_569 : i32
      scf.if %cond3A_570 {
        %add3A_736 = arith.constant 2 : i32
        %add3A_737 = arith.addi %add3A_533, %add3A_736 : i32
        %dma_start3A_738 = arith.constant 1 : i32
        %dma_start3A_739 = arith.constant 0 : i32
        %dma_start3A_740 = arith.constant 0 : i32
        %dma_start3A_741 = tpu.memref_slice %arg6[%dma_start3A_738, %dma_start3A_739, %dma_start3A_740] : memref<2x6x128xi32, #tpu.memory_space<vmem>> -> memref<1x6x128xi32, #tpu.memory_space<vmem>>
        %dma_start3A_742 = tpu.memref_squeeze %dma_start3A_741 : memref<1x6x128xi32, #tpu.memory_space<vmem>> -> memref<6x128xi32, #tpu.memory_space<vmem>>
        %dma_start3A_743 = arith.constant 0 : i32
        %dma_start3A_744 = tpu.memref_slice %arg2[%dma_start3A_743, %add3A_737, %mul3A_2] : memref<6x50x4096xi32, #tpu.memory_space<hbm>> -> memref<6x1x128xi32, #tpu.memory_space<hbm>>
        %dma_start3A_745 = tpu.memref_squeeze %dma_start3A_744 : memref<6x1x128xi32, #tpu.memory_space<hbm>> -> memref<6x128xi32, #tpu.memory_space<hbm>>
        %dma_start3A_746 = arith.constant 0 : i32
        %dma_start3A_747 = arith.constant 0 : i32
        %dma_start3A_748 = tpu.memref_slice %arg6[%dma_start3A_738, %dma_start3A_746, %dma_start3A_747] : memref<2x6x128xi32, #tpu.memory_space<vmem>> -> memref<1x6x128xi32, #tpu.memory_space<vmem>>
        %dma_start3A_749 = tpu.memref_squeeze %dma_start3A_748 : memref<1x6x128xi32, #tpu.memory_space<vmem>> -> memref<6x128xi32, #tpu.memory_space<vmem>>
        %dma_start3A_750 = arith.constant 0 : i32
        %dma_start3A_751 = tpu.memref_slice %arg2[%dma_start3A_750, %add3A_737, %mul3A_2] : memref<6x50x4096xi32, #tpu.memory_space<hbm>> -> memref<6x1x128xi32, #tpu.memory_space<hbm>>
        %dma_start3A_752 = tpu.memref_squeeze %dma_start3A_751 : memref<6x1x128xi32, #tpu.memory_space<hbm>> -> memref<6x128xi32, #tpu.memory_space<hbm>>
        tpu.enqueue_dma source(%dma_start3A_752 : memref<6x128xi32, #tpu.memory_space<hbm>>) target(%dma_start3A_749 : memref<6x128xi32, #tpu.memory_space<vmem>>) target_semaphore(%arg12 : memref<!tpu.dma_semaphore, #tpu.memory_space<semaphore_mem>>)
        %dma_start3A_753 = arith.constant 1 : i32
        %dma_start3A_754 = arith.constant 0 : i32
        %dma_start3A_755 = tpu.memref_slice %arg7[%dma_start3A_753, %dma_start3A_754] : memref<2x128xi32, #tpu.memory_space<vmem>> -> memref<1x128xi32, #tpu.memory_space<vmem>>
        %dma_start3A_756 = tpu.memref_squeeze %dma_start3A_755 : memref<1x128xi32, #tpu.memory_space<vmem>> -> memref<128xi32, #tpu.memory_space<vmem>>
        %dma_start3A_757 = tpu.memref_slice %arg3[%add3A_737, %mul3A_2] : memref<50x4096xi32, #tpu.memory_space<hbm>> -> memref<1x128xi32, #tpu.memory_space<hbm>>
        %dma_start3A_758 = tpu.memref_squeeze %dma_start3A_757 : memref<1x128xi32, #tpu.memory_space<hbm>> -> memref<128xi32, #tpu.memory_space<hbm>>
        %dma_start3A_759 = arith.constant 0 : i32
        %dma_start3A_760 = tpu.memref_slice %arg7[%dma_start3A_753, %dma_start3A_759] : memref<2x128xi32, #tpu.memory_space<vmem>> -> memref<1x128xi32, #tpu.memory_space<vmem>>
        %dma_start3A_761 = tpu.memref_squeeze %dma_start3A_760 : memref<1x128xi32, #tpu.memory_space<vmem>> -> memref<128xi32, #tpu.memory_space<vmem>>
        %dma_start3A_762 = tpu.memref_slice %arg3[%add3A_737, %mul3A_2] : memref<50x4096xi32, #tpu.memory_space<hbm>> -> memref<1x128xi32, #tpu.memory_space<hbm>>
        %dma_start3A_763 = tpu.memref_squeeze %dma_start3A_762 : memref<1x128xi32, #tpu.memory_space<hbm>> -> memref<128xi32, #tpu.memory_space<hbm>>
        tpu.enqueue_dma source(%dma_start3A_763 : memref<128xi32, #tpu.memory_space<hbm>>) target(%dma_start3A_761 : memref<128xi32, #tpu.memory_space<vmem>>) target_semaphore(%arg12 : memref<!tpu.dma_semaphore, #tpu.memory_space<semaphore_mem>>)
      } else {
      }
      %add3A_571 = arith.constant 1 : i32
      %add3A_572 = arith.addi %add3A_533, %add3A_571 : i32
      %lt3A_573 = arith.constant 50 : i32
      %lt3A_574 = arith.cmpi slt, %add3A_572, %lt3A_573 : i32
      %convert_element_type3A_575 = arith.extui %lt3A_574 : i1 to i32
      %cond3A_576 = arith.constant 0 : i32
      %cond3A_577 = arith.cmpi ne, %convert_element_type3A_575, %cond3A_576 : i32
      scf.if %cond3A_577 {
        %dma_wait3A_736 = arith.constant 0 : i32
        %dma_wait3A_737 = arith.constant 0 : i32
        %dma_wait3A_738 = arith.constant 0 : i32
        %dma_wait3A_739 = arith.constant 0 : i32
        %dma_wait3A_740 = tpu.memref_slice %arg6[%dma_wait3A_737, %dma_wait3A_738, %dma_wait3A_739] : memref<2x6x128xi32, #tpu.memory_space<vmem>> -> memref<1x6x128xi32, #tpu.memory_space<vmem>>
        %dma_wait3A_741 = tpu.memref_squeeze %dma_wait3A_740 : memref<1x6x128xi32, #tpu.memory_space<vmem>> -> memref<6x128xi32, #tpu.memory_space<vmem>>
        %dma_wait3A_742 = arith.constant 0 : i32
        %dma_wait3A_743 = arith.constant 0 : i32
        %dma_wait3A_744 = tpu.memref_slice %arg2[%dma_wait3A_742, %dma_wait3A_736, %dma_wait3A_743] : memref<6x50x4096xi32, #tpu.memory_space<hbm>> -> memref<6x1x128xi32, #tpu.memory_space<hbm>>
        %dma_wait3A_745 = tpu.memref_squeeze %dma_wait3A_744 : memref<6x1x128xi32, #tpu.memory_space<hbm>> -> memref<6x128xi32, #tpu.memory_space<hbm>>
        %dma_wait3A_746 = arith.constant 0 : i32
        %dma_wait3A_747 = arith.constant 0 : i32
        %dma_wait3A_748 = tpu.memref_slice %arg6[%dma_wait3A_737, %dma_wait3A_746, %dma_wait3A_747] : memref<2x6x128xi32, #tpu.memory_space<vmem>> -> memref<1x6x128xi32, #tpu.memory_space<vmem>>
        %dma_wait3A_749 = tpu.memref_squeeze %dma_wait3A_748 : memref<1x6x128xi32, #tpu.memory_space<vmem>> -> memref<6x128xi32, #tpu.memory_space<vmem>>
        %dma_wait3A_750 = arith.constant 0 : i32
        %dma_wait3A_751 = arith.constant 0 : i32
        %dma_wait3A_752 = tpu.memref_slice %arg2[%dma_wait3A_750, %dma_wait3A_736, %dma_wait3A_751] : memref<6x50x4096xi32, #tpu.memory_space<hbm>> -> memref<6x1x128xi32, #tpu.memory_space<hbm>>
        %dma_wait3A_753 = tpu.memref_squeeze %dma_wait3A_752 : memref<6x1x128xi32, #tpu.memory_space<hbm>> -> memref<6x128xi32, #tpu.memory_space<hbm>>
        tpu.wait_dma2 semaphore(%arg11 : memref<!tpu.dma_semaphore, #tpu.memory_space<semaphore_mem>>) src(%dma_wait3A_753 : memref<6x128xi32, #tpu.memory_space<hbm>>) dst(%dma_wait3A_749 : memref<6x128xi32, #tpu.memory_space<vmem>>)
        %dma_wait3A_754 = arith.constant 0 : i32
        %dma_wait3A_755 = arith.constant 0 : i32
        %dma_wait3A_756 = arith.constant 0 : i32
        %dma_wait3A_757 = tpu.memref_slice %arg7[%dma_wait3A_755, %dma_wait3A_756] : memref<2x128xi32, #tpu.memory_space<vmem>> -> memref<1x128xi32, #tpu.memory_space<vmem>>
        %dma_wait3A_758 = tpu.memref_squeeze %dma_wait3A_757 : memref<1x128xi32, #tpu.memory_space<vmem>> -> memref<128xi32, #tpu.memory_space<vmem>>
        %dma_wait3A_759 = arith.constant 0 : i32
        %dma_wait3A_760 = tpu.memref_slice %arg3[%dma_wait3A_754, %dma_wait3A_759] : memref<50x4096xi32, #tpu.memory_space<hbm>> -> memref<1x128xi32, #tpu.memory_space<hbm>>
        %dma_wait3A_761 = tpu.memref_squeeze %dma_wait3A_760 : memref<1x128xi32, #tpu.memory_space<hbm>> -> memref<128xi32, #tpu.memory_space<hbm>>
        %dma_wait3A_762 = arith.constant 0 : i32
        %dma_wait3A_763 = tpu.memref_slice %arg7[%dma_wait3A_755, %dma_wait3A_762] : memref<2x128xi32, #tpu.memory_space<vmem>> -> memref<1x128xi32, #tpu.memory_space<vmem>>
        %dma_wait3A_764 = tpu.memref_squeeze %dma_wait3A_763 : memref<1x128xi32, #tpu.memory_space<vmem>> -> memref<128xi32, #tpu.memory_space<vmem>>
        %dma_wait3A_765 = arith.constant 0 : i32
        %dma_wait3A_766 = tpu.memref_slice %arg3[%dma_wait3A_754, %dma_wait3A_765] : memref<50x4096xi32, #tpu.memory_space<hbm>> -> memref<1x128xi32, #tpu.memory_space<hbm>>
        %dma_wait3A_767 = tpu.memref_squeeze %dma_wait3A_766 : memref<1x128xi32, #tpu.memory_space<hbm>> -> memref<128xi32, #tpu.memory_space<hbm>>
        tpu.wait_dma2 semaphore(%arg11 : memref<!tpu.dma_semaphore, #tpu.memory_space<semaphore_mem>>) src(%dma_wait3A_767 : memref<128xi32, #tpu.memory_space<hbm>>) dst(%dma_wait3A_764 : memref<128xi32, #tpu.memory_space<vmem>>)
        %get3A_768 = arith.constant 0 : i32
        %get3A_769 = arith.index_cast %get3A_768 : i32 to index
        %get3A_770 = arith.constant 0 : index
        %get3A_771 = tpu.vector_load %arg7[%get3A_769, %get3A_770] {strides = array<i32>} : memref<2x128xi32, #tpu.memory_space<vmem>>, vector<16xi32>,
        %add3A_772 = arith.constant 1000000 : i32
        %add3A_773 = vector.broadcast %add3A_772 : i32 to vector<16xi32>
        %add3A_774 = arith.addi %get3A_771, %add3A_773 : vector<16xi32>
        %swap3A_775 = arith.constant 0 : i32
        %swap3A_776 = arith.index_cast %swap3A_775 : i32 to index
        %swap3A_777 = arith.constant 0 : index
        %swap3A_778 = tpu.vector_load %arg7[%swap3A_776, %swap3A_777] {strides = array<i32>} : memref<2x128xi32, #tpu.memory_space<vmem>>, vector<16xi32>,
        tpu.vector_store %arg7[%swap3A_776, %swap3A_777], %add3A_774 {strides = array<i32>} : memref<2x128xi32, #tpu.memory_space<vmem>>, vector<16xi32>,
        %get3A_779 = arith.constant 0 : i32
        %get3A_780 = arith.index_cast %get3A_779 : i32 to index
        %get3A_781 = arith.constant 16 : index
        %get3A_782 = tpu.vector_load %arg7[%get3A_780, %get3A_781] {strides = array<i32>} : memref<2x128xi32, #tpu.memory_space<vmem>>, vector<16xi32>,
        %add3A_783 = arith.constant 1000000 : i32
        %add3A_784 = vector.broadcast %add3A_783 : i32 to vector<16xi32>
        %add3A_785 = arith.addi %get3A_782, %add3A_784 : vector<16xi32>
        %swap3A_786 = arith.constant 0 : i32
        %swap3A_787 = arith.index_cast %swap3A_786 : i32 to index
        %swap3A_788 = arith.constant 16 : index
        %swap3A_789 = tpu.vector_load %arg7[%swap3A_787, %swap3A_788] {strides = array<i32>} : memref<2x128xi32, #tpu.memory_space<vmem>>, vector<16xi32>,
        tpu.vector_store %arg7[%swap3A_787, %swap3A_788], %add3A_785 {strides = array<i32>} : memref<2x128xi32, #tpu.memory_space<vmem>>, vector<16xi32>,
        %get3A_790 = arith.constant 0 : i32
        %get3A_791 = arith.index_cast %get3A_790 : i32 to index
        %get3A_792 = arith.constant 32 : index
        %get3A_793 = tpu.vector_load %arg7[%get3A_791, %get3A_792] {strides = array<i32>} : memref<2x128xi32, #tpu.memory_space<vmem>>, vector<16xi32>,
        %add3A_794 = arith.constant 1000000 : i32
        %add3A_795 = vector.broadcast %add3A_794 : i32 to vector<16xi32>
        %add3A_796 = arith.addi %get3A_793, %add3A_795 : vector<16xi32>
        %swap3A_797 = arith.constant 0 : i32
        %swap3A_798 = arith.index_cast %swap3A_797 : i32 to index
        %swap3A_799 = arith.constant 32 : index
        %swap3A_800 = tpu.vector_load %arg7[%swap3A_798, %swap3A_799] {strides = array<i32>} : memref<2x128xi32, #tpu.memory_space<vmem>>, vector<16xi32>,
        tpu.vector_store %arg7[%swap3A_798, %swap3A_799], %add3A_796 {strides = array<i32>} : memref<2x128xi32, #tpu.memory_space<vmem>>, vector<16xi32>,
        %get3A_801 = arith.constant 0 : i32
        %get3A_802 = arith.index_cast %get3A_801 : i32 to index
        %get3A_803 = arith.constant 48 : index
        %get3A_804 = tpu.vector_load %arg7[%get3A_802, %get3A_803] {strides = array<i32>} : memref<2x128xi32, #tpu.memory_space<vmem>>, vector<16xi32>,
        %add3A_805 = arith.constant 1000000 : i32
        %add3A_806 = vector.broadcast %add3A_805 : i32 to vector<16xi32>
        %add3A_807 = arith.addi %get3A_804, %add3A_806 : vector<16xi32>
        %swap3A_808 = arith.constant 0 : i32
        %swap3A_809 = arith.index_cast %swap3A_808 : i32 to index
        %swap3A_810 = arith.constant 48 : index
        %swap3A_811 = tpu.vector_load %arg7[%swap3A_809, %swap3A_810] {strides = array<i32>} : memref<2x128xi32, #tpu.memory_space<vmem>>, vector<16xi32>,
        tpu.vector_store %arg7[%swap3A_809, %swap3A_810], %add3A_807 {strides = array<i32>} : memref<2x128xi32, #tpu.memory_space<vmem>>, vector<16xi32>,
        %get3A_812 = arith.constant 0 : i32
        %get3A_813 = arith.index_cast %get3A_812 : i32 to index
        %get3A_814 = arith.constant 64 : index
        %get3A_815 = tpu.vector_load %arg7[%get3A_813, %get3A_814] {strides = array<i32>} : memref<2x128xi32, #tpu.memory_space<vmem>>, vector<16xi32>,
        %add3A_816 = arith.constant 1000000 : i32
        %add3A_817 = vector.broadcast %add3A_816 : i32 to vector<16xi32>
        %add3A_818 = arith.addi %get3A_815, %add3A_817 : vector<16xi32>
        %swap3A_819 = arith.constant 0 : i32
        %swap3A_820 = arith.index_cast %swap3A_819 : i32 to index
        %swap3A_821 = arith.constant 64 : index
        %swap3A_822 = tpu.vector_load %arg7[%swap3A_820, %swap3A_821] {strides = array<i32>} : memref<2x128xi32, #tpu.memory_space<vmem>>, vector<16xi32>,
        tpu.vector_store %arg7[%swap3A_820, %swap3A_821], %add3A_818 {strides = array<i32>} : memref<2x128xi32, #tpu.memory_space<vmem>>, vector<16xi32>,
        %get3A_823 = arith.constant 0 : i32
        %get3A_824 = arith.index_cast %get3A_823 : i32 to index
        %get3A_825 = arith.constant 80 : index
        %get3A_826 = tpu.vector_load %arg7[%get3A_824, %get3A_825] {strides = array<i32>} : memref<2x128xi32, #tpu.memory_space<vmem>>, vector<16xi32>,
        %add3A_827 = arith.constant 1000000 : i32
        %add3A_828 = vector.broadcast %add3A_827 : i32 to vector<16xi32>
        %add3A_829 = arith.addi %get3A_826, %add3A_828 : vector<16xi32>
        %swap3A_830 = arith.constant 0 : i32
        %swap3A_831 = arith.index_cast %swap3A_830 : i32 to index
        %swap3A_832 = arith.constant 80 : index
        %swap3A_833 = tpu.vector_load %arg7[%swap3A_831, %swap3A_832] {strides = array<i32>} : memref<2x128xi32, #tpu.memory_space<vmem>>, vector<16xi32>,
        tpu.vector_store %arg7[%swap3A_831, %swap3A_832], %add3A_829 {strides = array<i32>} : memref<2x128xi32, #tpu.memory_space<vmem>>, vector<16xi32>,
        %get3A_834 = arith.constant 0 : i32
        %get3A_835 = arith.index_cast %get3A_834 : i32 to index
        %get3A_836 = arith.constant 96 : index
        %get3A_837 = tpu.vector_load %arg7[%get3A_835, %get3A_836] {strides = array<i32>} : memref<2x128xi32, #tpu.memory_space<vmem>>, vector<16xi32>,
        %add3A_838 = arith.constant 1000000 : i32
        %add3A_839 = vector.broadcast %add3A_838 : i32 to vector<16xi32>
        %add3A_840 = arith.addi %get3A_837, %add3A_839 : vector<16xi32>
        %swap3A_841 = arith.constant 0 : i32
        %swap3A_842 = arith.index_cast %swap3A_841 : i32 to index
        %swap3A_843 = arith.constant 96 : index
        %swap3A_844 = tpu.vector_load %arg7[%swap3A_842, %swap3A_843] {strides = array<i32>} : memref<2x128xi32, #tpu.memory_space<vmem>>, vector<16xi32>,
        tpu.vector_store %arg7[%swap3A_842, %swap3A_843], %add3A_840 {strides = array<i32>} : memref<2x128xi32, #tpu.memory_space<vmem>>, vector<16xi32>,
        %get3A_845 = arith.constant 0 : i32
        %get3A_846 = arith.index_cast %get3A_845 : i32 to index
        %get3A_847 = arith.constant 112 : index
        %get3A_848 = tpu.vector_load %arg7[%get3A_846, %get3A_847] {strides = array<i32>} : memref<2x128xi32, #tpu.memory_space<vmem>>, vector<16xi32>,
        %add3A_849 = arith.constant 1000000 : i32
        %add3A_850 = vector.broadcast %add3A_849 : i32 to vector<16xi32>
        %add3A_851 = arith.addi %get3A_848, %add3A_850 : vector<16xi32>
        %swap3A_852 = arith.constant 0 : i32
        %swap3A_853 = arith.index_cast %swap3A_852 : i32 to index
        %swap3A_854 = arith.constant 112 : index
        %swap3A_855 = tpu.vector_load %arg7[%swap3A_853, %swap3A_854] {strides = array<i32>} : memref<2x128xi32, #tpu.memory_space<vmem>>, vector<16xi32>,
        tpu.vector_store %arg7[%swap3A_853, %swap3A_854], %add3A_851 {strides = array<i32>} : memref<2x128xi32, #tpu.memory_space<vmem>>, vector<16xi32>,
        %dma_start3A_856 = arith.constant 0 : i32
        %dma_start3A_857 = arith.constant 0 : i32
        %dma_start3A_858 = arith.constant 0 : i32
        %dma_start3A_859 = arith.constant 0 : i32
        %dma_start3A_860 = arith.constant 0 : i32
        %dma_start3A_861 = tpu.memref_slice %arg8[%dma_start3A_858, %dma_start3A_859, %dma_start3A_860] : memref<2x768x32xf32, #tpu.memory_space<vmem>> -> memref<1x768x32xf32, #tpu.memory_space<vmem>>
        %dma_start3A_862 = tpu.memref_squeeze %dma_start3A_861 : memref<1x768x32xf32, #tpu.memory_space<vmem>> -> memref<768x32xf32, #tpu.memory_space<vmem>>
        %dma_start3A_863 = arith.constant 0 : i32
        %dma_start3A_864 = arith.constant 0 : i32
        %dma_start3A_865 = tpu.memref_slice %dma_start3A_862[%dma_start3A_863, %dma_start3A_864] : memref<768x32xf32, #tpu.memory_space<vmem>> -> memref<128x32xf32, #tpu.memory_space<vmem>>
        %dma_start3A_866 = arith.constant 0 : i32
        %dma_start3A_867 = arith.constant 0 : i32
        %dma_start3A_868 = tpu.memref_slice %arg6[%dma_start3A_856, %dma_start3A_866, %dma_start3A_867] : memref<2x6x128xi32, #tpu.memory_space<vmem>> -> memref<1x6x128xi32, #tpu.memory_space<vmem>>
        %dma_start3A_869 = tpu.memref_squeeze %dma_start3A_868 : memref<1x6x128xi32, #tpu.memory_space<vmem>> -> memref<6x128xi32, #tpu.memory_space<vmem>>
        %dma_start3A_870 = arith.constant 0 : i32
        %dma_start3A_871 = tpu.memref_slice %dma_start3A_869[%dma_start3A_857, %dma_start3A_870] : memref<6x128xi32, #tpu.memory_space<vmem>> -> memref<1x128xi32, #tpu.memory_space<vmem>>
        %dma_start3A_872 = tpu.memref_squeeze %dma_start3A_871 : memref<1x128xi32, #tpu.memory_space<vmem>> -> memref<128xi32, #tpu.memory_space<vmem>>
        %dma_start3A_873 = arith.constant 0 : i32
        %dma_start3A_874 = arith.constant 0 : i32
        %dma_start3A_875 = tpu.memref_slice %arg4[%dma_start3A_873, %dma_start3A_874] : memref<1100001x32xf32, #tpu.memory_space<hbm>> -> memref<1100001x32xf32, #tpu.memory_space<hbm>>
        tpu.enqueue_indirect_dma source(%dma_start3A_875 : memref<1100001x32xf32, #tpu.memory_space<hbm>>) target(%dma_start3A_865 : memref<128x32xf32, #tpu.memory_space<vmem>>) offsets(%dma_start3A_872 : memref<128xi32, #tpu.memory_space<vmem>>) semaphore(%arg13 : memref<!tpu.dma_semaphore, #tpu.memory_space<semaphore_mem>>)
        %dma_start3A_876 = arith.constant 0 : i32
        %dma_start3A_877 = arith.constant 1 : i32
        %dma_start3A_878 = arith.constant 0 : i32
        %dma_start3A_879 = arith.constant 0 : i32
        %dma_start3A_880 = arith.constant 0 : i32
        %dma_start3A_881 = tpu.memref_slice %arg8[%dma_start3A_878, %dma_start3A_879, %dma_start3A_880] : memref<2x768x32xf32, #tpu.memory_space<vmem>> -> memref<1x768x32xf32, #tpu.memory_space<vmem>>
        %dma_start3A_882 = tpu.memref_squeeze %dma_start3A_881 : memref<1x768x32xf32, #tpu.memory_space<vmem>> -> memref<768x32xf32, #tpu.memory_space<vmem>>
        %dma_start3A_883 = arith.constant 128 : i32
        %dma_start3A_884 = arith.constant 0 : i32
        %dma_start3A_885 = tpu.memref_slice %dma_start3A_882[%dma_start3A_883, %dma_start3A_884] : memref<768x32xf32, #tpu.memory_space<vmem>> -> memref<128x32xf32, #tpu.memory_space<vmem>>
        %dma_start3A_886 = arith.constant 0 : i32
        %dma_start3A_887 = arith.constant 0 : i32
        %dma_start3A_888 = tpu.memref_slice %arg6[%dma_start3A_876, %dma_start3A_886, %dma_start3A_887] : memref<2x6x128xi32, #tpu.memory_space<vmem>> -> memref<1x6x128xi32, #tpu.memory_space<vmem>>
        %dma_start3A_889 = tpu.memref_squeeze %dma_start3A_888 : memref<1x6x128xi32, #tpu.memory_space<vmem>> -> memref<6x128xi32, #tpu.memory_space<vmem>>
        %dma_start3A_890 = arith.constant 0 : i32
        %dma_start3A_891 = tpu.memref_slice %dma_start3A_889[%dma_start3A_877, %dma_start3A_890] : memref<6x128xi32, #tpu.memory_space<vmem>> -> memref<1x128xi32, #tpu.memory_space<vmem>>
        %dma_start3A_892 = tpu.memref_squeeze %dma_start3A_891 : memref<1x128xi32, #tpu.memory_space<vmem>> -> memref<128xi32, #tpu.memory_space<vmem>>
        %dma_start3A_893 = arith.constant 0 : i32
        %dma_start3A_894 = arith.constant 0 : i32
        %dma_start3A_895 = tpu.memref_slice %arg4[%dma_start3A_893, %dma_start3A_894] : memref<1100001x32xf32, #tpu.memory_space<hbm>> -> memref<1100001x32xf32, #tpu.memory_space<hbm>>
        tpu.enqueue_indirect_dma source(%dma_start3A_895 : memref<1100001x32xf32, #tpu.memory_space<hbm>>) target(%dma_start3A_885 : memref<128x32xf32, #tpu.memory_space<vmem>>) offsets(%dma_start3A_892 : memref<128xi32, #tpu.memory_space<vmem>>) semaphore(%arg13 : memref<!tpu.dma_semaphore, #tpu.memory_space<semaphore_mem>>)
        %dma_start3A_896 = arith.constant 0 : i32
        %dma_start3A_897 = arith.constant 2 : i32
        %dma_start3A_898 = arith.constant 0 : i32
        %dma_start3A_899 = arith.constant 0 : i32
        %dma_start3A_900 = arith.constant 0 : i32
        %dma_start3A_901 = tpu.memref_slice %arg8[%dma_start3A_898, %dma_start3A_899, %dma_start3A_900] : memref<2x768x32xf32, #tpu.memory_space<vmem>> -> memref<1x768x32xf32, #tpu.memory_space<vmem>>
        %dma_start3A_902 = tpu.memref_squeeze %dma_start3A_901 : memref<1x768x32xf32, #tpu.memory_space<vmem>> -> memref<768x32xf32, #tpu.memory_space<vmem>>
        %dma_start3A_903 = arith.constant 256 : i32
        %dma_start3A_904 = arith.constant 0 : i32
        %dma_start3A_905 = tpu.memref_slice %dma_start3A_902[%dma_start3A_903, %dma_start3A_904] : memref<768x32xf32, #tpu.memory_space<vmem>> -> memref<128x32xf32, #tpu.memory_space<vmem>>
        %dma_start3A_906 = arith.constant 0 : i32
        %dma_start3A_907 = arith.constant 0 : i32
        %dma_start3A_908 = tpu.memref_slice %arg6[%dma_start3A_896, %dma_start3A_906, %dma_start3A_907] : memref<2x6x128xi32, #tpu.memory_space<vmem>> -> memref<1x6x128xi32, #tpu.memory_space<vmem>>
        %dma_start3A_909 = tpu.memref_squeeze %dma_start3A_908 : memref<1x6x128xi32, #tpu.memory_space<vmem>> -> memref<6x128xi32, #tpu.memory_space<vmem>>
        %dma_start3A_910 = arith.constant 0 : i32
        %dma_start3A_911 = tpu.memref_slice %dma_start3A_909[%dma_start3A_897, %dma_start3A_910] : memref<6x128xi32, #tpu.memory_space<vmem>> -> memref<1x128xi32, #tpu.memory_space<vmem>>
        %dma_start3A_912 = tpu.memref_squeeze %dma_start3A_911 : memref<1x128xi32, #tpu.memory_space<vmem>> -> memref<128xi32, #tpu.memory_space<vmem>>
        %dma_start3A_913 = arith.constant 0 : i32
        %dma_start3A_914 = arith.constant 0 : i32
        %dma_start3A_915 = tpu.memref_slice %arg4[%dma_start3A_913, %dma_start3A_914] : memref<1100001x32xf32, #tpu.memory_space<hbm>> -> memref<1100001x32xf32, #tpu.memory_space<hbm>>
        tpu.enqueue_indirect_dma source(%dma_start3A_915 : memref<1100001x32xf32, #tpu.memory_space<hbm>>) target(%dma_start3A_905 : memref<128x32xf32, #tpu.memory_space<vmem>>) offsets(%dma_start3A_912 : memref<128xi32, #tpu.memory_space<vmem>>) semaphore(%arg13 : memref<!tpu.dma_semaphore, #tpu.memory_space<semaphore_mem>>)
        %dma_start3A_916 = arith.constant 0 : i32
        %dma_start3A_917 = arith.constant 3 : i32
        %dma_start3A_918 = arith.constant 0 : i32
        %dma_start3A_919 = arith.constant 0 : i32
        %dma_start3A_920 = arith.constant 0 : i32
        %dma_start3A_921 = tpu.memref_slice %arg8[%dma_start3A_918, %dma_start3A_919, %dma_start3A_920] : memref<2x768x32xf32, #tpu.memory_space<vmem>> -> memref<1x768x32xf32, #tpu.memory_space<vmem>>
        %dma_start3A_922 = tpu.memref_squeeze %dma_start3A_921 : memref<1x768x32xf32, #tpu.memory_space<vmem>> -> memref<768x32xf32, #tpu.memory_space<vmem>>
        %dma_start3A_923 = arith.constant 384 : i32
        %dma_start3A_924 = arith.constant 0 : i32
        %dma_start3A_925 = tpu.memref_slice %dma_start3A_922[%dma_start3A_923, %dma_start3A_924] : memref<768x32xf32, #tpu.memory_space<vmem>> -> memref<128x32xf32, #tpu.memory_space<vmem>>
        %dma_start3A_926 = arith.constant 0 : i32
        %dma_start3A_927 = arith.constant 0 : i32
        %dma_start3A_928 = tpu.memref_slice %arg6[%dma_start3A_916, %dma_start3A_926, %dma_start3A_927] : memref<2x6x128xi32, #tpu.memory_space<vmem>> -> memref<1x6x128xi32, #tpu.memory_space<vmem>>
        %dma_start3A_929 = tpu.memref_squeeze %dma_start3A_928 : memref<1x6x128xi32, #tpu.memory_space<vmem>> -> memref<6x128xi32, #tpu.memory_space<vmem>>
        %dma_start3A_930 = arith.constant 0 : i32
        %dma_start3A_931 = tpu.memref_slice %dma_start3A_929[%dma_start3A_917, %dma_start3A_930] : memref<6x128xi32, #tpu.memory_space<vmem>> -> memref<1x128xi32, #tpu.memory_space<vmem>>
        %dma_start3A_932 = tpu.memref_squeeze %dma_start3A_931 : memref<1x128xi32, #tpu.memory_space<vmem>> -> memref<128xi32, #tpu.memory_space<vmem>>
        %dma_start3A_933 = arith.constant 0 : i32
        %dma_start3A_934 = arith.constant 0 : i32
        %dma_start3A_935 = tpu.memref_slice %arg4[%dma_start3A_933, %dma_start3A_934] : memref<1100001x32xf32, #tpu.memory_space<hbm>> -> memref<1100001x32xf32, #tpu.memory_space<hbm>>
        tpu.enqueue_indirect_dma source(%dma_start3A_935 : memref<1100001x32xf32, #tpu.memory_space<hbm>>) target(%dma_start3A_925 : memref<128x32xf32, #tpu.memory_space<vmem>>) offsets(%dma_start3A_932 : memref<128xi32, #tpu.memory_space<vmem>>) semaphore(%arg13 : memref<!tpu.dma_semaphore, #tpu.memory_space<semaphore_mem>>)
        %dma_start3A_936 = arith.constant 0 : i32
        %dma_start3A_937 = arith.constant 4 : i32
        %dma_start3A_938 = arith.constant 0 : i32
        %dma_start3A_939 = arith.constant 0 : i32
        %dma_start3A_940 = arith.constant 0 : i32
        %dma_start3A_941 = tpu.memref_slice %arg8[%dma_start3A_938, %dma_start3A_939, %dma_start3A_940] : memref<2x768x32xf32, #tpu.memory_space<vmem>> -> memref<1x768x32xf32, #tpu.memory_space<vmem>>
        %dma_start3A_942 = tpu.memref_squeeze %dma_start3A_941 : memref<1x768x32xf32, #tpu.memory_space<vmem>> -> memref<768x32xf32, #tpu.memory_space<vmem>>
        %dma_start3A_943 = arith.constant 512 : i32
        %dma_start3A_944 = arith.constant 0 : i32
        %dma_start3A_945 = tpu.memref_slice %dma_start3A_942[%dma_start3A_943, %dma_start3A_944] : memref<768x32xf32, #tpu.memory_space<vmem>> -> memref<128x32xf32, #tpu.memory_space<vmem>>
        %dma_start3A_946 = arith.constant 0 : i32
        %dma_start3A_947 = arith.constant 0 : i32
        %dma_start3A_948 = tpu.memref_slice %arg6[%dma_start3A_936, %dma_start3A_946, %dma_start3A_947] : memref<2x6x128xi32, #tpu.memory_space<vmem>> -> memref<1x6x128xi32, #tpu.memory_space<vmem>>
        %dma_start3A_949 = tpu.memref_squeeze %dma_start3A_948 : memref<1x6x128xi32, #tpu.memory_space<vmem>> -> memref<6x128xi32, #tpu.memory_space<vmem>>
        %dma_start3A_950 = arith.constant 0 : i32
        %dma_start3A_951 = tpu.memref_slice %dma_start3A_949[%dma_start3A_937, %dma_start3A_950] : memref<6x128xi32, #tpu.memory_space<vmem>> -> memref<1x128xi32, #tpu.memory_space<vmem>>
        %dma_start3A_952 = tpu.memref_squeeze %dma_start3A_951 : memref<1x128xi32, #tpu.memory_space<vmem>> -> memref<128xi32, #tpu.memory_space<vmem>>
        %dma_start3A_953 = arith.constant 0 : i32
        %dma_start3A_954 = arith.constant 0 : i32
        %dma_start3A_955 = tpu.memref_slice %arg4[%dma_start3A_953, %dma_start3A_954] : memref<1100001x32xf32, #tpu.memory_space<hbm>> -> memref<1100001x32xf32, #tpu.memory_space<hbm>>
        tpu.enqueue_indirect_dma source(%dma_start3A_955 : memref<1100001x32xf32, #tpu.memory_space<hbm>>) target(%dma_start3A_945 : memref<128x32xf32, #tpu.memory_space<vmem>>) offsets(%dma_start3A_952 : memref<128xi32, #tpu.memory_space<vmem>>) semaphore(%arg13 : memref<!tpu.dma_semaphore, #tpu.memory_space<semaphore_mem>>)
        %dma_start3A_956 = arith.constant 0 : i32
        %dma_start3A_957 = arith.constant 5 : i32
        %dma_start3A_958 = arith.constant 0 : i32
        %dma_start3A_959 = arith.constant 0 : i32
        %dma_start3A_960 = arith.constant 0 : i32
        %dma_start3A_961 = tpu.memref_slice %arg8[%dma_start3A_958, %dma_start3A_959, %dma_start3A_960] : memref<2x768x32xf32, #tpu.memory_space<vmem>> -> memref<1x768x32xf32, #tpu.memory_space<vmem>>
        %dma_start3A_962 = tpu.memref_squeeze %dma_start3A_961 : memref<1x768x32xf32, #tpu.memory_space<vmem>> -> memref<768x32xf32, #tpu.memory_space<vmem>>
        %dma_start3A_963 = arith.constant 640 : i32
        %dma_start3A_964 = arith.constant 0 : i32
        %dma_start3A_965 = tpu.memref_slice %dma_start3A_962[%dma_start3A_963, %dma_start3A_964] : memref<768x32xf32, #tpu.memory_space<vmem>> -> memref<128x32xf32, #tpu.memory_space<vmem>>
        %dma_start3A_966 = arith.constant 0 : i32
        %dma_start3A_967 = arith.constant 0 : i32
        %dma_start3A_968 = tpu.memref_slice %arg6[%dma_start3A_956, %dma_start3A_966, %dma_start3A_967] : memref<2x6x128xi32, #tpu.memory_space<vmem>> -> memref<1x6x128xi32, #tpu.memory_space<vmem>>
        %dma_start3A_969 = tpu.memref_squeeze %dma_start3A_968 : memref<1x6x128xi32, #tpu.memory_space<vmem>> -> memref<6x128xi32, #tpu.memory_space<vmem>>
        %dma_start3A_970 = arith.constant 0 : i32
        %dma_start3A_971 = tpu.memref_slice %dma_start3A_969[%dma_start3A_957, %dma_start3A_970] : memref<6x128xi32, #tpu.memory_space<vmem>> -> memref<1x128xi32, #tpu.memory_space<vmem>>
        %dma_start3A_972 = tpu.memref_squeeze %dma_start3A_971 : memref<1x128xi32, #tpu.memory_space<vmem>> -> memref<128xi32, #tpu.memory_space<vmem>>
        %dma_start3A_973 = arith.constant 0 : i32
        %dma_start3A_974 = arith.constant 0 : i32
        %dma_start3A_975 = tpu.memref_slice %arg4[%dma_start3A_973, %dma_start3A_974] : memref<1100001x32xf32, #tpu.memory_space<hbm>> -> memref<1100001x32xf32, #tpu.memory_space<hbm>>
        tpu.enqueue_indirect_dma source(%dma_start3A_975 : memref<1100001x32xf32, #tpu.memory_space<hbm>>) target(%dma_start3A_965 : memref<128x32xf32, #tpu.memory_space<vmem>>) offsets(%dma_start3A_972 : memref<128xi32, #tpu.memory_space<vmem>>) semaphore(%arg13 : memref<!tpu.dma_semaphore, #tpu.memory_space<semaphore_mem>>)
        %dma_start3A_976 = arith.constant 0 : i32
        %dma_start3A_977 = arith.constant 0 : i32
        %dma_start3A_978 = arith.constant 0 : i32
        %dma_start3A_979 = arith.constant 0 : i32
        %dma_start3A_980 = tpu.memref_slice %arg9[%dma_start3A_977, %dma_start3A_978, %dma_start3A_979] : memref<2x128x32xf32, #tpu.memory_space<vmem>> -> memref<1x128x32xf32, #tpu.memory_space<vmem>>
        %dma_start3A_981 = tpu.memref_squeeze %dma_start3A_980 : memref<1x128x32xf32, #tpu.memory_space<vmem>> -> memref<128x32xf32, #tpu.memory_space<vmem>>
        %dma_start3A_982 = arith.constant 0 : i32
        %dma_start3A_983 = tpu.memref_slice %arg7[%dma_start3A_976, %dma_start3A_982] : memref<2x128xi32, #tpu.memory_space<vmem>> -> memref<1x128xi32, #tpu.memory_space<vmem>>
        %dma_start3A_984 = tpu.memref_squeeze %dma_start3A_983 : memref<1x128xi32, #tpu.memory_space<vmem>> -> memref<128xi32, #tpu.memory_space<vmem>>
        %dma_start3A_985 = arith.constant 0 : i32
        %dma_start3A_986 = arith.constant 0 : i32
        %dma_start3A_987 = tpu.memref_slice %arg4[%dma_start3A_985, %dma_start3A_986] : memref<1100001x32xf32, #tpu.memory_space<hbm>> -> memref<1100001x32xf32, #tpu.memory_space<hbm>>
        tpu.enqueue_indirect_dma source(%dma_start3A_987 : memref<1100001x32xf32, #tpu.memory_space<hbm>>) target(%dma_start3A_981 : memref<128x32xf32, #tpu.memory_space<vmem>>) offsets(%dma_start3A_984 : memref<128xi32, #tpu.memory_space<vmem>>) semaphore(%arg13 : memref<!tpu.dma_semaphore, #tpu.memory_space<semaphore_mem>>)
      } else {
      }
      %scan3A_578 = arith.constant 0 : i32
      %scan3A_579 = arith.constant 0 : i32
      %scan3A_580 = arith.constant 64 : i32
      %scan3A_581 = arith.addi %scan3A_579, %scan3A_580 : i32
      %scan3A_582 = arith.constant 1 : i32
      scf.for %scan3A_736 = %scan3A_579 to %scan3A_581 step %scan3A_582  : i32 {
        %mul3A_737 = arith.constant 2 : i32
        %mul3A_738 = arith.muli %scan3A_736, %mul3A_737 : i32
        %add3A_739 = arith.constant 0 : i32
        %add3A_740 = arith.addi %mul3A_738, %add3A_739 : i32
        %get3A_741 = arith.constant 1 : i32
        %get3A_742 = arith.index_cast %get3A_741 : i32 to index
        %get3A_743 = arith.index_cast %add3A_740 : i32 to index
        %get3A_744 = arith.constant 0 : index
        %get3A_745 = tpu.vector_load %arg9[%get3A_742, %get3A_743, %get3A_744] {strides = array<i32>} : memref<2x128x32xf32, #tpu.memory_space<vmem>>, vector<16xf32>,
        %get3A_746 = arith.constant 1 : i32
        %get3A_747 = arith.index_cast %get3A_746 : i32 to index
        %get3A_748 = arith.index_cast %add3A_740 : i32 to index
        %get3A_749 = arith.constant 16 : index
        %get3A_750 = tpu.vector_load %arg9[%get3A_747, %get3A_748, %get3A_749] {strides = array<i32>} : memref<2x128x32xf32, #tpu.memory_space<vmem>>, vector<16xf32>,
        %add3A_751 = arith.constant 0 : i32
        %add3A_752 = arith.addi %add3A_751, %add3A_740 : i32
        %get3A_753 = arith.constant 1 : i32
        %get3A_754 = arith.index_cast %get3A_753 : i32 to index
        %get3A_755 = arith.index_cast %add3A_752 : i32 to index
        %get3A_756 = arith.constant 0 : index
        %get3A_757 = tpu.vector_load %arg8[%get3A_754, %get3A_755, %get3A_756] {strides = array<i32>} : memref<2x768x32xf32, #tpu.memory_space<vmem>>, vector<16xf32>,
        %add3A_758 = arith.addf %get3A_745, %get3A_757 : vector<16xf32>
        %add3A_759 = arith.constant 0 : i32
        %add3A_760 = arith.addi %add3A_759, %add3A_740 : i32
        %get3A_761 = arith.constant 1 : i32
        %get3A_762 = arith.index_cast %get3A_761 : i32 to index
        %get3A_763 = arith.index_cast %add3A_760 : i32 to index
        %get3A_764 = arith.constant 16 : index
        %get3A_765 = tpu.vector_load %arg8[%get3A_762, %get3A_763, %get3A_764] {strides = array<i32>} : memref<2x768x32xf32, #tpu.memory_space<vmem>>, vector<16xf32>,
        %add3A_766 = arith.addf %get3A_750, %get3A_765 : vector<16xf32>
        %add3A_767 = arith.constant 128 : i32
        %add3A_768 = arith.addi %add3A_767, %add3A_740 : i32
        %get3A_769 = arith.constant 1 : i32
        %get3A_770 = arith.index_cast %get3A_769 : i32 to index
        %get3A_771 = arith.index_cast %add3A_768 : i32 to index
        %get3A_772 = arith.constant 0 : index
        %get3A_773 = tpu.vector_load %arg8[%get3A_770, %get3A_771, %get3A_772] {strides = array<i32>} : memref<2x768x32xf32, #tpu.memory_space<vmem>>, vector<16xf32>,
        %add3A_774 = arith.addf %add3A_758, %get3A_773 : vector<16xf32>
        %add3A_775 = arith.constant 128 : i32
        %add3A_776 = arith.addi %add3A_775, %add3A_740 : i32
        %get3A_777 = arith.constant 1 : i32
        %get3A_778 = arith.index_cast %get3A_777 : i32 to index
        %get3A_779 = arith.index_cast %add3A_776 : i32 to index
        %get3A_780 = arith.constant 16 : index
        %get3A_781 = tpu.vector_load %arg8[%get3A_778, %get3A_779, %get3A_780] {strides = array<i32>} : memref<2x768x32xf32, #tpu.memory_space<vmem>>, vector<16xf32>,
        %add3A_782 = arith.addf %add3A_766, %get3A_781 : vector<16xf32>
        %add3A_783 = arith.constant 256 : i32
        %add3A_784 = arith.addi %add3A_783, %add3A_740 : i32
        %get3A_785 = arith.constant 1 : i32
        %get3A_786 = arith.index_cast %get3A_785 : i32 to index
        %get3A_787 = arith.index_cast %add3A_784 : i32 to index
        %get3A_788 = arith.constant 0 : index
        %get3A_789 = tpu.vector_load %arg8[%get3A_786, %get3A_787, %get3A_788] {strides = array<i32>} : memref<2x768x32xf32, #tpu.memory_space<vmem>>, vector<16xf32>,
        %add3A_790 = arith.addf %add3A_774, %get3A_789 : vector<16xf32>
        %add3A_791 = arith.constant 256 : i32
        %add3A_792 = arith.addi %add3A_791, %add3A_740 : i32
        %get3A_793 = arith.constant 1 : i32
        %get3A_794 = arith.index_cast %get3A_793 : i32 to index
        %get3A_795 = arith.index_cast %add3A_792 : i32 to index
        %get3A_796 = arith.constant 16 : index
        %get3A_797 = tpu.vector_load %arg8[%get3A_794, %get3A_795, %get3A_796] {strides = array<i32>} : memref<2x768x32xf32, #tpu.memory_space<vmem>>, vector<16xf32>,
        %add3A_798 = arith.addf %add3A_782, %get3A_797 : vector<16xf32>
        %add3A_799 = arith.constant 384 : i32
        %add3A_800 = arith.addi %add3A_799, %add3A_740 : i32
        %get3A_801 = arith.constant 1 : i32
        %get3A_802 = arith.index_cast %get3A_801 : i32 to index
        %get3A_803 = arith.index_cast %add3A_800 : i32 to index
        %get3A_804 = arith.constant 0 : index
        %get3A_805 = tpu.vector_load %arg8[%get3A_802, %get3A_803, %get3A_804] {strides = array<i32>} : memref<2x768x32xf32, #tpu.memory_space<vmem>>, vector<16xf32>,
        %add3A_806 = arith.addf %add3A_790, %get3A_805 : vector<16xf32>
        %add3A_807 = arith.constant 384 : i32
        %add3A_808 = arith.addi %add3A_807, %add3A_740 : i32
        %get3A_809 = arith.constant 1 : i32
        %get3A_810 = arith.index_cast %get3A_809 : i32 to index
        %get3A_811 = arith.index_cast %add3A_808 : i32 to index
        %get3A_812 = arith.constant 16 : index
        %get3A_813 = tpu.vector_load %arg8[%get3A_810, %get3A_811, %get3A_812] {strides = array<i32>} : memref<2x768x32xf32, #tpu.memory_space<vmem>>, vector<16xf32>,
        %add3A_814 = arith.addf %add3A_798, %get3A_813 : vector<16xf32>
        %add3A_815 = arith.constant 512 : i32
        %add3A_816 = arith.addi %add3A_815, %add3A_740 : i32
        %get3A_817 = arith.constant 1 : i32
        %get3A_818 = arith.index_cast %get3A_817 : i32 to index
        %get3A_819 = arith.index_cast %add3A_816 : i32 to index
        %get3A_820 = arith.constant 0 : index
        %get3A_821 = tpu.vector_load %arg8[%get3A_818, %get3A_819, %get3A_820] {strides = array<i32>} : memref<2x768x32xf32, #tpu.memory_space<vmem>>, vector<16xf32>,
        %add3A_822 = arith.addf %add3A_806, %get3A_821 : vector<16xf32>
        %add3A_823 = arith.constant 512 : i32
        %add3A_824 = arith.addi %add3A_823, %add3A_740 : i32
        %get3A_825 = arith.constant 1 : i32
        %get3A_826 = arith.index_cast %get3A_825 : i32 to index
        %get3A_827 = arith.index_cast %add3A_824 : i32 to index
        %get3A_828 = arith.constant 16 : index
        %get3A_829 = tpu.vector_load %arg8[%get3A_826, %get3A_827, %get3A_828] {strides = array<i32>} : memref<2x768x32xf32, #tpu.memory_space<vmem>>, vector<16xf32>,
        %add3A_830 = arith.addf %add3A_814, %get3A_829 : vector<16xf32>
        %add3A_831 = arith.constant 640 : i32
        %add3A_832 = arith.addi %add3A_831, %add3A_740 : i32
        %get3A_833 = arith.constant 1 : i32
        %get3A_834 = arith.index_cast %get3A_833 : i32 to index
        %get3A_835 = arith.index_cast %add3A_832 : i32 to index
        %get3A_836 = arith.constant 0 : index
        %get3A_837 = tpu.vector_load %arg8[%get3A_834, %get3A_835, %get3A_836] {strides = array<i32>} : memref<2x768x32xf32, #tpu.memory_space<vmem>>, vector<16xf32>,
        %add3A_838 = arith.addf %add3A_822, %get3A_837 : vector<16xf32>
        %add3A_839 = arith.constant 640 : i32
        %add3A_840 = arith.addi %add3A_839, %add3A_740 : i32
        %get3A_841 = arith.constant 1 : i32
        %get3A_842 = arith.index_cast %get3A_841 : i32 to index
        %get3A_843 = arith.index_cast %add3A_840 : i32 to index
        %get3A_844 = arith.constant 16 : index
        %get3A_845 = tpu.vector_load %arg8[%get3A_842, %get3A_843, %get3A_844] {strides = array<i32>} : memref<2x768x32xf32, #tpu.memory_space<vmem>>, vector<16xf32>,
        %add3A_846 = arith.addf %add3A_830, %get3A_845 : vector<16xf32>
        %add3A_847 = vector.broadcast %add3A_740 : i32 to vector<16xi32>
        %add3A_848 = arith.addi %add3A_12, %add3A_847 : vector<16xi32>
        %mul3A_849 = vector.broadcast %scan3A_320 : f32 to vector<16xf32>
        %mul3A_850 = arith.mulf %add3A_838, %mul3A_849 : vector<16xf32>
        %scatter3A = arith.constant 1 : i32
        %scatter3A_851 = arith.constant 0 : i32
        %scatter3A_852 = tpu.memref_slice %arg10[%scatter3A, %scatter3A_851] : memref<2x4096xf32, #tpu.memory_space<vmem>> -> memref<1x4096xf32, #tpu.memory_space<vmem>>
        %scatter3A_853 = tpu.memref_squeeze %scatter3A_852 : memref<1x4096xf32, #tpu.memory_space<vmem>> -> memref<4096xf32, #tpu.memory_space<vmem>>
        tpu.vector_store_idx %scatter3A_853[%add3A_848], %mul3A_850 : memref<4096xf32, #tpu.memory_space<vmem>>[vector<16xi32>], vector<16xf32>,
        %add3A_854 = vector.broadcast %add3A_740 : i32 to vector<16xi32>
        %add3A_855 = arith.addi %add3A_15, %add3A_854 : vector<16xi32>
        %mul3A_856 = vector.broadcast %scan3A_320 : f32 to vector<16xf32>
        %mul3A_857 = arith.mulf %add3A_846, %mul3A_856 : vector<16xf32>
        %scatter3A_858 = arith.constant 1 : i32
        %scatter3A_859 = arith.constant 0 : i32
        %scatter3A_860 = tpu.memref_slice %arg10[%scatter3A_858, %scatter3A_859] : memref<2x4096xf32, #tpu.memory_space<vmem>> -> memref<1x4096xf32, #tpu.memory_space<vmem>>
        %scatter3A_861 = tpu.memref_squeeze %scatter3A_860 : memref<1x4096xf32, #tpu.memory_space<vmem>> -> memref<4096xf32, #tpu.memory_space<vmem>>
        tpu.vector_store_idx %scatter3A_861[%add3A_855], %mul3A_857 : memref<4096xf32, #tpu.memory_space<vmem>>[vector<16xi32>], vector<16xf32>,
        %mul3A_862 = arith.constant 2 : i32
        %mul3A_863 = arith.muli %scan3A_736, %mul3A_862 : i32
        %add3A_864 = arith.constant 1 : i32
        %add3A_865 = arith.addi %mul3A_863, %add3A_864 : i32
        %get3A_866 = arith.constant 1 : i32
        %get3A_867 = arith.index_cast %get3A_866 : i32 to index
        %get3A_868 = arith.index_cast %add3A_865 : i32 to index
        %get3A_869 = arith.constant 0 : index
        %get3A_870 = tpu.vector_load %arg9[%get3A_867, %get3A_868, %get3A_869] {strides = array<i32>} : memref<2x128x32xf32, #tpu.memory_space<vmem>>, vector<16xf32>,
        %get3A_871 = arith.constant 1 : i32
        %get3A_872 = arith.index_cast %get3A_871 : i32 to index
        %get3A_873 = arith.index_cast %add3A_865 : i32 to index
        %get3A_874 = arith.constant 16 : index
        %get3A_875 = tpu.vector_load %arg9[%get3A_872, %get3A_873, %get3A_874] {strides = array<i32>} : memref<2x128x32xf32, #tpu.memory_space<vmem>>, vector<16xf32>,
        %add3A_876 = arith.constant 0 : i32
        %add3A_877 = arith.addi %add3A_876, %add3A_865 : i32
        %get3A_878 = arith.constant 1 : i32
        %get3A_879 = arith.index_cast %get3A_878 : i32 to index
        %get3A_880 = arith.index_cast %add3A_877 : i32 to index
        %get3A_881 = arith.constant 0 : index
        %get3A_882 = tpu.vector_load %arg8[%get3A_879, %get3A_880, %get3A_881] {strides = array<i32>} : memref<2x768x32xf32, #tpu.memory_space<vmem>>, vector<16xf32>,
        %add3A_883 = arith.addf %get3A_870, %get3A_882 : vector<16xf32>
        %add3A_884 = arith.constant 0 : i32
        %add3A_885 = arith.addi %add3A_884, %add3A_865 : i32
        %get3A_886 = arith.constant 1 : i32
        %get3A_887 = arith.index_cast %get3A_886 : i32 to index
        %get3A_888 = arith.index_cast %add3A_885 : i32 to index
        %get3A_889 = arith.constant 16 : index
        %get3A_890 = tpu.vector_load %arg8[%get3A_887, %get3A_888, %get3A_889] {strides = array<i32>} : memref<2x768x32xf32, #tpu.memory_space<vmem>>, vector<16xf32>,
        %add3A_891 = arith.addf %get3A_875, %get3A_890 : vector<16xf32>
        %add3A_892 = arith.constant 128 : i32
        %add3A_893 = arith.addi %add3A_892, %add3A_865 : i32
        %get3A_894 = arith.constant 1 : i32
        %get3A_895 = arith.index_cast %get3A_894 : i32 to index
        %get3A_896 = arith.index_cast %add3A_893 : i32 to index
        %get3A_897 = arith.constant 0 : index
        %get3A_898 = tpu.vector_load %arg8[%get3A_895, %get3A_896, %get3A_897] {strides = array<i32>} : memref<2x768x32xf32, #tpu.memory_space<vmem>>, vector<16xf32>,
        %add3A_899 = arith.addf %add3A_883, %get3A_898 : vector<16xf32>
        %add3A_900 = arith.constant 128 : i32
        %add3A_901 = arith.addi %add3A_900, %add3A_865 : i32
        %get3A_902 = arith.constant 1 : i32
        %get3A_903 = arith.index_cast %get3A_902 : i32 to index
        %get3A_904 = arith.index_cast %add3A_901 : i32 to index
        %get3A_905 = arith.constant 16 : index
        %get3A_906 = tpu.vector_load %arg8[%get3A_903, %get3A_904, %get3A_905] {strides = array<i32>} : memref<2x768x32xf32, #tpu.memory_space<vmem>>, vector<16xf32>,
        %add3A_907 = arith.addf %add3A_891, %get3A_906 : vector<16xf32>
        %add3A_908 = arith.constant 256 : i32
        %add3A_909 = arith.addi %add3A_908, %add3A_865 : i32
        %get3A_910 = arith.constant 1 : i32
        %get3A_911 = arith.index_cast %get3A_910 : i32 to index
        %get3A_912 = arith.index_cast %add3A_909 : i32 to index
        %get3A_913 = arith.constant 0 : index
        %get3A_914 = tpu.vector_load %arg8[%get3A_911, %get3A_912, %get3A_913] {strides = array<i32>} : memref<2x768x32xf32, #tpu.memory_space<vmem>>, vector<16xf32>,
        %add3A_915 = arith.addf %add3A_899, %get3A_914 : vector<16xf32>
        %add3A_916 = arith.constant 256 : i32
        %add3A_917 = arith.addi %add3A_916, %add3A_865 : i32
        %get3A_918 = arith.constant 1 : i32
        %get3A_919 = arith.index_cast %get3A_918 : i32 to index
        %get3A_920 = arith.index_cast %add3A_917 : i32 to index
        %get3A_921 = arith.constant 16 : index
        %get3A_922 = tpu.vector_load %arg8[%get3A_919, %get3A_920, %get3A_921] {strides = array<i32>} : memref<2x768x32xf32, #tpu.memory_space<vmem>>, vector<16xf32>,
        %add3A_923 = arith.addf %add3A_907, %get3A_922 : vector<16xf32>
        %add3A_924 = arith.constant 384 : i32
        %add3A_925 = arith.addi %add3A_924, %add3A_865 : i32
        %get3A_926 = arith.constant 1 : i32
        %get3A_927 = arith.index_cast %get3A_926 : i32 to index
        %get3A_928 = arith.index_cast %add3A_925 : i32 to index
        %get3A_929 = arith.constant 0 : index
        %get3A_930 = tpu.vector_load %arg8[%get3A_927, %get3A_928, %get3A_929] {strides = array<i32>} : memref<2x768x32xf32, #tpu.memory_space<vmem>>, vector<16xf32>,
        %add3A_931 = arith.addf %add3A_915, %get3A_930 : vector<16xf32>
        %add3A_932 = arith.constant 384 : i32
        %add3A_933 = arith.addi %add3A_932, %add3A_865 : i32
        %get3A_934 = arith.constant 1 : i32
        %get3A_935 = arith.index_cast %get3A_934 : i32 to index
        %get3A_936 = arith.index_cast %add3A_933 : i32 to index
        %get3A_937 = arith.constant 16 : index
        %get3A_938 = tpu.vector_load %arg8[%get3A_935, %get3A_936, %get3A_937] {strides = array<i32>} : memref<2x768x32xf32, #tpu.memory_space<vmem>>, vector<16xf32>,
        %add3A_939 = arith.addf %add3A_923, %get3A_938 : vector<16xf32>
        %add3A_940 = arith.constant 512 : i32
        %add3A_941 = arith.addi %add3A_940, %add3A_865 : i32
        %get3A_942 = arith.constant 1 : i32
        %get3A_943 = arith.index_cast %get3A_942 : i32 to index
        %get3A_944 = arith.index_cast %add3A_941 : i32 to index
        %get3A_945 = arith.constant 0 : index
        %get3A_946 = tpu.vector_load %arg8[%get3A_943, %get3A_944, %get3A_945] {strides = array<i32>} : memref<2x768x32xf32, #tpu.memory_space<vmem>>, vector<16xf32>,
        %add3A_947 = arith.addf %add3A_931, %get3A_946 : vector<16xf32>
        %add3A_948 = arith.constant 512 : i32
        %add3A_949 = arith.addi %add3A_948, %add3A_865 : i32
        %get3A_950 = arith.constant 1 : i32
        %get3A_951 = arith.index_cast %get3A_950 : i32 to index
        %get3A_952 = arith.index_cast %add3A_949 : i32 to index
        %get3A_953 = arith.constant 16 : index
        %get3A_954 = tpu.vector_load %arg8[%get3A_951, %get3A_952, %get3A_953] {strides = array<i32>} : memref<2x768x32xf32, #tpu.memory_space<vmem>>, vector<16xf32>,
        %add3A_955 = arith.addf %add3A_939, %get3A_954 : vector<16xf32>
        %add3A_956 = arith.constant 640 : i32
        %add3A_957 = arith.addi %add3A_956, %add3A_865 : i32
        %get3A_958 = arith.constant 1 : i32
        %get3A_959 = arith.index_cast %get3A_958 : i32 to index
        %get3A_960 = arith.index_cast %add3A_957 : i32 to index
        %get3A_961 = arith.constant 0 : index
        %get3A_962 = tpu.vector_load %arg8[%get3A_959, %get3A_960, %get3A_961] {strides = array<i32>} : memref<2x768x32xf32, #tpu.memory_space<vmem>>, vector<16xf32>,
        %add3A_963 = arith.addf %add3A_947, %get3A_962 : vector<16xf32>
        %add3A_964 = arith.constant 640 : i32
        %add3A_965 = arith.addi %add3A_964, %add3A_865 : i32
        %get3A_966 = arith.constant 1 : i32
        %get3A_967 = arith.index_cast %get3A_966 : i32 to index
        %get3A_968 = arith.index_cast %add3A_965 : i32 to index
        %get3A_969 = arith.constant 16 : index
        %get3A_970 = tpu.vector_load %arg8[%get3A_967, %get3A_968, %get3A_969] {strides = array<i32>} : memref<2x768x32xf32, #tpu.memory_space<vmem>>, vector<16xf32>,
        %add3A_971 = arith.addf %add3A_955, %get3A_970 : vector<16xf32>
        %add3A_972 = vector.broadcast %add3A_865 : i32 to vector<16xi32>
        %add3A_973 = arith.addi %add3A_12, %add3A_972 : vector<16xi32>
        %mul3A_974 = vector.broadcast %scan3A_320 : f32 to vector<16xf32>
        %mul3A_975 = arith.mulf %add3A_963, %mul3A_974 : vector<16xf32>
        %scatter3A_976 = arith.constant 1 : i32
        %scatter3A_977 = arith.constant 0 : i32
        %scatter3A_978 = tpu.memref_slice %arg10[%scatter3A_976, %scatter3A_977] : memref<2x4096xf32, #tpu.memory_space<vmem>> -> memref<1x4096xf32, #tpu.memory_space<vmem>>
        %scatter3A_979 = tpu.memref_squeeze %scatter3A_978 : memref<1x4096xf32, #tpu.memory_space<vmem>> -> memref<4096xf32, #tpu.memory_space<vmem>>
        tpu.vector_store_idx %scatter3A_979[%add3A_973], %mul3A_975 : memref<4096xf32, #tpu.memory_space<vmem>>[vector<16xi32>], vector<16xf32>,
        %add3A_980 = vector.broadcast %add3A_865 : i32 to vector<16xi32>
        %add3A_981 = arith.addi %add3A_15, %add3A_980 : vector<16xi32>
        %mul3A_982 = vector.broadcast %scan3A_320 : f32 to vector<16xf32>
        %mul3A_983 = arith.mulf %add3A_971, %mul3A_982 : vector<16xf32>
        %scatter3A_984 = arith.constant 1 : i32
        %scatter3A_985 = arith.constant 0 : i32
        %scatter3A_986 = tpu.memref_slice %arg10[%scatter3A_984, %scatter3A_985] : memref<2x4096xf32, #tpu.memory_space<vmem>> -> memref<1x4096xf32, #tpu.memory_space<vmem>>
        %scatter3A_987 = tpu.memref_squeeze %scatter3A_986 : memref<1x4096xf32, #tpu.memory_space<vmem>> -> memref<4096xf32, #tpu.memory_space<vmem>>
        tpu.vector_store_idx %scatter3A_987[%add3A_981], %mul3A_983 : memref<4096xf32, #tpu.memory_space<vmem>>[vector<16xi32>], vector<16xf32>,
      }
      %scan3A_583 = arith.constant 64 : i32
      %dma_start3A_584 = arith.constant 1 : i32
      %dma_start3A_585 = arith.constant 0 : i32
      %dma_start3A_586 = arith.constant 0 : i32
      %dma_start3A_587 = tpu.memref_slice %arg10[%dma_start3A_584, %dma_start3A_586] : memref<2x4096xf32, #tpu.memory_space<vmem>> -> memref<1x4096xf32, #tpu.memory_space<vmem>>
      %dma_start3A_588 = tpu.memref_squeeze %dma_start3A_587 : memref<1x4096xf32, #tpu.memory_space<vmem>> -> memref<4096xf32, #tpu.memory_space<vmem>>
      %dma_start3A_589 = arith.constant 0 : i32
      %dma_start3A_590 = tpu.memref_slice %dma_start3A_588[%dma_start3A_589] : memref<4096xf32, #tpu.memory_space<vmem>> -> memref<1024xf32, #tpu.memory_space<vmem>>
      %dma_start3A_591 = arith.constant 0 : i32
      %dma_start3A_592 = tpu.memref_slice %arg5[%add3A_533, %dma_start3A_585, %add3A, %dma_start3A_591] : memref<50x4x32x1024xf32, #tpu.memory_space<hbm>> -> memref<1x1x1x1024xf32, #tpu.memory_space<hbm>>
      %dma_start3A_593 = tpu.memref_squeeze %dma_start3A_592 : memref<1x1x1x1024xf32, #tpu.memory_space<hbm>> -> memref<1024xf32, #tpu.memory_space<hbm>>
      %dma_start3A_594 = arith.constant 0 : i32
      %dma_start3A_595 = tpu.memref_slice %arg5[%add3A_533, %dma_start3A_585, %add3A, %dma_start3A_594] : memref<50x4x32x1024xf32, #tpu.memory_space<hbm>> -> memref<1x1x1x1024xf32, #tpu.memory_space<hbm>>
      %dma_start3A_596 = tpu.memref_squeeze %dma_start3A_595 : memref<1x1x1x1024xf32, #tpu.memory_space<hbm>> -> memref<1024xf32, #tpu.memory_space<hbm>>
      %dma_start3A_597 = arith.constant 0 : i32
      %dma_start3A_598 = tpu.memref_slice %arg10[%dma_start3A_584, %dma_start3A_597] : memref<2x4096xf32, #tpu.memory_space<vmem>> -> memref<1x4096xf32, #tpu.memory_space<vmem>>
      %dma_start3A_599 = tpu.memref_squeeze %dma_start3A_598 : memref<1x4096xf32, #tpu.memory_space<vmem>> -> memref<4096xf32, #tpu.memory_space<vmem>>
      %dma_start3A_600 = arith.constant 0 : i32
      %dma_start3A_601 = tpu.memref_slice %dma_start3A_599[%dma_start3A_600] : memref<4096xf32, #tpu.memory_space<vmem>> -> memref<1024xf32, #tpu.memory_space<vmem>>
      tpu.enqueue_dma source(%dma_start3A_601 : memref<1024xf32, #tpu.memory_space<vmem>>) target(%dma_start3A_596 : memref<1024xf32, #tpu.memory_space<hbm>>) target_semaphore(%arg14 : memref<!tpu.dma_semaphore, #tpu.memory_space<semaphore_mem>>)
      %dma_start3A_602 = arith.constant 1 : i32
      %dma_start3A_603 = arith.constant 1 : i32
      %dma_start3A_604 = arith.constant 0 : i32
      %dma_start3A_605 = tpu.memref_slice %arg10[%dma_start3A_602, %dma_start3A_604] : memref<2x4096xf32, #tpu.memory_space<vmem>> -> memref<1x4096xf32, #tpu.memory_space<vmem>>
      %dma_start3A_606 = tpu.memref_squeeze %dma_start3A_605 : memref<1x4096xf32, #tpu.memory_space<vmem>> -> memref<4096xf32, #tpu.memory_space<vmem>>
      %dma_start3A_607 = arith.constant 1024 : i32
      %dma_start3A_608 = tpu.memref_slice %dma_start3A_606[%dma_start3A_607] : memref<4096xf32, #tpu.memory_space<vmem>> -> memref<1024xf32, #tpu.memory_space<vmem>>
      %dma_start3A_609 = arith.constant 0 : i32
      %dma_start3A_610 = tpu.memref_slice %arg5[%add3A_533, %dma_start3A_603, %add3A, %dma_start3A_609] : memref<50x4x32x1024xf32, #tpu.memory_space<hbm>> -> memref<1x1x1x1024xf32, #tpu.memory_space<hbm>>
      %dma_start3A_611 = tpu.memref_squeeze %dma_start3A_610 : memref<1x1x1x1024xf32, #tpu.memory_space<hbm>> -> memref<1024xf32, #tpu.memory_space<hbm>>
      %dma_start3A_612 = arith.constant 0 : i32
      %dma_start3A_613 = tpu.memref_slice %arg5[%add3A_533, %dma_start3A_603, %add3A, %dma_start3A_612] : memref<50x4x32x1024xf32, #tpu.memory_space<hbm>> -> memref<1x1x1x1024xf32, #tpu.memory_space<hbm>>
      %dma_start3A_614 = tpu.memref_squeeze %dma_start3A_613 : memref<1x1x1x1024xf32, #tpu.memory_space<hbm>> -> memref<1024xf32, #tpu.memory_space<hbm>>
      %dma_start3A_615 = arith.constant 0 : i32
      %dma_start3A_616 = tpu.memref_slice %arg10[%dma_start3A_602, %dma_start3A_615] : memref<2x4096xf32, #tpu.memory_space<vmem>> -> memref<1x4096xf32, #tpu.memory_space<vmem>>
      %dma_start3A_617 = tpu.memref_squeeze %dma_start3A_616 : memref<1x4096xf32, #tpu.memory_space<vmem>> -> memref<4096xf32, #tpu.memory_space<vmem>>
      %dma_start3A_618 = arith.constant 1024 : i32
      %dma_start3A_619 = tpu.memref_slice %dma_start3A_617[%dma_start3A_618] : memref<4096xf32, #tpu.memory_space<vmem>> -> memref<1024xf32, #tpu.memory_space<vmem>>
      tpu.enqueue_dma source(%dma_start3A_619 : memref<1024xf32, #tpu.memory_space<vmem>>) target(%dma_start3A_614 : memref<1024xf32, #tpu.memory_space<hbm>>) target_semaphore(%arg14 : memref<!tpu.dma_semaphore, #tpu.memory_space<semaphore_mem>>)
      %dma_start3A_620 = arith.constant 1 : i32
      %dma_start3A_621 = arith.constant 2 : i32
      %dma_start3A_622 = arith.constant 0 : i32
      %dma_start3A_623 = tpu.memref_slice %arg10[%dma_start3A_620, %dma_start3A_622] : memref<2x4096xf32, #tpu.memory_space<vmem>> -> memref<1x4096xf32, #tpu.memory_space<vmem>>
      %dma_start3A_624 = tpu.memref_squeeze %dma_start3A_623 : memref<1x4096xf32, #tpu.memory_space<vmem>> -> memref<4096xf32, #tpu.memory_space<vmem>>
      %dma_start3A_625 = arith.constant 2048 : i32
      %dma_start3A_626 = tpu.memref_slice %dma_start3A_624[%dma_start3A_625] : memref<4096xf32, #tpu.memory_space<vmem>> -> memref<1024xf32, #tpu.memory_space<vmem>>
      %dma_start3A_627 = arith.constant 0 : i32
      %dma_start3A_628 = tpu.memref_slice %arg5[%add3A_533, %dma_start3A_621, %add3A, %dma_start3A_627] : memref<50x4x32x1024xf32, #tpu.memory_space<hbm>> -> memref<1x1x1x1024xf32, #tpu.memory_space<hbm>>
      %dma_start3A_629 = tpu.memref_squeeze %dma_start3A_628 : memref<1x1x1x1024xf32, #tpu.memory_space<hbm>> -> memref<1024xf32, #tpu.memory_space<hbm>>
      %dma_start3A_630 = arith.constant 0 : i32
      %dma_start3A_631 = tpu.memref_slice %arg5[%add3A_533, %dma_start3A_621, %add3A, %dma_start3A_630] : memref<50x4x32x1024xf32, #tpu.memory_space<hbm>> -> memref<1x1x1x1024xf32, #tpu.memory_space<hbm>>
      %dma_start3A_632 = tpu.memref_squeeze %dma_start3A_631 : memref<1x1x1x1024xf32, #tpu.memory_space<hbm>> -> memref<1024xf32, #tpu.memory_space<hbm>>
      %dma_start3A_633 = arith.constant 0 : i32
      %dma_start3A_634 = tpu.memref_slice %arg10[%dma_start3A_620, %dma_start3A_633] : memref<2x4096xf32, #tpu.memory_space<vmem>> -> memref<1x4096xf32, #tpu.memory_space<vmem>>
      %dma_start3A_635 = tpu.memref_squeeze %dma_start3A_634 : memref<1x4096xf32, #tpu.memory_space<vmem>> -> memref<4096xf32, #tpu.memory_space<vmem>>
      %dma_start3A_636 = arith.constant 2048 : i32
      %dma_start3A_637 = tpu.memref_slice %dma_start3A_635[%dma_start3A_636] : memref<4096xf32, #tpu.memory_space<vmem>> -> memref<1024xf32, #tpu.memory_space<vmem>>
      tpu.enqueue_dma source(%dma_start3A_637 : memref<1024xf32, #tpu.memory_space<vmem>>) target(%dma_start3A_632 : memref<1024xf32, #tpu.memory_space<hbm>>) target_semaphore(%arg14 : memref<!tpu.dma_semaphore, #tpu.memory_space<semaphore_mem>>)
      %dma_start3A_638 = arith.constant 1 : i32
      %dma_start3A_639 = arith.constant 3 : i32
      %dma_start3A_640 = arith.constant 0 : i32
      %dma_start3A_641 = tpu.memref_slice %arg10[%dma_start3A_638, %dma_start3A_640] : memref<2x4096xf32, #tpu.memory_space<vmem>> -> memref<1x4096xf32, #tpu.memory_space<vmem>>
      %dma_start3A_642 = tpu.memref_squeeze %dma_start3A_641 : memref<1x4096xf32, #tpu.memory_space<vmem>> -> memref<4096xf32, #tpu.memory_space<vmem>>
      %dma_start3A_643 = arith.constant 3072 : i32
      %dma_start3A_644 = tpu.memref_slice %dma_start3A_642[%dma_start3A_643] : memref<4096xf32, #tpu.memory_space<vmem>> -> memref<1024xf32, #tpu.memory_space<vmem>>
      %dma_start3A_645 = arith.constant 0 : i32
      %dma_start3A_646 = tpu.memref_slice %arg5[%add3A_533, %dma_start3A_639, %add3A, %dma_start3A_645] : memref<50x4x32x1024xf32, #tpu.memory_space<hbm>> -> memref<1x1x1x1024xf32, #tpu.memory_space<hbm>>
      %dma_start3A_647 = tpu.memref_squeeze %dma_start3A_646 : memref<1x1x1x1024xf32, #tpu.memory_space<hbm>> -> memref<1024xf32, #tpu.memory_space<hbm>>
      %dma_start3A_648 = arith.constant 0 : i32
      %dma_start3A_649 = tpu.memref_slice %arg5[%add3A_533, %dma_start3A_639, %add3A, %dma_start3A_648] : memref<50x4x32x1024xf32, #tpu.memory_space<hbm>> -> memref<1x1x1x1024xf32, #tpu.memory_space<hbm>>
      %dma_start3A_650 = tpu.memref_squeeze %dma_start3A_649 : memref<1x1x1x1024xf32, #tpu.memory_space<hbm>> -> memref<1024xf32, #tpu.memory_space<hbm>>
      %dma_start3A_651 = arith.constant 0 : i32
      %dma_start3A_652 = tpu.memref_slice %arg10[%dma_start3A_638, %dma_start3A_651] : memref<2x4096xf32, #tpu.memory_space<vmem>> -> memref<1x4096xf32, #tpu.memory_space<vmem>>
      %dma_start3A_653 = tpu.memref_squeeze %dma_start3A_652 : memref<1x4096xf32, #tpu.memory_space<vmem>> -> memref<4096xf32, #tpu.memory_space<vmem>>
      %dma_start3A_654 = arith.constant 3072 : i32
      %dma_start3A_655 = tpu.memref_slice %dma_start3A_653[%dma_start3A_654] : memref<4096xf32, #tpu.memory_space<vmem>> -> memref<1024xf32, #tpu.memory_space<vmem>>
      tpu.enqueue_dma source(%dma_start3A_655 : memref<1024xf32, #tpu.memory_space<vmem>>) target(%dma_start3A_650 : memref<1024xf32, #tpu.memory_space<hbm>>) target_semaphore(%arg14 : memref<!tpu.dma_semaphore, #tpu.memory_space<semaphore_mem>>)
      %dma_wait3A_656 = arith.constant 1 : i32
      %dma_wait3A_657 = arith.constant 0 : i32
      %dma_wait3A_658 = arith.constant 0 : i32
      %dma_wait3A_659 = arith.constant 0 : i32
      %dma_wait3A_660 = arith.constant 0 : i32
      %dma_wait3A_661 = tpu.memref_slice %arg10[%dma_wait3A_656, %dma_wait3A_660] : memref<2x4096xf32, #tpu.memory_space<vmem>> -> memref<1x4096xf32, #tpu.memory_space<vmem>>
      %dma_wait3A_662 = tpu.memref_squeeze %dma_wait3A_661 : memref<1x4096xf32, #tpu.memory_space<vmem>> -> memref<4096xf32, #tpu.memory_space<vmem>>
      %dma_wait3A_663 = arith.constant 0 : i32
      %dma_wait3A_664 = tpu.memref_slice %dma_wait3A_662[%dma_wait3A_663] : memref<4096xf32, #tpu.memory_space<vmem>> -> memref<1024xf32, #tpu.memory_space<vmem>>
      %dma_wait3A_665 = arith.constant 0 : i32
      %dma_wait3A_666 = tpu.memref_slice %arg5[%dma_wait3A_657, %dma_wait3A_658, %dma_wait3A_659, %dma_wait3A_665] : memref<50x4x32x1024xf32, #tpu.memory_space<hbm>> -> memref<1x1x1x1024xf32, #tpu.memory_space<hbm>>
      %dma_wait3A_667 = tpu.memref_squeeze %dma_wait3A_666 : memref<1x1x1x1024xf32, #tpu.memory_space<hbm>> -> memref<1024xf32, #tpu.memory_space<hbm>>
      %dma_wait3A_668 = arith.constant 0 : i32
      %dma_wait3A_669 = tpu.memref_slice %arg5[%dma_wait3A_657, %dma_wait3A_658, %dma_wait3A_659, %dma_wait3A_668] : memref<50x4x32x1024xf32, #tpu.memory_space<hbm>> -> memref<1x1x1x1024xf32, #tpu.memory_space<hbm>>
      %dma_wait3A_670 = tpu.memref_squeeze %dma_wait3A_669 : memref<1x1x1x1024xf32, #tpu.memory_space<hbm>> -> memref<1024xf32, #tpu.memory_space<hbm>>
      %dma_wait3A_671 = arith.constant 0 : i32
      %dma_wait3A_672 = tpu.memref_slice %arg10[%dma_wait3A_656, %dma_wait3A_671] : memref<2x4096xf32, #tpu.memory_space<vmem>> -> memref<1x4096xf32, #tpu.memory_space<vmem>>
      %dma_wait3A_673 = tpu.memref_squeeze %dma_wait3A_672 : memref<1x4096xf32, #tpu.memory_space<vmem>> -> memref<4096xf32, #tpu.memory_space<vmem>>
      %dma_wait3A_674 = arith.constant 0 : i32
      %dma_wait3A_675 = tpu.memref_slice %dma_wait3A_673[%dma_wait3A_674] : memref<4096xf32, #tpu.memory_space<vmem>> -> memref<1024xf32, #tpu.memory_space<vmem>>
      tpu.wait_dma2 semaphore(%arg14 : memref<!tpu.dma_semaphore, #tpu.memory_space<semaphore_mem>>) src(%dma_wait3A_675 : memref<1024xf32, #tpu.memory_space<vmem>>) dst(%dma_wait3A_670 : memref<1024xf32, #tpu.memory_space<hbm>>)
      %dma_wait3A_676 = arith.constant 1 : i32
      %dma_wait3A_677 = arith.constant 0 : i32
      %dma_wait3A_678 = arith.constant 0 : i32
      %dma_wait3A_679 = arith.constant 0 : i32
      %dma_wait3A_680 = arith.constant 0 : i32
      %dma_wait3A_681 = tpu.memref_slice %arg10[%dma_wait3A_676, %dma_wait3A_680] : memref<2x4096xf32, #tpu.memory_space<vmem>> -> memref<1x4096xf32, #tpu.memory_space<vmem>>
      %dma_wait3A_682 = tpu.memref_squeeze %dma_wait3A_681 : memref<1x4096xf32, #tpu.memory_space<vmem>> -> memref<4096xf32, #tpu.memory_space<vmem>>
      %dma_wait3A_683 = arith.constant 0 : i32
      %dma_wait3A_684 = tpu.memref_slice %dma_wait3A_682[%dma_wait3A_683] : memref<4096xf32, #tpu.memory_space<vmem>> -> memref<1024xf32, #tpu.memory_space<vmem>>
      %dma_wait3A_685 = arith.constant 0 : i32
      %dma_wait3A_686 = tpu.memref_slice %arg5[%dma_wait3A_677, %dma_wait3A_678, %dma_wait3A_679, %dma_wait3A_685] : memref<50x4x32x1024xf32, #tpu.memory_space<hbm>> -> memref<1x1x1x1024xf32, #tpu.memory_space<hbm>>
      %dma_wait3A_687 = tpu.memref_squeeze %dma_wait3A_686 : memref<1x1x1x1024xf32, #tpu.memory_space<hbm>> -> memref<1024xf32, #tpu.memory_space<hbm>>
      %dma_wait3A_688 = arith.constant 0 : i32
      %dma_wait3A_689 = tpu.memref_slice %arg5[%dma_wait3A_677, %dma_wait3A_678, %dma_wait3A_679, %dma_wait3A_688] : memref<50x4x32x1024xf32, #tpu.memory_space<hbm>> -> memref<1x1x1x1024xf32, #tpu.memory_space<hbm>>
      %dma_wait3A_690 = tpu.memref_squeeze %dma_wait3A_689 : memref<1x1x1x1024xf32, #tpu.memory_space<hbm>> -> memref<1024xf32, #tpu.memory_space<hbm>>
      %dma_wait3A_691 = arith.constant 0 : i32
      %dma_wait3A_692 = tpu.memref_slice %arg10[%dma_wait3A_676, %dma_wait3A_691] : memref<2x4096xf32, #tpu.memory_space<vmem>> -> memref<1x4096xf32, #tpu.memory_space<vmem>>
      %dma_wait3A_693 = tpu.memref_squeeze %dma_wait3A_692 : memref<1x4096xf32, #tpu.memory_space<vmem>> -> memref<4096xf32, #tpu.memory_space<vmem>>
      %dma_wait3A_694 = arith.constant 0 : i32
      %dma_wait3A_695 = tpu.memref_slice %dma_wait3A_693[%dma_wait3A_694] : memref<4096xf32, #tpu.memory_space<vmem>> -> memref<1024xf32, #tpu.memory_space<vmem>>
      tpu.wait_dma2 semaphore(%arg14 : memref<!tpu.dma_semaphore, #tpu.memory_space<semaphore_mem>>) src(%dma_wait3A_695 : memref<1024xf32, #tpu.memory_space<vmem>>) dst(%dma_wait3A_690 : memref<1024xf32, #tpu.memory_space<hbm>>)
      %dma_wait3A_696 = arith.constant 1 : i32
      %dma_wait3A_697 = arith.constant 0 : i32
      %dma_wait3A_698 = arith.constant 0 : i32
      %dma_wait3A_699 = arith.constant 0 : i32
      %dma_wait3A_700 = arith.constant 0 : i32
      %dma_wait3A_701 = tpu.memref_slice %arg10[%dma_wait3A_696, %dma_wait3A_700] : memref<2x4096xf32, #tpu.memory_space<vmem>> -> memref<1x4096xf32, #tpu.memory_space<vmem>>
      %dma_wait3A_702 = tpu.memref_squeeze %dma_wait3A_701 : memref<1x4096xf32, #tpu.memory_space<vmem>> -> memref<4096xf32, #tpu.memory_space<vmem>>
      %dma_wait3A_703 = arith.constant 0 : i32
      %dma_wait3A_704 = tpu.memref_slice %dma_wait3A_702[%dma_wait3A_703] : memref<4096xf32, #tpu.memory_space<vmem>> -> memref<1024xf32, #tpu.memory_space<vmem>>
      %dma_wait3A_705 = arith.constant 0 : i32
      %dma_wait3A_706 = tpu.memref_slice %arg5[%dma_wait3A_697, %dma_wait3A_698, %dma_wait3A_699, %dma_wait3A_705] : memref<50x4x32x1024xf32, #tpu.memory_space<hbm>> -> memref<1x1x1x1024xf32, #tpu.memory_space<hbm>>
      %dma_wait3A_707 = tpu.memref_squeeze %dma_wait3A_706 : memref<1x1x1x1024xf32, #tpu.memory_space<hbm>> -> memref<1024xf32, #tpu.memory_space<hbm>>
      %dma_wait3A_708 = arith.constant 0 : i32
      %dma_wait3A_709 = tpu.memref_slice %arg5[%dma_wait3A_697, %dma_wait3A_698, %dma_wait3A_699, %dma_wait3A_708] : memref<50x4x32x1024xf32, #tpu.memory_space<hbm>> -> memref<1x1x1x1024xf32, #tpu.memory_space<hbm>>
      %dma_wait3A_710 = tpu.memref_squeeze %dma_wait3A_709 : memref<1x1x1x1024xf32, #tpu.memory_space<hbm>> -> memref<1024xf32, #tpu.memory_space<hbm>>
      %dma_wait3A_711 = arith.constant 0 : i32
      %dma_wait3A_712 = tpu.memref_slice %arg10[%dma_wait3A_696, %dma_wait3A_711] : memref<2x4096xf32, #tpu.memory_space<vmem>> -> memref<1x4096xf32, #tpu.memory_space<vmem>>
      %dma_wait3A_713 = tpu.memref_squeeze %dma_wait3A_712 : memref<1x4096xf32, #tpu.memory_space<vmem>> -> memref<4096xf32, #tpu.memory_space<vmem>>
      %dma_wait3A_714 = arith.constant 0 : i32
      %dma_wait3A_715 = tpu.memref_slice %dma_wait3A_713[%dma_wait3A_714] : memref<4096xf32, #tpu.memory_space<vmem>> -> memref<1024xf32, #tpu.memory_space<vmem>>
      tpu.wait_dma2 semaphore(%arg14 : memref<!tpu.dma_semaphore, #tpu.memory_space<semaphore_mem>>) src(%dma_wait3A_715 : memref<1024xf32, #tpu.memory_space<vmem>>) dst(%dma_wait3A_710 : memref<1024xf32, #tpu.memory_space<hbm>>)
      %dma_wait3A_716 = arith.constant 1 : i32
      %dma_wait3A_717 = arith.constant 0 : i32
      %dma_wait3A_718 = arith.constant 0 : i32
      %dma_wait3A_719 = arith.constant 0 : i32
      %dma_wait3A_720 = arith.constant 0 : i32
      %dma_wait3A_721 = tpu.memref_slice %arg10[%dma_wait3A_716, %dma_wait3A_720] : memref<2x4096xf32, #tpu.memory_space<vmem>> -> memref<1x4096xf32, #tpu.memory_space<vmem>>
      %dma_wait3A_722 = tpu.memref_squeeze %dma_wait3A_721 : memref<1x4096xf32, #tpu.memory_space<vmem>> -> memref<4096xf32, #tpu.memory_space<vmem>>
      %dma_wait3A_723 = arith.constant 0 : i32
      %dma_wait3A_724 = tpu.memref_slice %dma_wait3A_722[%dma_wait3A_723] : memref<4096xf32, #tpu.memory_space<vmem>> -> memref<1024xf32, #tpu.memory_space<vmem>>
      %dma_wait3A_725 = arith.constant 0 : i32
      %dma_wait3A_726 = tpu.memref_slice %arg5[%dma_wait3A_717, %dma_wait3A_718, %dma_wait3A_719, %dma_wait3A_725] : memref<50x4x32x1024xf32, #tpu.memory_space<hbm>> -> memref<1x1x1x1024xf32, #tpu.memory_space<hbm>>
      %dma_wait3A_727 = tpu.memref_squeeze %dma_wait3A_726 : memref<1x1x1x1024xf32, #tpu.memory_space<hbm>> -> memref<1024xf32, #tpu.memory_space<hbm>>
      %dma_wait3A_728 = arith.constant 0 : i32
      %dma_wait3A_729 = tpu.memref_slice %arg5[%dma_wait3A_717, %dma_wait3A_718, %dma_wait3A_719, %dma_wait3A_728] : memref<50x4x32x1024xf32, #tpu.memory_space<hbm>> -> memref<1x1x1x1024xf32, #tpu.memory_space<hbm>>
      %dma_wait3A_730 = tpu.memref_squeeze %dma_wait3A_729 : memref<1x1x1x1024xf32, #tpu.memory_space<hbm>> -> memref<1024xf32, #tpu.memory_space<hbm>>
      %dma_wait3A_731 = arith.constant 0 : i32
      %dma_wait3A_732 = tpu.memref_slice %arg10[%dma_wait3A_716, %dma_wait3A_731] : memref<2x4096xf32, #tpu.memory_space<vmem>> -> memref<1x4096xf32, #tpu.memory_space<vmem>>
      %dma_wait3A_733 = tpu.memref_squeeze %dma_wait3A_732 : memref<1x4096xf32, #tpu.memory_space<vmem>> -> memref<4096xf32, #tpu.memory_space<vmem>>
      %dma_wait3A_734 = arith.constant 0 : i32
      %dma_wait3A_735 = tpu.memref_slice %dma_wait3A_733[%dma_wait3A_734] : memref<4096xf32, #tpu.memory_space<vmem>> -> memref<1024xf32, #tpu.memory_space<vmem>>
      tpu.wait_dma2 semaphore(%arg14 : memref<!tpu.dma_semaphore, #tpu.memory_space<semaphore_mem>>) src(%dma_wait3A_735 : memref<1024xf32, #tpu.memory_space<vmem>>) dst(%dma_wait3A_730 : memref<1024xf32, #tpu.memory_space<hbm>>)
    }
    %scan3A_325 = arith.constant 25 : i32
    return
  }
}

</mosaic_0001>

<sc_bundles>
// kernel: kernel.3.cloned.1.call-start
scs
__scs_entry_jumppad:
0x0: {  	(pc) =	sbr.rel $0x88, $3  }
0x1: {  	(tag) =	ssettag $0x0;
	lr =	simm.s32 $0x1  }
0x2: {  	[smem:$0x3F9E] =	sst lr;
	_ =	strace $0xD0000000  }
0x3: {  	_ = 	snop  }
0x4: {  	_ = 	snop  }
0x5: {  	_ = 	snop  }
0x6: {  	_ = 	snop  }
0x7: {  	_ = 	snop  }
__scs_overlays_trampoline_lowered:
0x8: {  	[smem:$0x3FAD] =	sst s0  }
0x9: {  	[smem:$0x3FAE] =	sst s1  }
0xa: {  	[smem:$0x3FAF] =	sst s2  }
0xb: {  	[smem:$0x3FB0] =	sst s3  }
0xc: {  	[smem:$0x3FB1] =	sst s4  }
0xd: {  	[smem:$0x3FB2] =	sst s5  }
0xe: {  	[smem:$0x3FB3] =	sst s6  }
0xf: {  	[smem:$0x3FB4] =	sst s7  }
0x10: {  	[smem:$0x3FB5] =	sst s8  }
0x11: {  	[smem:$0x3FB6] =	sst s9;
	s0 =	simm.s32 @!p0 $0x0  }
0x12: {  	s1 =	sld [smem:$0x3F9C];
	s0 =	simm.s32 @p0 $0x1  }
0x13: {  	[smem:$0x3FB7] =	sst s0;
	s0 =	simm.s32 @!p1 $0x0  }
0x14: {  	s2 =	sld [smem:$0x3F9B];
	s0 =	simm.s32 @p1 $0x1  }
0x15: {  	[smem:$0x3FB8] =	sst s0;
	s0 =	simm.s32 @!p2 $0x0  }
0x16: {  	s3 =	sld [smem:$0x3FDB];
	s0 =	simm.s32 @p2 $0x1  }
0x17: {  	s4 =	simm.s32 $0x1BF5;
	[smem:$0x3FBA] =	sst s0  }
0x18: {  	s0 =	sld [smem:$0x3F9D];
	_ =	swait.ge [sflag:s4], $0x0  }
0x19: {  	s7 =	sld [smem:$0x3F9E]  }
0x1a: {  	s8 =	sadd.s32 $0xFFFFE003, lr  }
0x1b: {  	s9 =	sadd.s32 $0xFFFFFEF7, lr;
	s5 =	simm.s32 $0xFFFFFFFF;
	p2 =	slt.u32 s8, $0xFFFFF086  }
0x1c: {  	p1 =	slt.u32 s9, $0xF7A;
	s5 =	simm.s32 @!p2 $0x0  }
0x1d: {  	s5 =	simm.s32 @p1 $0x1;
	p0 =	seq.s32 s7, s2  }
0x1e: {  	s7 =	smul.u32 @!p0 $0xF7A, s2;
	p2 =	seq.s32 @!p0 s5, $0x0  }
0x1f: {  	s9 =	smul.u32 $0xF7A, s1;
	s8 =	simm.s32 @!p0 $0x1BF5;
	p2 =	por !p2, p0  }
0x20: {  	[sflag:s8] =	ssyncset.s32 @!p0 $0xFFFFF086;
	s6 =	sadd.s32 @!p0 s3, s7;
	s7 =	simm.s32 @!p0 $0x108  }
0x21: {  	s3 =	sadd.s32 s3, s9;
	s6 =	sadd.s32 @!p0 $0x88, s6;
	s7 =	simm.s32 @p2 $0x1082  }
0x22: {  	[simem:s7], [sflag:s8] =	dma.local @!p0 [hbm:s6], $0xF7A  }
0x23: {  	s9 =	sor.u32 $0xD0000000, s2;
	s6 =	simm.s32 $0x108;
	_ =	swait.ge @!p0 [sflag:s8], $0x0  }
0x24: {  	s3 =	sadd.s32 $0x88, s3;
	s6 =	simm.s32 @!p1 $0x1082;
	[sflag:s4] =	ssyncset.s32 $0xFFFFF086  }
0x25: {  	[simem:s6], [sflag:s4] =	dma.local [hbm:s3], $0xF7A  }
0x26: {  	[smem:$0x3F9E] =	sst s1;
	(tag) =	ssettag s2;
	_ =	strace s9  }
0x27: {  	s1 =	sld [smem:$0x3FAE]  }
0x28: {  	s2 =	sld [smem:$0x3FAF]  }
0x29: {  	s4 =	sld [smem:$0x3FB1]  }
0x2a: {  	p0 =	seq.s32 s5, $0x0;
	s5 =	sld [smem:$0x3FB2]  }
0x2b: {  	s6 =	sld [smem:$0x3FB3]  }
0x2c: {  	s7 =	sld [smem:$0x3FB4]  }
0x2d: {  	s3 =	simm.s32 $0x108;
	s8 =	sld [smem:$0x3FB5]  }
0x2e: {  	s3 =	simm.s32 @!p0 $0x1082;
	s9 =	sld [smem:$0x3FB6]  }
0x2f: {  	lr =	sadd.s32 s0, s3;
	s0 =	sld [smem:$0x3FAD]  }
0x30: {  	s3 =	sld [smem:$0x3FB0]  }
0x31: {  	[smem:$0x3FB9] =	sst s10  }
0x32: {  	s10 =	sld [smem:$0x3FB7];
	_ =	sdelay $0x3  }
0x33: {  	p0 =	seq.s32 s10, $0x1;
	s10 =	sld [smem:$0x3FB9];
	_ =	sdelay $0x3  }
0x34: {  	[smem:$0x3FB9] =	sst s10  }
0x35: {  	s10 =	sld [smem:$0x3FB8];
	_ =	sdelay $0x3  }
0x36: {  	p1 =	seq.s32 s10, $0x1;
	s10 =	sld [smem:$0x3FB9];
	_ =	sdelay $0x3  }
0x37: {  	[smem:$0x3FB9] =	sst s10  }
0x38: {  	s10 =	sld [smem:$0x3FBA]  }
0x39: {  	_ = 	snop;
	(pc) =	sbr.ind lr, $3  }
0x3a: {  	_ = 	snop  }
0x3b: {  	_ = 	snop  }
0x3c: {  	p2 =	seq.s32 s10, $0x1;
	s10 =	sld [smem:$0x3FB9]  }
0x3d: {  	_ =	shalt  }
0x3e: {  	_ =	shalt  }
0x3f: {  	_ =	shalt  }
0x40: {  	_ =	shalt  }
0x41: {  	_ =	shalt  }
0x42: {  	_ =	shalt  }
0x43: {  	_ =	shalt  }
0x44: {  	_ =	shalt  }
0x45: {  	_ =	shalt  }
0x46: {  	_ =	shalt  }
0x47: {  	_ =	shalt  }
0x48: {  	_ =	shalt  }
0x49: {  	_ =	shalt  }
0x4a: {  	_ =	shalt  }
0x4b: {  	_ =	shalt  }
0x4c: {  	_ =	shalt  }
0x4d: {  	_ =	shalt  }
0x4e: {  	_ =	shalt  }
0x4f: {  	_ =	shalt  }
0x50: {  	_ =	shalt  }
0x51: {  	_ =	shalt  }
0x52: {  	_ =	shalt  }
0x53: {  	_ =	shalt  }
0x54: {  	_ =	shalt  }
0x55: {  	_ =	shalt  }
0x56: {  	_ =	shalt  }
0x57: {  	_ =	shalt  }
0x58: {  	_ =	shalt  }
0x59: {  	_ =	shalt  }
0x5a: {  	_ =	shalt  }
0x5b: {  	_ =	shalt  }
0x5c: {  	_ =	shalt  }
0x5d: {  	_ =	shalt  }
0x5e: {  	_ =	shalt  }
0x5f: {  	_ =	shalt  }
0x60: {  	_ =	shalt  }
0x61: {  	_ =	shalt  }
0x62: {  	_ =	shalt  }
0x63: {  	_ =	shalt  }
0x64: {  	_ =	shalt  }
0x65: {  	_ =	shalt  }
0x66: {  	_ =	shalt  }
0x67: {  	_ =	shalt  }
0x68: {  	_ =	shalt  }
0x69: {  	_ =	shalt  }
0x6a: {  	_ =	shalt  }
0x6b: {  	_ =	shalt  }
0x6c: {  	_ =	shalt  }
0x6d: {  	_ =	shalt  }
0x6e: {  	_ =	shalt  }
0x6f: {  	_ =	shalt  }
0x70: {  	_ =	shalt  }
0x71: {  	_ =	shalt  }
0x72: {  	_ =	shalt  }
0x73: {  	_ =	shalt  }
0x74: {  	_ =	shalt  }
0x75: {  	_ =	shalt  }
0x76: {  	_ =	shalt  }
0x77: {  	_ =	shalt  }
0x78: {  	_ =	shalt  }
0x79: {  	_ =	shalt  }
0x7a: {  	_ =	shalt  }
0x7b: {  	_ =	shalt  }
0x7c: {  	_ =	shalt  }
0x7d: {  	_ =	shalt  }
0x7e: {  	_ =	shalt  }
0x7f: {  	_ =	shalt  }
0x80: {  	_ =	shalt  }
0x81: {  	_ =	shalt  }
0x82: {  	_ =	shalt  }
0x83: {  	_ =	shalt  }
0x84: {  	_ =	shalt  }
0x85: {  	_ =	shalt  }
0x86: {  	_ =	shalt  }
0x87: {  	_ =	shalt  }
.Lfunc_end0:
.L_simem_size_0:
called_computation_lowered:
.L_overlay_start_0:
0x88: {  	s2 =	sld [smem:$0x3FD9]  }
0x89: {  	s3 =	sld [smem:$0x3FFE];
	_ =	sdelay $0x1  }
0x8a: {  	s1 =	srdreg.scid  }
0x8b: {  	s0 =	sand.u32 $0x1, s1  }
0x8c: {  	s17 =	sshll.u32 s0, $0xA;
	s2 =	sadd.s32 s3, s2  }
0x8d: {  	s2 =	sadd.s32 s2, s17  }
0x8e: {  	[smem:$0x3FC5] =	sst s2  }
0x8f: {  	_ = 	snop  }
0x90: {  	s2 =	sld [smem:$0x3FD0];
	(tm) =	ssettm $0x1  }
0x91: {  	s18 =	sld [smem:$0x3FFB];
	_ =	sdelay $0x3  }
0x92: {  	_ =	strace s18  }
0x93: {  	s3 =	sld [smem:$0x3FFC];
	_ =	sdelay $0x3  }
0x94: {  	_ =	strace s3  }
0x95: {  	s3 =	sld [smem:$0x3FFD];
	_ =	sdelay $0x3  }
0x96: {  	_ =	strace s3  }
0x97: {  	_ =	strace $0x8FFFFFFF  }
0x98: {  	s19 =	sld [smem:$0x3FDB];
	_ =	sdelay $0x1  }
0x99: {  	s4 =	simm.s32 $_scs_section_size  }
0x9a: {  	s5 =	simm.s32 $_size__tile_overlayer_lowered;
	s6 =	simm.s32 $_tile_overlayer_lowered  }
0x9b: {  	s22 =	simm.s32 $0x1BFF;
	s21 =	sshll.u32 s6, $0x1;
	s3 =	sadd.s32 s4, s19  }
0x9c: {  	s7 =	simm.s32 $0x0;
	s20 =	sshll.u32 s5, $0x1;
	s5 =	sadd.s32 s21, s3  }
0x9d: {  	[timem:s7], [sflag:s22] =	dma.local [hbm:s5], s20  }
0x9e: {  	_ =	swait.ge [sflag:s22], s20  }
0x9f: {  	s4 =	ssub.s32 $0x0, s20;
	[sflag:s22] =	ssyncset.done $0x0  }
0xa0: {  	[sflag:s22] =	ssyncadd.s32 s4;
	_ =	sdelay $0x1  }
0xa1: {  	s23 =	simm.s32 $0x1B8B  }
0xa2: {  	_ =	swait.ge [sflag:s23], $0x1  }
0xa3: {  	[sflag:s23] =	ssyncset.done $0x0  }
0xa4: {  	s25 =	simm.s32 $0x1B8E;
	s24 =	sld [smem:$0x3FFE];
	[sflag:s23] =	ssyncadd.s32 $0xFFFFFFFF  }
0xa5: {  	s26 =	simm.s32 $execute0_lowered;
	[smem:$0x3FD2] =	sst s25  }
0xa6: {  	s5 =	sshll.u32 s26, $0x1;
	_ =	strace $0x80000046;
	[dreg:$0x1] =	wrdreg $0xFFFFFFFF  }
0xa7: {  	s28 =	simm.s32 $_size_execute0_lowered;
	s3 =	sadd.s32 s3, s5;
	[dreg:$0x0] =	wrdreg $0x0  }
0xa8: {  	s5 =	sshll.u32 s28, $0x1;
	[dreg:$0x2] =	wrdreg s3  }
0xa9: {  	[dreg:$0x3] =	wrdreg s5  }
0xaa: {  	[dreg:$0x4] =	wrdreg $0xC0  }
0xab: {  	_ =	task [dreg:s7], $0x5FFFF  }
0xac: {  	[dreg:$0x1] =	wrdreg $0xFFFFFFFF  }
0xad: {  	[dreg:$0x0] =	wrdreg $0x60  }
0xae: {  	[dreg:$0x2] =	wrdreg s24  }
0xaf: {  	[dreg:$0x3] =	wrdreg s2  }
0xb0: {  	[dreg:$0x4] =	wrdreg $0x9  }
0xb1: {  	_ =	task.clear_ibuf [dreg:s7], $0x5FFFF;
	_ =	strace $0x90000046  }
0xb2: {  	s29 =	simm.s32 $0x9;
	_ =	strace $0x80000048  }
0xb3: {  	_ =	swait.ge [sflag:s29], $0x1  }
0xb4: {  	[sflag:s29] =	ssyncadd.s32 $0xFFFFFFFF  }
0xb5: {  	_ =	strace $0x90000048  }
0xb6: {  	_ =	sfence  }
0xb7: {  	s30 =	sld [smem:$0x0];
	_ =	sdelay $0x2  }
0xb8: {  	s31 =	sshll.u32 s1, $0xD;
	s1 =	sshrl.u32 s1, $0x2  }
0xb9: {  	s3 =	sand.u32 $0x4000, s31;
	s1 =	sadd.s32 s1, s30  }
0xba: {  	s0 =	sor.u32 s3, s0;
	s1 =	sshll.u32 s1, $0x11  }
0xbb: {  	s0 =	sor.u32 s1, s0  }
0xbc: {  	s0 =	sadd.s32 $0x8F2B, s0  }
0xbd: {  	[sflag:s0] =	ssyncadd.remote.s32 $0x1  }
0xbe: {  	_ =	sfence.sel $0xFFFF  }
0xbf: {  	[dreg:$0x0] =	wrdreg $0xFFFFFFFF;
	(pc) =	sbr.abs _section_cstart, $3  }
0xc0: {  	[dreg:$0x1] =	wrdreg $0xFFFFFFFF  }
0xc1: {  	_ =	task.clear_ibuf [dreg:s7], $0x2FFFF;
	_ =	strace $0x9FFFFFFF  }
0xc2: {  	(tm) =	ssettm $0x7FFFFFFF  }
0xc3: {  	_ =	shalt  }
tec
execute0_lowered:
.L_overlay_start_1:
0x0: {  	(tag) =	ssettag $0x1  }
0x1: {  	s0 =	rddreg [dreg:$0x0]  }
0x2: {  	s8 =	rddreg [dreg:$0x1]  }
0x3: {  	s3 =	simm.s32 $0x0;
	s1 =	srdreg.scid;
	s5 =	stileid.u32  }
0x4: {  	s22 =	simm.s32 $0x80;
	s30 =	simm.s32 $0x3;
	s31 =	simm.s32 $0x2  }
0x5: {  	s9 =	simm.s32 $0x4;
	s10 =	simm.s32 $0xFF00;
	s11 =	simm.s32 $0x10300  }
0x6: {  	[smem:$0x7FF] =	sst s3;
	s1 =	sand.u32 $0x1, s1;
	s4 =	sadd.s32 $0x800, s0  }
0x7: {  	s6 =	sshll.u32 s5, $0x1;
	s5 =	sadd.s32 $0x26000, s0;
	s14 =	sadd.s32 $0x1000, s8  }
0x8: {  	s15 =	sadd.s32 $0x2000, s8;
	s16 =	sadd.s32 $0x3000, s8;
	s17 =	sadd.s32 $0x4000, s8  }
0x9: {  	s18 =	sadd.s32 $0x5000, s8;
	s19 =	sadd.s32 $0x6000, s8;
	s20 =	sadd.s32 $0x7000, s8  }
0xa: {  	_ =	strace $0x80000047;
	s2 =	ssub.s32 $0x2, s1;
	s1 =	sor.u32 s1, s6  }
0xb: {  	s6 =	sadd.s32 $0x10C9800, s0;
	s7 =	sshrl.u32 s2, $0x1;
	s25 =	sshll.u32 s1, $0x4  }
0xc: {  	s24 =	ssub.s32 s2, s7;
	s7 =	sshll.u32 s1, $0x7;
	s26 =	sadd.s32 s4, s25  }
0xd: {  	s28 =	sor.u32 $0x200, s25;
	s2 =	sadd.s32 s5, s25;
	[dreg:$0x3] =	wrdreg s26  }
0xe: {  	v0 =	vlaneseq.u32;
	s25 =	simm.s32 $0xF700;
	[dreg:$0x4] =	wrdreg s2;
	s29 =	sadd.s32 s4, s28  }
0xf: {  	v0 =	vmul.u32 $0x80, v0;
	s1 =	sadd.s32 s5, s28;
	s12 =	sor.u32 $0x2000, s7;
	[dreg:$0x5] =	wrdreg s29  }
0x10: {  	s13 =	sor.u32 $0x3000, s7;
	s0 =	smax.u32 s24, $0x1;
	[dreg:$0x6] =	wrdreg s1  }
0x11: {  	v1 =	vor.u32 $0x800, v0;
	s2 =	simm.s32 $0x0;
	[dreg:$0x7] =	wrdreg s0;
	s0 =	simm.s32 $0xE700  }
.LBB2_1:
0x12: {  	[dreg:$0x8] =	wrdreg s2  }
0x13: {  	s1 =	rddreg [dreg:$0x3];
	s26 =	simm.s32 $0x32000  }
0x14: {  	[tilespmem:s3], [sflag:$0x1] =	stream.strided.gather [hbm4b:s1+s22], $0x300, s26, s22, $0x38;
	[tilespmem:$0x10700] =	vst v63  }
0x15: {  	s28 =	rddreg [dreg:$0x4];
	s8 =	simm.s32 $0x600  }
0x16: {  	[tilespmem:s8], [sflag:$0x1] =	stream.linear.gather [hbm4b:s28+s3], $0x80, $0x38;
	[tilespmem:$0x10700] =	vst v63  }
0x17: {  	s29 =	rddreg [dreg:$0x5];
	s21 =	simm.s32 $0x300  }
0x18: {  	[tilespmem:s21], [sflag:$0x2] =	stream.strided.gather [hbm4b:s29+s22], $0x300, s26, s22, $0x38;
	[tilespmem:$0x10700] =	vst v63  }
0x19: {  	s2 =	rddreg [dreg:$0x6];
	s23 =	simm.s32 $0x1;
	s21 =	simm.s32 $0x680  }
0x1a: {  	[tilespmem:s21], [sflag:$0x2] =	stream.linear.gather [hbm4b:s2+s3], $0x80, $0x38;
	[tilespmem:$0x10700] =	vst v63  }
0x1b: {  	_ =	swait.ge [sflag:s23], $0x300  }
0x1c: {  	[sflag:s23] =	ssyncset.done $0x0  }
0x1d: {  	[sflag:s23] =	ssyncadd.s32 $0xFFFFFD00  }
0x1e: {  	_ =	swait.ge [sflag:s23], $0x80  }
0x1f: {  	[sflag:s23] =	ssyncset.done $0x0  }
0x20: {  	[sflag:s23] =	ssyncadd.s32 $0xFFFFFF80  }
0x21: {  	v2 =	vld [tilespmem:$0x600]  }
0x22: {  	v3 =	vld [tilespmem:$0x610]  }
0x23: {  	v4 =	vld [tilespmem:$0x620]  }
0x24: {  	v5 =	vld [tilespmem:$0x630]  }
0x25: {  	v6 =	vld [tilespmem:$0x640]  }
0x26: {  	v7 =	vld [tilespmem:$0x650];
	v2 =	vadd.s32 $0xF4240, v2  }
0x27: {  	[tilespmem:$0x600] =	vst v2;
	v2 =	vadd.s32 $0xF4240, v3;
	v3 =	vld [tilespmem:$0x660]  }
0x28: {  	v63 =	vld [tilespmem:$0x670];
	[tilespmem:$0x610] =	vst v2;
	v2 =	vadd.s32 $0xF4240, v4  }
0x29: {  	[tilespmem:$0x620] =	vst v2;
	v2 =	vadd.s32 $0xF4240, v5  }
0x2a: {  	[tilespmem:$0x630] =	vst v2;
	v2 =	vadd.s32 $0xF4240, v6  }
0x2b: {  	[tilespmem:$0x640] =	vst v2;
	v2 =	vadd.s32 $0xF4240, v7  }
0x2c: {  	[tilespmem:$0x650] =	vst v2;
	v2 =	vadd.s32 $0xF4240, v3  }
0x2d: {  	[tilespmem:$0x660] =	vst v2;
	v2 =	vadd.s32 $0xF4240, v63  }
0x2e: {  	s24 =	simm.s32 $0x700;
	[tilespmem:$0x670] =	vst v2  }
0x2f: {  	[tilespmem:s24], [sflag:$0x3] =	stream.indirect.gather [hbm4b:s6+s22], $0x20, s3, s22, $0xb8;
	[tilespmem:$0x10700] =	vst v63  }
0x30: {  	s26 =	simm.s32 $0x1700  }
0x31: {  	[tilespmem:s26], [sflag:$0x3] =	stream.indirect.gather [hbm4b:s6+s22], $0x20, s22, s22, $0xb8;
	[tilespmem:$0x10700] =	vst v63  }
0x32: {  	s28 =	simm.s32 $0x100;
	s29 =	simm.s32 $0x2700  }
0x33: {  	[tilespmem:s29], [sflag:$0x3] =	stream.indirect.gather [hbm4b:s6+s22], $0x20, s28, s22, $0xb8;
	[tilespmem:$0x10700] =	vst v63  }
0x34: {  	s2 =	simm.s32 $0x180;
	s21 =	simm.s32 $0x3700  }
0x35: {  	[tilespmem:s21], [sflag:$0x3] =	stream.indirect.gather [hbm4b:s6+s22], $0x20, s2, s22, $0xb8;
	[tilespmem:$0x10700] =	vst v63  }
0x36: {  	s23 =	simm.s32 $0x200;
	s24 =	simm.s32 $0x4700  }
0x37: {  	[tilespmem:s24], [sflag:$0x3] =	stream.indirect.gather [hbm4b:s6+s22], $0x20, s23, s22, $0xb8;
	[tilespmem:$0x10700] =	vst v63  }
0x38: {  	s26 =	simm.s32 $0x280;
	s28 =	simm.s32 $0x5700  }
0x39: {  	[tilespmem:s28], [sflag:$0x3] =	stream.indirect.gather [hbm4b:s6+s22], $0x20, s26, s22, $0xb8;
	[tilespmem:$0x10700] =	vst v63  }
0x3a: {  	s29 =	simm.s32 $0xC700;
	s23 =	simm.s32 $0x0  }
0x3b: {  	[tilespmem:s29], [sflag:$0x3] =	stream.indirect.gather [hbm4b:s6+s22], $0x20, s8, s22, $0xb8;
	[tilespmem:$0x10700] =	vst v63  }
.LBB2_2:
0x3c: {  	_ =	swait.ge [sflag:s30], $0x6000  }
0x3d: {  	p0 =	seq.s32 s23, $0x18;
	[sflag:s30] =	ssyncset.done $0x0  }
0x3e: {  	s21 =	sshll.u32 @!p0 s23, $0xD;
	[sflag:s30] =	ssyncadd.s32 $0xFFFFA000  }
0x3f: {  	s24 =	simm.s32 @!p0 $0x80;
	s1 =	sadd.s32 @!p0 s12, s21;
	_ =	swait.ge [sflag:s30], $0x1000  }
0x40: {  	s28 =	simm.s32 @!p0 $0x32000;
	s1 =	sshrl.u32 @!p0 s1, $0x3;
	[sflag:s30] =	ssyncset.done $0x0  }
0x41: {  	s29 =	simm.s32 @!p0 $0x0;
	s2 =	sadd.s32 @!p0 s4, s1;
	[sflag:s30] =	ssyncadd.s32 $0xFFFFF000  }
0x42: {  	[tilespmem:s29], [sflag:$0x1] =	stream.strided.gather @!p0 [hbm4b:s2+s24], $0x300, s28, s24, $0x38;
	[tilespmem:$0x10700] =	vst v63  }
0x43: {  	s1 =	sadd.s32 @!p0 s5, s1;
	s2 =	simm.s32 @!p0 $0x600  }
0x44: {  	[tilespmem:s2], [sflag:$0x1] =	stream.linear.gather @!p0 [hbm4b:s1+s29], $0x80, $0x38;
	[tilespmem:$0x10700] =	vst v63  }
0x45: {  	_ =	swait.ge [sflag:s31], $0x300  }
0x46: {  	[sflag:s31] =	ssyncset.done $0x0  }
0x47: {  	[sflag:s31] =	ssyncadd.s32 $0xFFFFFD00  }
0x48: {  	_ =	swait.ge [sflag:s31], $0x80  }
0x49: {  	[sflag:s31] =	ssyncset.done $0x0  }
0x4a: {  	[sflag:s31] =	ssyncadd.s32 $0xFFFFFF80  }
0x4b: {  	v2 =	vld [tilespmem:$0x680]  }
0x4c: {  	v3 =	vld [tilespmem:$0x690]  }
0x4d: {  	v4 =	vld [tilespmem:$0x6A0]  }
0x4e: {  	v5 =	vld [tilespmem:$0x6B0]  }
0x4f: {  	v6 =	vld [tilespmem:$0x6C0]  }
0x50: {  	v7 =	vld [tilespmem:$0x6D0];
	v2 =	vadd.s32 $0xF4240, v2  }
0x51: {  	[tilespmem:$0x680] =	vst v2;
	v2 =	vadd.s32 $0xF4240, v3;
	v3 =	vld [tilespmem:$0x6E0]  }
0x52: {  	[tilespmem:$0x690] =	vst v2;
	v2 =	vadd.s32 $0xF4240, v4;
	v4 =	vld [tilespmem:$0x6F0]  }
0x53: {  	[tilespmem:$0x6A0] =	vst v2;
	v2 =	vadd.s32 $0xF4240, v5  }
0x54: {  	[tilespmem:$0x6B0] =	vst v2;
	v2 =	vadd.s32 $0xF4240, v6  }
0x55: {  	[tilespmem:$0x6C0] =	vst v2;
	v2 =	vadd.s32 $0xF4240, v7  }
0x56: {  	[tilespmem:$0x6D0] =	vst v2;
	v2 =	vadd.s32 $0xF4240, v3  }
0x57: {  	[tilespmem:$0x6E0] =	vst v2;
	v2 =	vadd.s32 $0xF4240, v4  }
0x58: {  	s26 =	simm.s32 $0x6700;
	s24 =	simm.s32 $0x300;
	[tilespmem:$0x6F0] =	vst v2  }
0x59: {  	[tilespmem:s26], [sflag:$0x4] =	stream.indirect.gather [hbm4b:s6+s22], $0x20, s24, s22, $0xb8;
	[tilespmem:$0x10700] =	vst v63  }
0x5a: {  	s8 =	simm.s32 $0x7700;
	s2 =	simm.s32 $0x380  }
0x5b: {  	[tilespmem:s8], [sflag:$0x4] =	stream.indirect.gather [hbm4b:s6+s22], $0x20, s2, s22, $0xb8;
	[tilespmem:$0x10700] =	vst v63  }
0x5c: {  	s24 =	simm.s32 $0x400;
	s26 =	simm.s32 $0x8700  }
0x5d: {  	[tilespmem:s26], [sflag:$0x4] =	stream.indirect.gather [hbm4b:s6+s22], $0x20, s24, s22, $0xb8;
	[tilespmem:$0x10700] =	vst v63  }
0x5e: {  	s2 =	simm.s32 $0x480;
	s8 =	simm.s32 $0x9700  }
0x5f: {  	[tilespmem:s8], [sflag:$0x4] =	stream.indirect.gather [hbm4b:s6+s22], $0x20, s2, s22, $0xb8;
	[tilespmem:$0x10700] =	vst v63  }
0x60: {  	s24 =	simm.s32 $0x500;
	s26 =	simm.s32 $0xA700  }
0x61: {  	[tilespmem:s26], [sflag:$0x4] =	stream.indirect.gather [hbm4b:s6+s22], $0x20, s24, s22, $0xb8;
	[tilespmem:$0x10700] =	vst v63  }
0x62: {  	s2 =	simm.s32 $0x580;
	s8 =	simm.s32 $0xB700  }
0x63: {  	[tilespmem:s8], [sflag:$0x4] =	stream.indirect.gather [hbm4b:s6+s22], $0x20, s2, s22, $0xb8;
	[tilespmem:$0x10700] =	vst v63  }
0x64: {  	s24 =	simm.s32 $0x680;
	s26 =	simm.s32 $0xD700  }
0x65: {  	[tilespmem:s26], [sflag:$0x4] =	stream.indirect.gather [hbm4b:s6+s22], $0x20, s24, s22, $0xb8;
	[tilespmem:$0x10700] =	vst v63  }
0x66: {  	s24 =	simm.s32 $0x0  }
0x67: {  	v2 =	vld [tilespmem:s24+$0xC710]  }
0x68: {  	v3 =	vld [tilespmem:s24+$0xC700]  }
0x69: {  	v4 =	vld [tilespmem:s24+$0x700]  }
0x6a: {  	v5 =	vld [tilespmem:s24+$0x710]  }
0x6b: {  	v6 =	vld [tilespmem:s24+$0x1700]  }
0x6c: {  	v7 =	vld [tilespmem:s24+$0x1710]  }
0x6d: {  	v8 =	vld [tilespmem:s24+$0x2700]  }
0x6e: {  	v3 =	vadd.f32 v4, v3;
	v4 =	vld [tilespmem:s24+$0x2710]  }
0x6f: {  	v2 =	vadd.f32 v5, v2;
	v5 =	vld [tilespmem:s24+$0x3700]  }
0x70: {  	v3 =	vadd.f32 v6, v3;
	v6 =	vld [tilespmem:s24+$0x3710]  }
0x71: {  	v2 =	vadd.f32 v7, v2;
	v7 =	vld [tilespmem:s24+$0x4700]  }
0x72: {  	v3 =	vadd.f32 v8, v3;
	v8 =	vld [tilespmem:s24+$0x4710]  }
0x73: {  	v2 =	vadd.f32 v4, v2;
	v4 =	vld [tilespmem:s24+$0x5700]  }
0x74: {  	v3 =	vadd.f32 v5, v3;
	v5 =	vld [tilespmem:s24+$0x5710]  }
0x75: {  	v2 =	vadd.f32 v6, v2  }
0x76: {  	s28 =	simm.s32 $0x0;
	v3 =	vadd.f32 v7, v3  }
0x77: {  	v6 =	vor.u32 s28, v0;
	v2 =	vadd.f32 v8, v2  }
0x78: {  	v3 =	vadd.f32 v4, v3;
	v4 =	vor.u32 s28, v1  }
0x79: {  	v2 =	vadd.f32 v5, v2  }
0x7a: {  	v3 =	vmul.f32 $1.428571490e-01, v3  }
0x7b: {  	v2 =	vmul.f32 $1.428571490e-01, v2  }
0x7c: {  	[tilespmem:v6+s0+$0x0] =	vst.idx.msk $0xffff, v3  }
0x7d: {  	[tilespmem:v4+s0+$0x0] =	vst.idx.msk $0xffff, v2  }
0x7e: {  	v3 =	vld [tilespmem:s24+$0x720]  }
0x7f: {  	v4 =	vld [tilespmem:s24+$0xC730]  }
0x80: {  	v6 =	vld [tilespmem:s24+$0xC720]  }
0x81: {  	v7 =	vld [tilespmem:s24+$0x730]  }
0x82: {  	v8 =	vld [tilespmem:s24+$0x1720]  }
0x83: {  	v9 =	vld [tilespmem:s24+$0x1730]  }
0x84: {  	v5 =	vld [tilespmem:s24+$0x2720]  }
0x85: {  	v2 =	vld [tilespmem:s24+$0x2730]  }
0x86: {  	v6 =	vadd.f32 v3, v6;
	v7 =	vadd.f32 v7, v4;
	v4 =	vld [tilespmem:s24+$0x3720]  }
0x87: {  	v3 =	vld [tilespmem:s24+$0x3730]  }
0x88: {  	s1 =	sshll.u32 s23, $0xF;
	s29 =	simm.s32 $0x100;
	s2 =	simm.s32 $0x1;
	v8 =	vadd.f32 v8, v6;
	v7 =	vadd.f32 v9, v7;
	v6 =	vld [tilespmem:s24+$0x4720]  }
.LBB2_3:
0x89: {  	p1 =	sne.s32 s29, $0x3F00  }
0x8a: {  	v5 =	vadd.f32 v5, v8;
	v8 =	vld [tilespmem:s24+$0x4730];
	s28 =	sadd.s32 $0x2, s28;
	s8 =	smov.u32 s29;
	s29 =	sadd.s32 $0x100, s29  }
0x8b: {  	s26 =	sadd.s32 $0x1, s28;
	v2 =	vadd.f32 v2, v7;
	v7 =	vld [tilespmem:s24+$0x5720]  }
0x8c: {  	v4 =	vadd.f32 v4, v5;
	v5 =	vld [tilespmem:s24+$0x5730]  }
0x8d: {  	v2 =	vadd.f32 v3, v2  }
0x8e: {  	s24 =	sshra.s32 s8, $0x2;
	v3 =	vadd.f32 v6, v4  }
0x8f: {  	v4 =	vor.u32 s2, v0;
	v2 =	vadd.f32 v8, v2  }
0x90: {  	v6 =	vor.u32 s2, v1;
	s2 =	smov.u32 s26;
	v3 =	vadd.f32 v7, v3  }
0x91: {  	v2 =	vadd.f32 v5, v2  }
0x92: {  	v3 =	vmul.f32 $1.428571490e-01, v3  }
0x93: {  	v2 =	vmul.f32 $1.428571490e-01, v2  }
0x94: {  	[tilespmem:v4+s0+$0x0] =	vst.idx.msk $0xffff, v3  }
0x95: {  	[tilespmem:v6+s0+$0x0] =	vst.idx.msk $0xffff, v2  }
0x96: {  	v2 =	vld [tilespmem:s24+$0xC710]  }
0x97: {  	v3 =	vld [tilespmem:s24+$0xC700]  }
0x98: {  	v4 =	vld [tilespmem:s24+$0x700]  }
0x99: {  	v5 =	vld [tilespmem:s24+$0x710]  }
0x9a: {  	v6 =	vld [tilespmem:s24+$0x1700]  }
0x9b: {  	v7 =	vld [tilespmem:s24+$0x1710]  }
0x9c: {  	v8 =	vld [tilespmem:s24+$0x2700]  }
0x9d: {  	v3 =	vadd.f32 v4, v3;
	v4 =	vld [tilespmem:s24+$0x2710]  }
0x9e: {  	v2 =	vadd.f32 v5, v2;
	v5 =	vld [tilespmem:s24+$0x3700]  }
0x9f: {  	v3 =	vadd.f32 v6, v3;
	v6 =	vld [tilespmem:s24+$0x3710]  }
0xa0: {  	v2 =	vadd.f32 v7, v2;
	v7 =	vld [tilespmem:s24+$0x4700]  }
0xa1: {  	v3 =	vadd.f32 v8, v3;
	v8 =	vld [tilespmem:s24+$0x4710]  }
0xa2: {  	v2 =	vadd.f32 v4, v2;
	v4 =	vld [tilespmem:s24+$0x5700]  }
0xa3: {  	v3 =	vadd.f32 v5, v3;
	v5 =	vld [tilespmem:s24+$0x5710]  }
0xa4: {  	v2 =	vadd.f32 v6, v2  }
0xa5: {  	v3 =	vadd.f32 v7, v3  }
0xa6: {  	v6 =	vor.u32 s28, v0;
	v2 =	vadd.f32 v8, v2  }
0xa7: {  	v3 =	vadd.f32 v4, v3;
	v4 =	vor.u32 s28, v1  }
0xa8: {  	v2 =	vadd.f32 v5, v2  }
0xa9: {  	v3 =	vmul.f32 $1.428571490e-01, v3  }
0xaa: {  	v2 =	vmul.f32 $1.428571490e-01, v2  }
0xab: {  	[tilespmem:v6+s0+$0x0] =	vst.idx.msk $0xffff, v3  }
0xac: {  	[tilespmem:v4+s0+$0x0] =	vst.idx.msk $0xffff, v2  }
0xad: {  	v2 =	vld [tilespmem:s24+$0x720]  }
0xae: {  	v3 =	vld [tilespmem:s24+$0xC730]  }
0xaf: {  	v4 =	vld [tilespmem:s24+$0xC720]  }
0xb0: {  	v6 =	vld [tilespmem:s24+$0x730]  }
0xb1: {  	v7 =	vld [tilespmem:s24+$0x1720]  }
0xb2: {  	v9 =	vld [tilespmem:s24+$0x1730]  }
.Ltmp0:
0xb3: {  	v5 =	vld [tilespmem:s24+$0x2720];
	(pc) =	sbr.rel @p1 .LBB2_3-.Ltmp0, $4  }
0xb4: {  	v8 =	vadd.f32 v2, v4;
	v2 =	vld [tilespmem:s24+$0x2730]  }
0xb5: {  	v6 =	vadd.f32 v6, v3;
	v4 =	vld [tilespmem:s24+$0x3720]  }
0xb6: {  	v8 =	vadd.f32 v7, v8;
	v3 =	vld [tilespmem:s24+$0x3730]  }
0xb7: {  	v7 =	vadd.f32 v9, v6;
	v6 =	vld [tilespmem:s24+$0x4720]  }
0xb8: {  	v5 =	vadd.f32 v5, v8;
	v8 =	vld [tilespmem:s24+$0x4730]  }
0xb9: {  	v2 =	vadd.f32 v2, v7;
	v7 =	vld [tilespmem:s24+$0x5720]  }
0xba: {  	v4 =	vadd.f32 v4, v5;
	v5 =	vld [tilespmem:s24+$0x5730]  }
0xbb: {  	v2 =	vadd.f32 v3, v2  }
0xbc: {  	v3 =	vadd.f32 v6, v4  }
0xbd: {  	v4 =	vor.u32 s2, v0;
	v2 =	vadd.f32 v8, v2  }
0xbe: {  	v6 =	vor.u32 s2, v1;
	v3 =	vadd.f32 v7, v3  }
0xbf: {  	v2 =	vadd.f32 v5, v2  }
0xc0: {  	v3 =	vmul.f32 $1.428571490e-01, v3  }
0xc1: {  	v2 =	vmul.f32 $1.428571490e-01, v2  }
0xc2: {  	s8 =	rddreg [dreg:$0x1];
	s24 =	sor.u32 s7, s1;
	[tilespmem:v4+s0+$0x0] =	vst.idx.msk $0xffff, v3  }
0xc3: {  	s1 =	sadd.s32 s8, s24;
	[tilespmem:v6+s0+$0x0] =	vst.idx.msk $0xffff, v2  }
0xc4: {  	[hbm4b:s1+s3] =	stream.linear.scatter [tilespmem:s0], [sflag:$0x3], $0x400, $0x38;
	[tilespmem:$0x10700] =	vst v63  }
0xc5: {  	s29 =	simm.s32 $0xEB00;
	s26 =	sadd.s32 s24, s14  }
0xc6: {  	[hbm4b:s26+s3] =	stream.linear.scatter [tilespmem:s29], [sflag:$0x3], $0x400, $0x38;
	[tilespmem:$0x10700] =	vst v63  }
0xc7: {  	s8 =	simm.s32 $0xEF00;
	s2 =	sadd.s32 s24, s15  }
0xc8: {  	[hbm4b:s2+s3] =	stream.linear.scatter [tilespmem:s8], [sflag:$0x3], $0x400, $0x38;
	[tilespmem:$0x10700] =	vst v63  }
0xc9: {  	s26 =	sadd.s32 s24, s16;
	s29 =	simm.s32 $0xF300  }
0xca: {  	[hbm4b:s26+s3] =	stream.linear.scatter [tilespmem:s29], [sflag:$0x3], $0x400, $0x38;
	[tilespmem:$0x10700] =	vst v63  }
0xcb: {  	_ =	swait.ge [sflag:s30], $0x400  }
0xcc: {  	[sflag:s30] =	ssyncset.done $0x0  }
0xcd: {  	[sflag:s30] =	ssyncadd.s32 $0xFFFFFC00  }
0xce: {  	_ =	swait.ge [sflag:s30], $0x400  }
0xcf: {  	[sflag:s30] =	ssyncset.done $0x0  }
0xd0: {  	[sflag:s30] =	ssyncadd.s32 $0xFFFFFC00  }
0xd1: {  	_ =	swait.ge [sflag:s30], $0x400  }
0xd2: {  	[sflag:s30] =	ssyncset.done $0x0  }
0xd3: {  	[sflag:s30] =	ssyncadd.s32 $0xFFFFFC00  }
0xd4: {  	_ =	swait.ge [sflag:s30], $0x400  }
0xd5: {  	[sflag:s30] =	ssyncset.done $0x0  }
0xd6: {  	[sflag:s30] =	ssyncadd.s32 $0xFFFFFC00  }
0xd7: {  	_ =	swait.ge [sflag:s9], $0x6000  }
0xd8: {  	[sflag:s9] =	ssyncset.done $0x0  }
0xd9: {  	s1 =	sadd.s32 @!p0 s13, s21;
	[sflag:s9] =	ssyncadd.s32 $0xFFFFA000  }
0xda: {  	s1 =	sshrl.u32 @!p0 s1, $0x3;
	_ =	swait.ge [sflag:s9], $0x1000  }
0xdb: {  	s21 =	simm.s32 @!p0 $0x32000;
	s2 =	sadd.s32 @!p0 s4, s1;
	[sflag:s9] =	ssyncset.done $0x0  }
0xdc: {  	s8 =	simm.s32 @!p0 $0x80;
	s26 =	simm.s32 @!p0 $0x300;
	[sflag:s9] =	ssyncadd.s32 $0xFFFFF000  }
0xdd: {  	[tilespmem:s26], [sflag:$0x2] =	stream.strided.gather @!p0 [hbm4b:s2+s8], $0x300, s21, s8, $0x38;
	[tilespmem:$0x10700] =	vst v63  }
0xde: {  	s1 =	sadd.s32 @!p0 s5, s1;
	s2 =	simm.s32 @!p0 $0x0;
	s21 =	simm.s32 @!p0 $0x680  }
0xdf: {  	[tilespmem:s21], [sflag:$0x2] =	stream.linear.gather @!p0 [hbm4b:s1+s2], $0x80, $0x38;
	[tilespmem:$0x10700] =	vst v63  }
0xe0: {  	s1 =	simm.s32 @!p0 $0x1  }
0xe1: {  	_ =	swait.ge @!p0 [sflag:s1], $0x300  }
0xe2: {  	[sflag:s1] =	ssyncset.done @!p0 $0x0  }
0xe3: {  	[sflag:s1] =	ssyncadd.s32 @!p0 $0xFFFFFD00  }
0xe4: {  	_ =	swait.ge @!p0 [sflag:s1], $0x80  }
0xe5: {  	[sflag:s1] =	ssyncset.done @!p0 $0x0  }
0xe6: {  	[sflag:s1] =	ssyncadd.s32 @!p0 $0xFFFFFF80  }
0xe7: {  	v2 =	vld @!p0 [tilespmem:$0x600]  }
0xe8: {  	v3 =	vld @!p0 [tilespmem:$0x610]  }
0xe9: {  	v4 =	vld @!p0 [tilespmem:$0x620]  }
0xea: {  	v5 =	vld @!p0 [tilespmem:$0x630]  }
0xeb: {  	v6 =	vld @!p0 [tilespmem:$0x640]  }
0xec: {  	v7 =	vld @!p0 [tilespmem:$0x650];
	v2 =	vadd.s32 @!p0 $0xF4240, v2  }
0xed: {  	[tilespmem:$0x600] =	vst @!p0 v2;
	v2 =	vadd.s32 @!p0 $0xF4240, v3;
	v3 =	vld @!p0 [tilespmem:$0x660]  }
0xee: {  	[tilespmem:$0x610] =	vst @!p0 v2;
	v2 =	vadd.s32 @!p0 $0xF4240, v4;
	v4 =	vld @!p0 [tilespmem:$0x670]  }
0xef: {  	[tilespmem:$0x620] =	vst @!p0 v2;
	v2 =	vadd.s32 @!p0 $0xF4240, v5  }
0xf0: {  	[tilespmem:$0x630] =	vst @!p0 v2;
	v2 =	vadd.s32 @!p0 $0xF4240, v6  }
0xf1: {  	[tilespmem:$0x640] =	vst @!p0 v2;
	v2 =	vadd.s32 @!p0 $0xF4240, v7  }
0xf2: {  	[tilespmem:$0x650] =	vst @!p0 v2;
	v2 =	vadd.s32 @!p0 $0xF4240, v3  }
0xf3: {  	[tilespmem:$0x660] =	vst @!p0 v2;
	v2 =	vadd.s32 @!p0 $0xF4240, v4  }
0xf4: {  	s1 =	simm.s32 @!p0 $0x700;
	[tilespmem:$0x670] =	vst @!p0 v2  }
0xf5: {  	[tilespmem:s1], [sflag:$0x3] =	stream.indirect.gather @!p0 [hbm4b:s6+s8], $0x20, s2, s8, $0xb8;
	[tilespmem:$0x10700] =	vst v63  }
0xf6: {  	s1 =	simm.s32 @!p0 $0x1700  }
0xf7: {  	[tilespmem:s1], [sflag:$0x3] =	stream.indirect.gather @!p0 [hbm4b:s6+s8], $0x20, s8, s8, $0xb8;
	[tilespmem:$0x10700] =	vst v63  }
0xf8: {  	s2 =	simm.s32 @!p0 $0x2700;
	s1 =	simm.s32 @!p0 $0x100  }
0xf9: {  	[tilespmem:s2], [sflag:$0x3] =	stream.indirect.gather @!p0 [hbm4b:s6+s8], $0x20, s1, s8, $0xb8;
	[tilespmem:$0x10700] =	vst v63  }
0xfa: {  	s1 =	simm.s32 @!p0 $0x180;
	s2 =	simm.s32 @!p0 $0x3700  }
0xfb: {  	[tilespmem:s2], [sflag:$0x3] =	stream.indirect.gather @!p0 [hbm4b:s6+s8], $0x20, s1, s8, $0xb8;
	[tilespmem:$0x10700] =	vst v63  }
0xfc: {  	s1 =	simm.s32 @!p0 $0x200;
	s2 =	simm.s32 @!p0 $0x4700  }
0xfd: {  	[tilespmem:s2], [sflag:$0x3] =	stream.indirect.gather @!p0 [hbm4b:s6+s8], $0x20, s1, s8, $0xb8;
	[tilespmem:$0x10700] =	vst v63  }
0xfe: {  	s1 =	simm.s32 @!p0 $0x280;
	s2 =	simm.s32 @!p0 $0x5700  }
0xff: {  	[tilespmem:s2], [sflag:$0x3] =	stream.indirect.gather @!p0 [hbm4b:s6+s8], $0x20, s1, s8, $0xb8;
	[tilespmem:$0x10700] =	vst v63  }
0x100: {  	s21 =	simm.s32 $0x0;
	s1 =	simm.s32 @!p0 $0x600;
	s2 =	simm.s32 @!p0 $0xC700  }
0x101: {  	[tilespmem:s2], [sflag:$0x3] =	stream.indirect.gather @!p0 [hbm4b:s6+s8], $0x20, s1, s8, $0xb8;
	[tilespmem:$0x10700] =	vst v63  }
0x102: {  	v2 =	vld [tilespmem:s21+$0xD710]  }
0x103: {  	v3 =	vld [tilespmem:s21+$0xD700]  }
0x104: {  	v4 =	vld [tilespmem:s21+$0x6700]  }
0x105: {  	v5 =	vld [tilespmem:s21+$0x6710]  }
0x106: {  	v6 =	vld [tilespmem:s21+$0x7700]  }
0x107: {  	v7 =	vld [tilespmem:s21+$0x7710]  }
0x108: {  	v8 =	vld [tilespmem:s21+$0x8700]  }
0x109: {  	v3 =	vadd.f32 v4, v3;
	v4 =	vld [tilespmem:s21+$0x8710]  }
0x10a: {  	v2 =	vadd.f32 v5, v2;
	v5 =	vld [tilespmem:s21+$0x9700]  }
0x10b: {  	v3 =	vadd.f32 v6, v3;
	v6 =	vld [tilespmem:s21+$0x9710]  }
0x10c: {  	v2 =	vadd.f32 v7, v2;
	v7 =	vld [tilespmem:s21+$0xA700]  }
0x10d: {  	v3 =	vadd.f32 v8, v3;
	v8 =	vld [tilespmem:s21+$0xA710]  }
0x10e: {  	v2 =	vadd.f32 v4, v2;
	v4 =	vld [tilespmem:s21+$0xB700]  }
0x10f: {  	v3 =	vadd.f32 v5, v3;
	v5 =	vld [tilespmem:s21+$0xB710]  }
0x110: {  	v2 =	vadd.f32 v6, v2  }
0x111: {  	s28 =	simm.s32 $0x0;
	v3 =	vadd.f32 v7, v3  }
0x112: {  	v6 =	vor.u32 s28, v0;
	v2 =	vadd.f32 v8, v2  }
0x113: {  	v3 =	vadd.f32 v4, v3;
	v4 =	vor.u32 s28, v1  }
0x114: {  	v2 =	vadd.f32 v5, v2  }
0x115: {  	v3 =	vmul.f32 $1.428571490e-01, v3  }
0x116: {  	v2 =	vmul.f32 $1.428571490e-01, v2  }
0x117: {  	[tilespmem:v6+s25+$0x0] =	vst.idx.msk $0xffff, v3  }
0x118: {  	[tilespmem:v4+s25+$0x0] =	vst.idx.msk $0xffff, v2  }
0x119: {  	v3 =	vld [tilespmem:s21+$0x6720]  }
0x11a: {  	v4 =	vld [tilespmem:s21+$0xD730]  }
0x11b: {  	v5 =	vld [tilespmem:s21+$0xD720]  }
0x11c: {  	v7 =	vld [tilespmem:s21+$0x6730]  }
0x11d: {  	v8 =	vld [tilespmem:s21+$0x7720]  }
0x11e: {  	v9 =	vld [tilespmem:s21+$0x7730]  }
0x11f: {  	v6 =	vld [tilespmem:s21+$0x8720]  }
0x120: {  	v2 =	vld [tilespmem:s21+$0x8730]  }
0x121: {  	v5 =	vadd.f32 v3, v5;
	v7 =	vadd.f32 v7, v4;
	v4 =	vld [tilespmem:s21+$0x9720]  }
0x122: {  	v3 =	vld [tilespmem:s21+$0x9730]  }
0x123: {  	s2 =	simm.s32 $0x100;
	s1 =	simm.s32 $0x1;
	v8 =	vadd.f32 v8, v5;
	v7 =	vadd.f32 v9, v7;
	v5 =	vld [tilespmem:s21+$0xA720]  }
.LBB2_5:
0x124: {  	p0 =	sne.s32 s2, $0x3F00  }
0x125: {  	v6 =	vadd.f32 v6, v8;
	v8 =	vld [tilespmem:s21+$0xA730];
	s28 =	sadd.s32 $0x2, s28;
	s8 =	smov.u32 s2;
	s2 =	sadd.s32 $0x100, s2  }
0x126: {  	s26 =	sadd.s32 $0x1, s28;
	v2 =	vadd.f32 v2, v7;
	v7 =	vld [tilespmem:s21+$0xB720]  }
0x127: {  	v4 =	vadd.f32 v4, v6;
	v6 =	vld [tilespmem:s21+$0xB730]  }
0x128: {  	v2 =	vadd.f32 v3, v2  }
0x129: {  	s21 =	sshra.s32 s8, $0x2;
	v3 =	vadd.f32 v5, v4  }
0x12a: {  	v4 =	vor.u32 s1, v0;
	v2 =	vadd.f32 v8, v2  }
0x12b: {  	v5 =	vor.u32 s1, v1;
	s1 =	smov.u32 s26;
	v3 =	vadd.f32 v7, v3  }
0x12c: {  	v2 =	vadd.f32 v6, v2  }
0x12d: {  	v3 =	vmul.f32 $1.428571490e-01, v3  }
0x12e: {  	v2 =	vmul.f32 $1.428571490e-01, v2  }
0x12f: {  	[tilespmem:v4+s25+$0x0] =	vst.idx.msk $0xffff, v3  }
0x130: {  	[tilespmem:v5+s25+$0x0] =	vst.idx.msk $0xffff, v2  }
0x131: {  	v2 =	vld [tilespmem:s21+$0xD710]  }
0x132: {  	v3 =	vld [tilespmem:s21+$0xD700]  }
0x133: {  	v4 =	vld [tilespmem:s21+$0x6700]  }
0x134: {  	v5 =	vld [tilespmem:s21+$0x6710]  }
0x135: {  	v6 =	vld [tilespmem:s21+$0x7700]  }
0x136: {  	v7 =	vld [tilespmem:s21+$0x7710]  }
0x137: {  	v8 =	vld [tilespmem:s21+$0x8700]  }
0x138: {  	v3 =	vadd.f32 v4, v3;
	v4 =	vld [tilespmem:s21+$0x8710]  }
0x139: {  	v2 =	vadd.f32 v5, v2;
	v5 =	vld [tilespmem:s21+$0x9700]  }
0x13a: {  	v3 =	vadd.f32 v6, v3;
	v6 =	vld [tilespmem:s21+$0x9710]  }
0x13b: {  	v2 =	vadd.f32 v7, v2;
	v7 =	vld [tilespmem:s21+$0xA700]  }
0x13c: {  	v3 =	vadd.f32 v8, v3;
	v8 =	vld [tilespmem:s21+$0xA710]  }
0x13d: {  	v2 =	vadd.f32 v4, v2;
	v4 =	vld [tilespmem:s21+$0xB700]  }
0x13e: {  	v3 =	vadd.f32 v5, v3;
	v5 =	vld [tilespmem:s21+$0xB710]  }
0x13f: {  	v2 =	vadd.f32 v6, v2  }
0x140: {  	v3 =	vadd.f32 v7, v3  }
0x141: {  	v6 =	vor.u32 s28, v0;
	v2 =	vadd.f32 v8, v2  }
0x142: {  	v3 =	vadd.f32 v4, v3;
	v4 =	vor.u32 s28, v1  }
0x143: {  	v2 =	vadd.f32 v5, v2  }
0x144: {  	v3 =	vmul.f32 $1.428571490e-01, v3  }
0x145: {  	v2 =	vmul.f32 $1.428571490e-01, v2  }
0x146: {  	[tilespmem:v6+s25+$0x0] =	vst.idx.msk $0xffff, v3  }
0x147: {  	[tilespmem:v4+s25+$0x0] =	vst.idx.msk $0xffff, v2  }
0x148: {  	v2 =	vld [tilespmem:s21+$0x6720]  }
0x149: {  	v3 =	vld [tilespmem:s21+$0xD730]  }
0x14a: {  	v4 =	vld [tilespmem:s21+$0xD720]  }
0x14b: {  	v5 =	vld [tilespmem:s21+$0x6730]  }
0x14c: {  	v7 =	vld [tilespmem:s21+$0x7720]  }
0x14d: {  	v9 =	vld [tilespmem:s21+$0x7730]  }
.Ltmp1:
0x14e: {  	v6 =	vld [tilespmem:s21+$0x8720];
	(pc) =	sbr.rel @p0 .LBB2_5-.Ltmp1, $4  }
0x14f: {  	v8 =	vadd.f32 v2, v4;
	v2 =	vld [tilespmem:s21+$0x8730]  }
0x150: {  	v5 =	vadd.f32 v5, v3;
	v4 =	vld [tilespmem:s21+$0x9720]  }
0x151: {  	v8 =	vadd.f32 v7, v8;
	v3 =	vld [tilespmem:s21+$0x9730]  }
0x152: {  	v7 =	vadd.f32 v9, v5;
	v5 =	vld [tilespmem:s21+$0xA720]  }
0x153: {  	v6 =	vadd.f32 v6, v8;
	v59 =	vld [tilespmem:s21+$0xA730]  }
0x154: {  	v60 =	vld [tilespmem:s21+$0xB720];
	v2 =	vadd.f32 v2, v7  }
0x155: {  	v61 =	vld [tilespmem:s21+$0xB730];
	v4 =	vadd.f32 v4, v6  }
0x156: {  	v2 =	vadd.f32 v3, v2  }
0x157: {  	v3 =	vadd.f32 v5, v4  }
0x158: {  	v62 =	vor.u32 s1, v0;
	v2 =	vadd.f32 v59, v2  }
0x159: {  	v63 =	vor.u32 s1, v1;
	v3 =	vadd.f32 v60, v3  }
0x15a: {  	v2 =	vadd.f32 v61, v2  }
0x15b: {  	v3 =	vmul.f32 $1.428571490e-01, v3  }
0x15c: {  	v2 =	vmul.f32 $1.428571490e-01, v2  }
0x15d: {  	[tilespmem:v62+s25+$0x0] =	vst.idx.msk $0xffff, v3  }
0x15e: {  	s21 =	sadd.s32 s24, s17;
	[tilespmem:v63+s25+$0x0] =	vst.idx.msk $0xffff, v2  }
0x15f: {  	[hbm4b:s21+s3] =	stream.linear.scatter [tilespmem:s25], [sflag:$0x4], $0x400, $0x38;
	[tilespmem:$0x10700] =	vst v63  }
0x160: {  	s26 =	sadd.s32 s24, s18;
	s2 =	simm.s32 $0xFB00  }
0x161: {  	[hbm4b:s26+s3] =	stream.linear.scatter [tilespmem:s2], [sflag:$0x4], $0x400, $0x38;
	[tilespmem:$0x10700] =	vst v63  }
0x162: {  	s28 =	sadd.s32 s24, s19  }
0x163: {  	[hbm4b:s28+s3] =	stream.linear.scatter [tilespmem:s10], [sflag:$0x4], $0x400, $0x38;
	[tilespmem:$0x10700] =	vst v63  }
0x164: {  	s29 =	sadd.s32 s24, s20  }
0x165: {  	[hbm4b:s29+s3] =	stream.linear.scatter [tilespmem:s11], [sflag:$0x4], $0x400, $0x38;
	[tilespmem:$0x10700] =	vst v63  }
0x166: {  	_ =	swait.ge [sflag:s9], $0x400  }
0x167: {  	[sflag:s9] =	ssyncset.done $0x0  }
0x168: {  	[sflag:s9] =	ssyncadd.s32 $0xFFFFFC00  }
0x169: {  	_ =	swait.ge [sflag:s9], $0x400  }
0x16a: {  	[sflag:s9] =	ssyncset.done $0x0  }
0x16b: {  	s23 =	sadd.s32 $0x1, s23;
	[sflag:s9] =	ssyncadd.s32 $0xFFFFFC00  }
0x16c: {  	p0 =	sne.s32 s23, $0x19;
	_ =	swait.ge [sflag:s9], $0x400  }
.Ltmp2:
0x16d: {  	[sflag:s9] =	ssyncset.done $0x0;
	(pc) =	sbr.rel @p0 .LBB2_2-.Ltmp2, $4  }
0x16e: {  	[sflag:s9] =	ssyncadd.s32 $0xFFFFFC00  }
0x16f: {  	_ =	swait.ge [sflag:s9], $0x400  }
0x170: {  	[sflag:s9] =	ssyncset.done $0x0  }
0x171: {  	[sflag:s9] =	ssyncadd.s32 $0xFFFFFC00  }
0x172: {  	s2 =	rddreg [dreg:$0x8]  }
0x173: {  	s1 =	rddreg [dreg:$0x7];
	s2 =	sadd.s32 $0x1, s2  }
0x174: {  	p0 =	sne.s32 s2, s1  }
.Ltmp3:
0x175: {  	_ = 	snop;
	(pc) =	sbr.rel @p0 .LBB2_1-.Ltmp3, $1  }
0x176: {  	_ =	sdelay $0x3  }
0x177: {  	_ =	sfence.sel $0x180000  }
0x178: {  	[bflag:$0x0] =	sbarrier.arrive $0xFFFF  }
0x179: {  	_ =	strace $0x90000047  }
0x17a: {  	s0 =	stileid.u32;
	[bflag:$0x2] =	sbarrier.arrive $0xFFFF  }
0x17b: {  	p0 =	sne.s32 s0, $0x0;
	s0 =	rddreg [dreg:$0x2]  }
0x17c: {  	s0 =	sadd.s32 @!p0 $0x100000, s0  }
0x17d: {  	[sflag:s0] =	ssyncadd.tile.s32 @!p0 $0x1;
	_ =	shalt  }
.Lfunc_end2:
_tile_overlayer_lowered:
.L_overlay_start_2:
0x17e: {  	(tag) =	ssettag $0x2  }
0x17f: {  	s0 =	rddreg [dreg:$0x0];
	s2 =	stileid.u32  }
0x180: {  	s1 =	rddreg [dreg:$0x1];
	p0 =	sne.s32 s2, $0x0  }
0x181: {  	s3 =	rddreg [dreg:$0x2];
	[bflag:$0x3] =	sbarrier.arrive $0xFFFF;
	s2 =	simm.s32 @!p0 $0x1C05  }
0x182: {  	[timem:s3], [sflag:s2] =	dma.local @!p0 [hbm:s0], s1  }
0x183: {  	s0 =	simm.s32 @!p0 $0x5  }
0x184: {  	_ =	swait.ge @!p0 [sflag:s0], s1  }
0x185: {  	s1 =	ssub.s32 @!p0 $0x0, s1;
	[sflag:s0] =	ssyncset.done @!p0 $0x0  }
0x186: {  	[sflag:s0] =	ssyncadd.s32 @!p0 s1  }
0x187: {  	[bflag:$0x3] =	sbarrier.arrive $0xFFFF  }
0x188: {  	_ =	shalt  }

</sc_bundles>
